<compile_context>
chip_gen: v7x
topology: tpu7x:2x2x1
jax: 0.10.2.dev20260603
libtpu: 0.0.44.dev20260713+nightly
codegen_flags: <defaults>
</compile_context>

<pallas_src>
import functools

import jax
import jax.numpy as jnp
from jax import lax
from jax.experimental import pallas as pl
from jax.experimental.pallas import tpu as pltpu
from jax.experimental.pallas import tpu_sc as plsc

N = 10000
NP = 10240
D = 128
E = 320000
NC = 2
NS = 16
NW = NC * NS
CHUNK = 96
EPW = 106
E_PAD = NW * EPW * CHUNK
ROWS_PER_TILE = NP // NS
BLK = 256


def _sc_body(want_deg, edges_hbm, table_hbm, zrows_hbm, zdeg_hbm,
             agg_out, deg_out, idx32, rows_v, ones_v, agg_sh, deg_sh,
             sem_a, sem_b):
  c = lax.axis_index("c")
  s = lax.axis_index("s")
  wid = s * NC + c
  tbase = s * ROWS_PER_TILE
  pltpu.sync_copy(zrows_hbm, agg_sh.at[pl.ds(tbase, ROWS_PER_TILE)])
  if want_deg:
    pltpu.sync_copy(zdeg_hbm, deg_sh.at[pl.ds(tbase, NP // NS)])
    for l in range(CHUNK // 16):
      ones_v[pl.ds(l * 16, 16)] = jnp.full((16,), 1.0, jnp.float32)
  pltpu.sync_copy(edges_hbm.at[wid], idx32)
  plsc.subcore_barrier()

  rows_a = rows_v.at[0]
  rows_b = rows_v.at[1]

  def gather(j, rv, sem):
    pltpu.async_copy(table_hbm.at[idx32.at[0, j]], rv, sem)

  def gwait(rv, sem):
    pltpu.make_async_copy(table_hbm.at[idx32.at[0, 0]], rv, sem).wait()

  def scatter(j, rv):
    pltpu.sync_copy(rv, agg_sh.at[idx32.at[1, j]], add=True)
    if want_deg:
      pltpu.sync_copy(ones_v, deg_sh.at[idx32.at[1, j]], add=True)

  gather(0, rows_a, sem_a)

  def pair(k, carry):
    j = 2 * k
    gwait(rows_a, sem_a)
    gather(j + 1, rows_b, sem_b)
    scatter(j, rows_a)
    gwait(rows_b, sem_b)
    gather(j + 2, rows_a, sem_a)
    scatter(j + 1, rows_b)
    return carry

  lax.fori_loop(0, EPW // 2 - 1, pair, 0)
  gwait(rows_a, sem_a)
  gather(EPW - 1, rows_b, sem_b)
  scatter(EPW - 2, rows_a)
  gwait(rows_b, sem_b)
  scatter(EPW - 1, rows_b)
  plsc.subcore_barrier()
  pltpu.sync_copy(agg_sh.at[pl.ds(tbase, ROWS_PER_TILE)],
                  agg_out.at[c, pl.ds(tbase, ROWS_PER_TILE)])
  if want_deg:
    pltpu.sync_copy(deg_sh.at[pl.ds(tbase, NP // NS)],
                    deg_out.at[c, pl.ds(tbase, NP // NS)])


@functools.lru_cache(maxsize=None)
def _make_sc(want_deg):
  out_type = [jax.ShapeDtypeStruct((NC, NP, D), jnp.float32),
              jax.ShapeDtypeStruct((NC, NP), jnp.float32)]
  mesh = plsc.VectorSubcoreMesh(core_axis_name="c", subcore_axis_name="s",
                                num_cores=NC, num_subcores=NS)
  scratch = [
      pltpu.VMEM((2, EPW, CHUNK), jnp.int32),
      pltpu.VMEM((2, CHUNK, D), jnp.float32),
      pltpu.VMEM((CHUNK,), jnp.float32),
      pltpu.VMEM_SHARED((NP, D), jnp.float32),
      pltpu.VMEM_SHARED((NP,), jnp.float32),
      pltpu.SemaphoreType.DMA,
      pltpu.SemaphoreType.DMA,
  ]
  return pl.kernel(functools.partial(_sc_body, want_deg), out_type=out_type,
                   mesh=mesh, scratch_types=scratch,
                   compiler_params=pltpu.CompilerParams(
                       use_tc_tiling_on_sc=False))


def _tc_layer12(a0, a1, dn, h, ctx, pt, wt, bt, out_ref):
  deg = jnp.sum(dn[...], axis=1, keepdims=True)
  rdeg = 1.0 / jnp.maximum(deg, 1.0)
  comb = (a0[...] + a1[...]) * rdeg + h[...]
  cx = ctx[...]
  c2 = jnp.sum(cx * cx, axis=1, keepdims=True)
  best = None
  sel = None
  for p in range(8):
    ptp = pt[p]
    cp = jnp.dot(cx, ptp, preferred_element_type=jnp.float32)
    p2 = jnp.sum(ptp * ptp, axis=0, keepdims=True)
    score = (c2 - 2.0 * cp) + p2
    if p == 0:
      best = score
      sel = jnp.zeros(score.shape, jnp.int32)
    else:
      m = score < best
      sel = jnp.where(m, p, sel)
      best = jnp.where(m, score, best)
  bias = bt[...]
  out = jnp.zeros(comb.shape, jnp.float32)
  for p in range(8):
    mm = jnp.dot(comb, wt[p], preferred_element_type=jnp.float32)
    out = out + jnp.where(sel == p, mm + bias[p:p + 1, :], 0.0)
  out_ref[...] = jnp.maximum(out, 0.0)


def _tc_layer3(a0, a1, dn, h, ctx, p2t, w2t, b2b, out_ref):
  deg = jnp.sum(dn[...], axis=1, keepdims=True)
  rdeg = 1.0 / jnp.maximum(deg, 1.0)
  comb = (a0[...] + a1[...]) * rdeg + h[...]
  cx = ctx[...]
  c2 = jnp.sum(cx * cx, axis=1, keepdims=True)
  pmat = p2t[...]
  cp = jnp.dot(cx, pmat, preferred_element_type=jnp.float32)
  p2 = jnp.sum(pmat * pmat, axis=0, keepdims=True)
  score = (c2 - 2.0 * cp) + p2
  best = score[:, 0:1]
  sel = jnp.zeros(best.shape, jnp.int32)
  for p in range(1, 8):
    sp = score[:, p:p + 1]
    m = sp < best
    sel = jnp.where(m, p, sel)
    best = jnp.where(m, sp, best)
  mm = jnp.dot(comb, w2t[...], preferred_element_type=jnp.float32) + b2b[0:1, :]
  idx8 = lax.broadcasted_iota(jnp.int32, mm.shape, 1)
  val = jnp.sum(jnp.where(idx8 == sel, mm, 0.0), axis=1, keepdims=True)
  sig = 1.0 / (1.0 + jnp.exp(-val))
  out_ref[...] = jnp.broadcast_to(sig, mm.shape)


def _node_spec(w):
  return pl.BlockSpec((BLK, w), lambda i: (i, 0))


def _full_spec(shape):
  nd = len(shape)
  return pl.BlockSpec(shape, lambda i, _nd=nd: (0,) * _nd)


_GRID = NP // BLK

_tc12_call = pl.pallas_call(
    _tc_layer12,
    grid=(_GRID,),
    in_specs=[_node_spec(D), _node_spec(D), _node_spec(NC),
              _node_spec(D), _node_spec(D),
              _full_spec((8, D, D)), _full_spec((8, D, D)), _full_spec((8, D))],
    out_specs=_node_spec(D),
    out_shape=jax.ShapeDtypeStruct((NP, D), jnp.float32),
)

_tc3_call = pl.pallas_call(
    _tc_layer3,
    grid=(_GRID,),
    in_specs=[_node_spec(D), _node_spec(D), _node_spec(NC),
              _node_spec(D), _node_spec(D),
              _full_spec((D, 8)), _full_spec((D, 8)), _full_spec((8, 8))],
    out_specs=_node_spec(8),
    out_shape=jax.ShapeDtypeStruct((NP, 8), jnp.float32),
)


@jax.jit
def kernel(x, edge_index, context, P0, W0, b0, P1, W1, b1, P2, W2, b2):
  src = edge_index[0]
  dst = edge_index[1]
  pad = E_PAD - E
  pad_idx = N + jnp.arange(pad, dtype=jnp.int32) % (NP - N)
  src3 = jnp.concatenate([src, pad_idx]).reshape(NW, EPW, CHUNK)
  dst3 = jnp.concatenate([dst, pad_idx]).reshape(NW, EPW, CHUNK)
  edges4 = jnp.stack([src3, dst3], axis=1)
  xp = jnp.pad(x, ((0, NP - N), (0, 0)))
  ctxp = jnp.pad(context, ((0, NP - N), (0, 0)))
  zrows = jnp.zeros((ROWS_PER_TILE, D), jnp.float32)
  zdeg = jnp.zeros((NP // NS,), jnp.float32)

  pt0 = jnp.transpose(P0, (1, 2, 0))
  wt0 = jnp.transpose(W0, (1, 2, 0))
  bt0 = b0.T
  pt1 = jnp.transpose(P1, (1, 2, 0))
  wt1 = jnp.transpose(W1, (1, 2, 0))
  bt1 = b1.T
  p2t = P2[0].T
  w2t = W2[0].T
  b2b = jnp.broadcast_to(b2.reshape(1, 8), (8, 8))

  agg1, degw = _make_sc(True)(edges4, xp, zrows, zdeg)
  dn = degw.T
  h1 = _tc12_call(agg1[0], agg1[1], dn, xp, ctxp, pt0, wt0, bt0)
  agg2, _ = _make_sc(False)(edges4, h1, zrows, zdeg)
  h2 = _tc12_call(agg2[0], agg2[1], dn, h1, ctxp, pt1, wt1, bt1)
  agg3, _ = _make_sc(False)(edges4, h2, zrows, zdeg)
  h3 = _tc3_call(agg3[0], agg3[1], dn, h2, ctxp, p2t, w2t, b2b)
  return (h1[:N], h2[:N], h3[:N, :1])

# --- scband reference (transcript-rebuilt; emitter-appended) ---
"""Pipeline reference for scband-mpclass-network-42271068127775 (READ-ONLY COPY).

The authoritative reference and input builder live on the scoring server;
editing this copy changes nothing except your own understanding.
"""

import jax, jax.numpy as jnp
import numpy as np

N = 10000
E = 320000
D_IN = 128
CTX = 128
HID = [128, 128]
N_PROTO = 8

def setup_inputs(seed: int = 0):
    key = jax.random.key(seed)
    ks = jax.random.split(key, 12)
    x = jax.random.normal(ks[0], (N, D_IN), dtype=jnp.float32)
    context = jax.random.normal(ks[1], (N, CTX), dtype=jnp.float32)
    edge_index = jax.random.randint(ks[2], (2, E), 0, N, dtype=jnp.int32)
    P0 = jax.random.normal(ks[3], (HID[0], N_PROTO, CTX), dtype=jnp.float32)
    W0 = jax.random.normal(ks[4], (HID[0], N_PROTO, D_IN), dtype=jnp.float32) * (1.0 / np.sqrt(D_IN))
    b0 = jnp.zeros((HID[0], N_PROTO), dtype=jnp.float32)
    P1 = jax.random.normal(ks[5], (HID[1], N_PROTO, CTX), dtype=jnp.float32)
    W1 = jax.random.normal(ks[6], (HID[1], N_PROTO, HID[0]), dtype=jnp.float32) * (1.0 / np.sqrt(HID[0]))
    b1 = jnp.zeros((HID[1], N_PROTO), dtype=jnp.float32)
    P2 = jax.random.normal(ks[7], (1, N_PROTO, CTX), dtype=jnp.float32)
    W2 = jax.random.normal(ks[8], (1, N_PROTO, HID[1]), dtype=jnp.float32) * (1.0 / np.sqrt(HID[1]))
    b2 = jnp.zeros((1, N_PROTO), dtype=jnp.float32)
    return {"x": x, "edge_index": edge_index, "context": context,
            "P0": P0, "W0": W0, "b0": b0,
            "P1": P1, "W1": W1, "b1": b1,
            "P2": P2, "W2": W2, "b2": b2}

def _mp_class_layer(h, context, src, dst, Pp, Wp, bp, last):
    # message passing: mean-aggregate neighbor features via gather + scatter-add
    msg = jnp.take(h, src, axis=0)
    agg = jax.ops.segment_sum(msg, dst, num_segments=N)
    deg = jax.ops.segment_sum(jnp.ones((src.shape[0],), dtype=h.dtype), dst, num_segments=N)
    agg = agg / jnp.maximum(deg, 1.0)[:, None]
    comb = agg + h
    # prototype-based gating: each neuron selects the weight bank of its nearest prototype in context space
    c2 = jnp.sum(context * context, axis=-1)[:, None, None]
    p2 = jnp.sum(Pp * Pp, axis=-1)[None, :, :]
    cp = jnp.einsum('nc,opc->nop', context, Pp)
    dist = c2 - 2.0 * cp + p2
    sel = jnp.argmin(dist, axis=-1)
    out_all = jnp.einsum('ni,opi->nop', comb, Wp) + bp[None, :, :]
    out = jnp.take_along_axis(out_all, sel[:, :, None], axis=-1)[..., 0]
    if last:
        return jax.nn.sigmoid(out)
    return jax.nn.relu(out)

def reference(x, edge_index, context, P0, W0, b0, P1, W1, b1, P2, W2, b2):
    src = edge_index[0]
    dst = edge_index[1]
    h1 = _mp_class_layer(x, context, src, dst, P0, W0, b0, False)
    h2 = _mp_class_layer(h1, context, src, dst, P1, W1, b1, False)
    h3 = _mp_class_layer(h2, context, src, dst, P2, W2, b2, True)
    # matches MPClassNetwork.forward: (layer_classification, h)
    return (h1, h2, h3)

if __name__ == "__main__":
    import jax
    _d = setup_inputs()
    print(jax.jit(kernel)(*tuple(_d.values())))

</pallas_src>

<mosaic_0001>
#map = affine_map<(d0, d1) -> (0, 0, 0, 0)>
#map1 = affine_map<(d0, d1) -> (0, 0)>
#map2 = affine_map<(d0, d1) -> (0)>
#map3 = affine_map<(d0, d1) -> (0, 0, 0)>
module attributes {stable_mosaic.version = 14 : i64} {
  func.func @_sc_body(%arg0: i32, %arg1: i32, %arg2: memref<32x2x106x96xi32, #tpu.memory_space<hbm>>, %arg3: memref<10240x128xf32, #tpu.memory_space<hbm>>, %arg4: memref<640x128xf32, #tpu.memory_space<hbm>>, %arg5: memref<640xf32, #tpu.memory_space<hbm>>, %arg6: memref<2x10240x128xf32, #tpu.memory_space<hbm>>, %arg7: memref<2x10240xf32, #tpu.memory_space<hbm>>, %arg8: memref<2x106x96xi32, #tpu.memory_space<vmem>>, %arg9: memref<2x96x128xf32, #tpu.memory_space<vmem>>, %arg10: memref<96xf32, #tpu.memory_space<vmem>>, %arg11: memref<10240x128xf32, #tpu.memory_space<vmem_shared>>, %arg12: memref<10240xf32, #tpu.memory_space<vmem_shared>>, %arg13: memref<!tpu.dma_semaphore, #tpu.memory_space<semaphore_mem>>, %arg14: memref<!tpu.dma_semaphore, #tpu.memory_space<semaphore_mem>>) attributes {dimension_semantics = [#tpu.dimension_semantics<core_parallel>, #tpu.dimension_semantics<subcore_parallel>], iteration_bounds = array<i64: 2, 16>, scalar_prefetch = 0 : i64, scratch_operands = 7 : i64, tpu.core_type = #tpu.core_type<sc_vector_subcore>, window_params = [{transform_indices = #map}, {transform_indices = #map1}, {transform_indices = #map1}, {transform_indices = #map2}, {transform_indices = #map3}, {transform_indices = #map1}]} {
    %mul3A = arith.constant 2 : i32
    %mul3A_0 = arith.muli %arg1, %mul3A : i32
    %add3A = arith.addi %mul3A_0, %arg0 : i32
    %mul3A_1 = arith.constant 640 : i32
    %mul3A_2 = arith.muli %arg1, %mul3A_1 : i32
    "tpu.region"() ({
      %run_scoped3A_66 = tpu.sem_alloc : memref<!tpu.dma_semaphore, #tpu.memory_space<semaphore_mem>>
      %dma_start3A_67 = arith.constant 0 : i32
      %dma_start3A_68 = tpu.memref_slice %arg11[%mul3A_2, %dma_start3A_67] : memref<10240x128xf32, #tpu.memory_space<vmem_shared>> -> memref<640x128xf32, #tpu.memory_space<vmem_shared>>
      tpu.enqueue_dma source(%arg4 : memref<640x128xf32, #tpu.memory_space<hbm>>) target(%dma_start3A_68 : memref<640x128xf32, #tpu.memory_space<vmem_shared>>) target_semaphore(%run_scoped3A_66 : memref<!tpu.dma_semaphore, #tpu.memory_space<semaphore_mem>>)
      %dma_wait3A_69 = arith.constant 0 : i32
      %dma_wait3A_70 = tpu.memref_slice %arg11[%mul3A_2, %dma_wait3A_69] : memref<10240x128xf32, #tpu.memory_space<vmem_shared>> -> memref<640x128xf32, #tpu.memory_space<vmem_shared>>
      tpu.wait_dma2 semaphore(%run_scoped3A_66 : memref<!tpu.dma_semaphore, #tpu.memory_space<semaphore_mem>>) src(%arg4 : memref<640x128xf32, #tpu.memory_space<hbm>>) dst(%dma_wait3A_70 : memref<640x128xf32, #tpu.memory_space<vmem_shared>>)
      tpu.yield
    }) : () -> ()
    "tpu.region"() ({
      %run_scoped3A_66 = tpu.sem_alloc : memref<!tpu.dma_semaphore, #tpu.memory_space<semaphore_mem>>
      %dma_start3A_67 = arith.constant 0 : i32
      %dma_start3A_68 = arith.constant 0 : i32
      %dma_start3A_69 = arith.constant 0 : i32
      %dma_start3A_70 = tpu.memref_slice %arg2[%add3A, %dma_start3A_67, %dma_start3A_68, %dma_start3A_69] : memref<32x2x106x96xi32, #tpu.memory_space<hbm>> -> memref<1x2x106x96xi32, #tpu.memory_space<hbm>>
      %dma_start3A_71 = tpu.memref_squeeze %dma_start3A_70 : memref<1x2x106x96xi32, #tpu.memory_space<hbm>> -> memref<2x106x96xi32, #tpu.memory_space<hbm>>
      %dma_start3A_72 = arith.constant 0 : i32
      %dma_start3A_73 = arith.constant 0 : i32
      %dma_start3A_74 = arith.constant 0 : i32
      %dma_start3A_75 = tpu.memref_slice %arg2[%add3A, %dma_start3A_72, %dma_start3A_73, %dma_start3A_74] : memref<32x2x106x96xi32, #tpu.memory_space<hbm>> -> memref<1x2x106x96xi32, #tpu.memory_space<hbm>>
      %dma_start3A_76 = tpu.memref_squeeze %dma_start3A_75 : memref<1x2x106x96xi32, #tpu.memory_space<hbm>> -> memref<2x106x96xi32, #tpu.memory_space<hbm>>
      tpu.enqueue_dma source(%dma_start3A_76 : memref<2x106x96xi32, #tpu.memory_space<hbm>>) target(%arg8 : memref<2x106x96xi32, #tpu.memory_space<vmem>>) target_semaphore(%run_scoped3A_66 : memref<!tpu.dma_semaphore, #tpu.memory_space<semaphore_mem>>)
      %dma_wait3A_77 = arith.constant 0 : i32
      %dma_wait3A_78 = arith.constant 0 : i32
      %dma_wait3A_79 = arith.constant 0 : i32
      %dma_wait3A_80 = tpu.memref_slice %arg2[%add3A, %dma_wait3A_77, %dma_wait3A_78, %dma_wait3A_79] : memref<32x2x106x96xi32, #tpu.memory_space<hbm>> -> memref<1x2x106x96xi32, #tpu.memory_space<hbm>>
      %dma_wait3A_81 = tpu.memref_squeeze %dma_wait3A_80 : memref<1x2x106x96xi32, #tpu.memory_space<hbm>> -> memref<2x106x96xi32, #tpu.memory_space<hbm>>
      %dma_wait3A_82 = arith.constant 0 : i32
      %dma_wait3A_83 = arith.constant 0 : i32
      %dma_wait3A_84 = arith.constant 0 : i32
      %dma_wait3A_85 = tpu.memref_slice %arg2[%add3A, %dma_wait3A_82, %dma_wait3A_83, %dma_wait3A_84] : memref<32x2x106x96xi32, #tpu.memory_space<hbm>> -> memref<1x2x106x96xi32, #tpu.memory_space<hbm>>
      %dma_wait3A_86 = tpu.memref_squeeze %dma_wait3A_85 : memref<1x2x106x96xi32, #tpu.memory_space<hbm>> -> memref<2x106x96xi32, #tpu.memory_space<hbm>>
      tpu.wait_dma2 semaphore(%run_scoped3A_66 : memref<!tpu.dma_semaphore, #tpu.memory_space<semaphore_mem>>) src(%dma_wait3A_86 : memref<2x106x96xi32, #tpu.memory_space<hbm>>) dst(%arg8 : memref<2x106x96xi32, #tpu.memory_space<vmem>>)
      tpu.yield
    }) : () -> ()
    %barrier3A = arith.constant 0 : index
    tpu.barrier barrier_id(%barrier3A)
    %dma_start3A = arith.constant 0 : i32
    %dma_start3A_3 = arith.constant 0 : i32
    %dma_start3A_4 = arith.constant 0 : i32
    %dma_start3A_5 = arith.constant 0 : i32
    %dma_start3A_6 = arith.constant 0 : i32
    %dma_start3A_7 = tpu.memref_slice %arg9[%dma_start3A_4, %dma_start3A_5, %dma_start3A_6] : memref<2x96x128xf32, #tpu.memory_space<vmem>> -> memref<1x96x128xf32, #tpu.memory_space<vmem>>
    %dma_start3A_8 = tpu.memref_squeeze %dma_start3A_7 : memref<1x96x128xf32, #tpu.memory_space<vmem>> -> memref<96x128xf32, #tpu.memory_space<vmem>>
    %dma_start3A_9 = arith.constant 0 : i32
    %dma_start3A_10 = tpu.memref_slice %arg8[%dma_start3A, %dma_start3A_3, %dma_start3A_9] : memref<2x106x96xi32, #tpu.memory_space<vmem>> -> memref<1x1x96xi32, #tpu.memory_space<vmem>>
    %dma_start3A_11 = tpu.memref_squeeze %dma_start3A_10 : memref<1x1x96xi32, #tpu.memory_space<vmem>> -> memref<96xi32, #tpu.memory_space<vmem>>
    %dma_start3A_12 = arith.constant 0 : i32
    %dma_start3A_13 = arith.constant 0 : i32
    %dma_start3A_14 = tpu.memref_slice %arg3[%dma_start3A_12, %dma_start3A_13] : memref<10240x128xf32, #tpu.memory_space<hbm>> -> memref<10240x128xf32, #tpu.memory_space<hbm>>
    tpu.enqueue_indirect_dma source(%dma_start3A_14 : memref<10240x128xf32, #tpu.memory_space<hbm>>) target(%dma_start3A_8 : memref<96x128xf32, #tpu.memory_space<vmem>>) offsets(%dma_start3A_11 : memref<96xi32, #tpu.memory_space<vmem>>) semaphore(%arg13 : memref<!tpu.dma_semaphore, #tpu.memory_space<semaphore_mem>>)
    %scan3A = arith.constant 0 : i32
    %scan3A_15 = arith.constant 0 : i32
    %scan3A_16 = arith.constant 1 : i32
    %scan3A_17 = arith.constant 0 : i32
    %scan3A_18 = arith.constant 52 : i32
    %scan3A_19 = arith.addi %scan3A_17, %scan3A_18 : i32
    %scan3A_20 = arith.constant 1 : i32
    scf.for %scan3A_66 = %scan3A_17 to %scan3A_19 step %scan3A_20  : i32 {
      %mul3A_67 = arith.constant 2 : i32
      %mul3A_68 = arith.muli %mul3A_67, %scan3A_66 : i32
      %dma_wait3A_69 = arith.constant 0 : i32
      %dma_wait3A_70 = arith.constant 0 : i32
      %dma_wait3A_71 = arith.constant 0 : i32
      %dma_wait3A_72 = arith.constant 0 : i32
      %dma_wait3A_73 = tpu.memref_slice %arg9[%scan3A_15, %dma_wait3A_71, %dma_wait3A_72] : memref<2x96x128xf32, #tpu.memory_space<vmem>> -> memref<1x96x128xf32, #tpu.memory_space<vmem>>
      %dma_wait3A_74 = tpu.memref_squeeze %dma_wait3A_73 : memref<1x96x128xf32, #tpu.memory_space<vmem>> -> memref<96x128xf32, #tpu.memory_space<vmem>>
      %dma_wait3A_75 = arith.constant 0 : i32
      %dma_wait3A_76 = tpu.memref_slice %arg8[%dma_wait3A_69, %dma_wait3A_70, %dma_wait3A_75] : memref<2x106x96xi32, #tpu.memory_space<vmem>> -> memref<1x1x96xi32, #tpu.memory_space<vmem>>
      %dma_wait3A_77 = tpu.memref_squeeze %dma_wait3A_76 : memref<1x1x96xi32, #tpu.memory_space<vmem>> -> memref<96xi32, #tpu.memory_space<vmem>>
      %dma_wait3A_78 = arith.constant 0 : i32
      %dma_wait3A_79 = arith.constant 0 : i32
      %dma_wait3A_80 = tpu.memref_slice %arg3[%dma_wait3A_78, %dma_wait3A_79] : memref<10240x128xf32, #tpu.memory_space<hbm>> -> memref<10240x128xf32, #tpu.memory_space<hbm>>
      tpu.wait_indirect_dma semaphore(%arg13 : memref<!tpu.dma_semaphore, #tpu.memory_space<semaphore_mem>>) src(%dma_wait3A_80 : memref<10240x128xf32, #tpu.memory_space<hbm>>) dst(%dma_wait3A_74 : memref<96x128xf32, #tpu.memory_space<vmem>>)
      %add3A_81 = arith.constant 1 : i32
      %add3A_82 = arith.addi %mul3A_68, %add3A_81 : i32
      %dma_start3A_83 = arith.constant 0 : i32
      %dma_start3A_84 = arith.constant 0 : i32
      %dma_start3A_85 = arith.constant 0 : i32
      %dma_start3A_86 = tpu.memref_slice %arg9[%scan3A_16, %dma_start3A_84, %dma_start3A_85] : memref<2x96x128xf32, #tpu.memory_space<vmem>> -> memref<1x96x128xf32, #tpu.memory_space<vmem>>
      %dma_start3A_87 = tpu.memref_squeeze %dma_start3A_86 : memref<1x96x128xf32, #tpu.memory_space<vmem>> -> memref<96x128xf32, #tpu.memory_space<vmem>>
      %dma_start3A_88 = arith.constant 0 : i32
      %dma_start3A_89 = tpu.memref_slice %arg8[%dma_start3A_83, %add3A_82, %dma_start3A_88] : memref<2x106x96xi32, #tpu.memory_space<vmem>> -> memref<1x1x96xi32, #tpu.memory_space<vmem>>
      %dma_start3A_90 = tpu.memref_squeeze %dma_start3A_89 : memref<1x1x96xi32, #tpu.memory_space<vmem>> -> memref<96xi32, #tpu.memory_space<vmem>>
      %dma_start3A_91 = arith.constant 0 : i32
      %dma_start3A_92 = arith.constant 0 : i32
      %dma_start3A_93 = tpu.memref_slice %arg3[%dma_start3A_91, %dma_start3A_92] : memref<10240x128xf32, #tpu.memory_space<hbm>> -> memref<10240x128xf32, #tpu.memory_space<hbm>>
      tpu.enqueue_indirect_dma source(%dma_start3A_93 : memref<10240x128xf32, #tpu.memory_space<hbm>>) target(%dma_start3A_87 : memref<96x128xf32, #tpu.memory_space<vmem>>) offsets(%dma_start3A_90 : memref<96xi32, #tpu.memory_space<vmem>>) semaphore(%arg14 : memref<!tpu.dma_semaphore, #tpu.memory_space<semaphore_mem>>)
      %run_scoped3A_94 = arith.constant 1 : i32
      "tpu.region"() ({
        %run_scoped3A_123 = tpu.sem_alloc : memref<!tpu.dma_semaphore, #tpu.memory_space<semaphore_mem>>
        %dma_start3A_124 = arith.constant 0 : i32
        %dma_start3A_125 = arith.constant 0 : i32
        %dma_start3A_126 = tpu.memref_slice %arg9[%scan3A_15, %dma_start3A_124, %dma_start3A_125] : memref<2x96x128xf32, #tpu.memory_space<vmem>> -> memref<1x96x128xf32, #tpu.memory_space<vmem>>
        %dma_start3A_127 = tpu.memref_squeeze %dma_start3A_126 : memref<1x96x128xf32, #tpu.memory_space<vmem>> -> memref<96x128xf32, #tpu.memory_space<vmem>>
        %dma_start3A_128 = arith.constant 0 : i32
        %dma_start3A_129 = tpu.memref_slice %arg8[%run_scoped3A_94, %mul3A_68, %dma_start3A_128] : memref<2x106x96xi32, #tpu.memory_space<vmem>> -> memref<1x1x96xi32, #tpu.memory_space<vmem>>
        %dma_start3A_130 = tpu.memref_squeeze %dma_start3A_129 : memref<1x1x96xi32, #tpu.memory_space<vmem>> -> memref<96xi32, #tpu.memory_space<vmem>>
        %dma_start3A_131 = arith.constant 0 : i32
        %dma_start3A_132 = arith.constant 0 : i32
        %dma_start3A_133 = tpu.memref_slice %arg11[%dma_start3A_131, %dma_start3A_132] : memref<10240x128xf32, #tpu.memory_space<vmem_shared>> -> memref<10240x128xf32, #tpu.memory_space<vmem_shared>>
        tpu.enqueue_indirect_dma source(%dma_start3A_127 : memref<96x128xf32, #tpu.memory_space<vmem>>) target(%dma_start3A_133 : memref<10240x128xf32, #tpu.memory_space<vmem_shared>>) offsets(%dma_start3A_130 : memref<96xi32, #tpu.memory_space<vmem>>) semaphore(%run_scoped3A_123 : memref<!tpu.dma_semaphore, #tpu.memory_space<semaphore_mem>>) {add = true}
        %dma_wait3A_134 = arith.constant 0 : i32
        %dma_wait3A_135 = arith.constant 0 : i32
        %dma_wait3A_136 = tpu.memref_slice %arg9[%scan3A_15, %dma_wait3A_134, %dma_wait3A_135] : memref<2x96x128xf32, #tpu.memory_space<vmem>> -> memref<1x96x128xf32, #tpu.memory_space<vmem>>
        %dma_wait3A_137 = tpu.memref_squeeze %dma_wait3A_136 : memref<1x96x128xf32, #tpu.memory_space<vmem>> -> memref<96x128xf32, #tpu.memory_space<vmem>>
        %dma_wait3A_138 = arith.constant 0 : i32
        %dma_wait3A_139 = tpu.memref_slice %arg8[%run_scoped3A_94, %mul3A_68, %dma_wait3A_138] : memref<2x106x96xi32, #tpu.memory_space<vmem>> -> memref<1x1x96xi32, #tpu.memory_space<vmem>>
        %dma_wait3A_140 = tpu.memref_squeeze %dma_wait3A_139 : memref<1x1x96xi32, #tpu.memory_space<vmem>> -> memref<96xi32, #tpu.memory_space<vmem>>
        %dma_wait3A_141 = arith.constant 0 : i32
        %dma_wait3A_142 = arith.constant 0 : i32
        %dma_wait3A_143 = tpu.memref_slice %arg11[%dma_wait3A_141, %dma_wait3A_142] : memref<10240x128xf32, #tpu.memory_space<vmem_shared>> -> memref<10240x128xf32, #tpu.memory_space<vmem_shared>>
        tpu.wait_indirect_dma semaphore(%run_scoped3A_123 : memref<!tpu.dma_semaphore, #tpu.memory_space<semaphore_mem>>) src(%dma_wait3A_137 : memref<96x128xf32, #tpu.memory_space<vmem>>) dst(%dma_wait3A_143 : memref<10240x128xf32, #tpu.memory_space<vmem_shared>>)
        tpu.yield
      }) : () -> ()
      %dma_wait3A_95 = arith.constant 0 : i32
      %dma_wait3A_96 = arith.constant 0 : i32
      %dma_wait3A_97 = arith.constant 0 : i32
      %dma_wait3A_98 = arith.constant 0 : i32
      %dma_wait3A_99 = tpu.memref_slice %arg9[%scan3A_16, %dma_wait3A_97, %dma_wait3A_98] : memref<2x96x128xf32, #tpu.memory_space<vmem>> -> memref<1x96x128xf32, #tpu.memory_space<vmem>>
      %dma_wait3A_100 = tpu.memref_squeeze %dma_wait3A_99 : memref<1x96x128xf32, #tpu.memory_space<vmem>> -> memref<96x128xf32, #tpu.memory_space<vmem>>
      %dma_wait3A_101 = arith.constant 0 : i32
      %dma_wait3A_102 = tpu.memref_slice %arg8[%dma_wait3A_95, %dma_wait3A_96, %dma_wait3A_101] : memref<2x106x96xi32, #tpu.memory_space<vmem>> -> memref<1x1x96xi32, #tpu.memory_space<vmem>>
      %dma_wait3A_103 = tpu.memref_squeeze %dma_wait3A_102 : memref<1x1x96xi32, #tpu.memory_space<vmem>> -> memref<96xi32, #tpu.memory_space<vmem>>
      %dma_wait3A_104 = arith.constant 0 : i32
      %dma_wait3A_105 = arith.constant 0 : i32
      %dma_wait3A_106 = tpu.memref_slice %arg3[%dma_wait3A_104, %dma_wait3A_105] : memref<10240x128xf32, #tpu.memory_space<hbm>> -> memref<10240x128xf32, #tpu.memory_space<hbm>>
      tpu.wait_indirect_dma semaphore(%arg14 : memref<!tpu.dma_semaphore, #tpu.memory_space<semaphore_mem>>) src(%dma_wait3A_106 : memref<10240x128xf32, #tpu.memory_space<hbm>>) dst(%dma_wait3A_100 : memref<96x128xf32, #tpu.memory_space<vmem>>)
      %add3A_107 = arith.constant 2 : i32
      %add3A_108 = arith.addi %mul3A_68, %add3A_107 : i32
      %dma_start3A_109 = arith.constant 0 : i32
      %dma_start3A_110 = arith.constant 0 : i32
      %dma_start3A_111 = arith.constant 0 : i32
      %dma_start3A_112 = tpu.memref_slice %arg9[%scan3A_15, %dma_start3A_110, %dma_start3A_111] : memref<2x96x128xf32, #tpu.memory_space<vmem>> -> memref<1x96x128xf32, #tpu.memory_space<vmem>>
      %dma_start3A_113 = tpu.memref_squeeze %dma_start3A_112 : memref<1x96x128xf32, #tpu.memory_space<vmem>> -> memref<96x128xf32, #tpu.memory_space<vmem>>
      %dma_start3A_114 = arith.constant 0 : i32
      %dma_start3A_115 = tpu.memref_slice %arg8[%dma_start3A_109, %add3A_108, %dma_start3A_114] : memref<2x106x96xi32, #tpu.memory_space<vmem>> -> memref<1x1x96xi32, #tpu.memory_space<vmem>>
      %dma_start3A_116 = tpu.memref_squeeze %dma_start3A_115 : memref<1x1x96xi32, #tpu.memory_space<vmem>> -> memref<96xi32, #tpu.memory_space<vmem>>
      %dma_start3A_117 = arith.constant 0 : i32
      %dma_start3A_118 = arith.constant 0 : i32
      %dma_start3A_119 = tpu.memref_slice %arg3[%dma_start3A_117, %dma_start3A_118] : memref<10240x128xf32, #tpu.memory_space<hbm>> -> memref<10240x128xf32, #tpu.memory_space<hbm>>
      tpu.enqueue_indirect_dma source(%dma_start3A_119 : memref<10240x128xf32, #tpu.memory_space<hbm>>) target(%dma_start3A_113 : memref<96x128xf32, #tpu.memory_space<vmem>>) offsets(%dma_start3A_116 : memref<96xi32, #tpu.memory_space<vmem>>) semaphore(%arg13 : memref<!tpu.dma_semaphore, #tpu.memory_space<semaphore_mem>>)
      %add3A_120 = arith.constant 1 : i32
      %add3A_121 = arith.addi %mul3A_68, %add3A_120 : i32
      %run_scoped3A_122 = arith.constant 1 : i32
      "tpu.region"() ({
        %run_scoped3A_123 = tpu.sem_alloc : memref<!tpu.dma_semaphore, #tpu.memory_space<semaphore_mem>>
        %dma_start3A_124 = arith.constant 0 : i32
        %dma_start3A_125 = arith.constant 0 : i32
        %dma_start3A_126 = tpu.memref_slice %arg9[%scan3A_16, %dma_start3A_124, %dma_start3A_125] : memref<2x96x128xf32, #tpu.memory_space<vmem>> -> memref<1x96x128xf32, #tpu.memory_space<vmem>>
        %dma_start3A_127 = tpu.memref_squeeze %dma_start3A_126 : memref<1x96x128xf32, #tpu.memory_space<vmem>> -> memref<96x128xf32, #tpu.memory_space<vmem>>
        %dma_start3A_128 = arith.constant 0 : i32
        %dma_start3A_129 = tpu.memref_slice %arg8[%run_scoped3A_122, %add3A_121, %dma_start3A_128] : memref<2x106x96xi32, #tpu.memory_space<vmem>> -> memref<1x1x96xi32, #tpu.memory_space<vmem>>
        %dma_start3A_130 = tpu.memref_squeeze %dma_start3A_129 : memref<1x1x96xi32, #tpu.memory_space<vmem>> -> memref<96xi32, #tpu.memory_space<vmem>>
        %dma_start3A_131 = arith.constant 0 : i32
        %dma_start3A_132 = arith.constant 0 : i32
        %dma_start3A_133 = tpu.memref_slice %arg11[%dma_start3A_131, %dma_start3A_132] : memref<10240x128xf32, #tpu.memory_space<vmem_shared>> -> memref<10240x128xf32, #tpu.memory_space<vmem_shared>>
        tpu.enqueue_indirect_dma source(%dma_start3A_127 : memref<96x128xf32, #tpu.memory_space<vmem>>) target(%dma_start3A_133 : memref<10240x128xf32, #tpu.memory_space<vmem_shared>>) offsets(%dma_start3A_130 : memref<96xi32, #tpu.memory_space<vmem>>) semaphore(%run_scoped3A_123 : memref<!tpu.dma_semaphore, #tpu.memory_space<semaphore_mem>>) {add = true}
        %dma_wait3A_134 = arith.constant 0 : i32
        %dma_wait3A_135 = arith.constant 0 : i32
        %dma_wait3A_136 = tpu.memref_slice %arg9[%scan3A_16, %dma_wait3A_134, %dma_wait3A_135] : memref<2x96x128xf32, #tpu.memory_space<vmem>> -> memref<1x96x128xf32, #tpu.memory_space<vmem>>
        %dma_wait3A_137 = tpu.memref_squeeze %dma_wait3A_136 : memref<1x96x128xf32, #tpu.memory_space<vmem>> -> memref<96x128xf32, #tpu.memory_space<vmem>>
        %dma_wait3A_138 = arith.constant 0 : i32
        %dma_wait3A_139 = tpu.memref_slice %arg8[%run_scoped3A_122, %add3A_121, %dma_wait3A_138] : memref<2x106x96xi32, #tpu.memory_space<vmem>> -> memref<1x1x96xi32, #tpu.memory_space<vmem>>
        %dma_wait3A_140 = tpu.memref_squeeze %dma_wait3A_139 : memref<1x1x96xi32, #tpu.memory_space<vmem>> -> memref<96xi32, #tpu.memory_space<vmem>>
        %dma_wait3A_141 = arith.constant 0 : i32
        %dma_wait3A_142 = arith.constant 0 : i32
        %dma_wait3A_143 = tpu.memref_slice %arg11[%dma_wait3A_141, %dma_wait3A_142] : memref<10240x128xf32, #tpu.memory_space<vmem_shared>> -> memref<10240x128xf32, #tpu.memory_space<vmem_shared>>
        tpu.wait_indirect_dma semaphore(%run_scoped3A_123 : memref<!tpu.dma_semaphore, #tpu.memory_space<semaphore_mem>>) src(%dma_wait3A_137 : memref<96x128xf32, #tpu.memory_space<vmem>>) dst(%dma_wait3A_143 : memref<10240x128xf32, #tpu.memory_space<vmem_shared>>)
        tpu.yield
      }) : () -> ()
    }
    %scan3A_21 = arith.constant 52 : i32
    %dma_wait3A = arith.constant 0 : i32
    %dma_wait3A_22 = arith.constant 0 : i32
    %dma_wait3A_23 = arith.constant 0 : i32
    %dma_wait3A_24 = arith.constant 0 : i32
    %dma_wait3A_25 = arith.constant 0 : i32
    %dma_wait3A_26 = tpu.memref_slice %arg9[%dma_wait3A_23, %dma_wait3A_24, %dma_wait3A_25] : memref<2x96x128xf32, #tpu.memory_space<vmem>> -> memref<1x96x128xf32, #tpu.memory_space<vmem>>
    %dma_wait3A_27 = tpu.memref_squeeze %dma_wait3A_26 : memref<1x96x128xf32, #tpu.memory_space<vmem>> -> memref<96x128xf32, #tpu.memory_space<vmem>>
    %dma_wait3A_28 = arith.constant 0 : i32
    %dma_wait3A_29 = tpu.memref_slice %arg8[%dma_wait3A, %dma_wait3A_22, %dma_wait3A_28] : memref<2x106x96xi32, #tpu.memory_space<vmem>> -> memref<1x1x96xi32, #tpu.memory_space<vmem>>
    %dma_wait3A_30 = tpu.memref_squeeze %dma_wait3A_29 : memref<1x1x96xi32, #tpu.memory_space<vmem>> -> memref<96xi32, #tpu.memory_space<vmem>>
    %dma_wait3A_31 = arith.constant 0 : i32
    %dma_wait3A_32 = arith.constant 0 : i32
    %dma_wait3A_33 = tpu.memref_slice %arg3[%dma_wait3A_31, %dma_wait3A_32] : memref<10240x128xf32, #tpu.memory_space<hbm>> -> memref<10240x128xf32, #tpu.memory_space<hbm>>
    tpu.wait_indirect_dma semaphore(%arg13 : memref<!tpu.dma_semaphore, #tpu.memory_space<semaphore_mem>>) src(%dma_wait3A_33 : memref<10240x128xf32, #tpu.memory_space<hbm>>) dst(%dma_wait3A_27 : memref<96x128xf32, #tpu.memory_space<vmem>>)
    %dma_start3A_34 = arith.constant 0 : i32
    %dma_start3A_35 = arith.constant 105 : i32
    %dma_start3A_36 = arith.constant 1 : i32
    %dma_start3A_37 = arith.constant 0 : i32
    %dma_start3A_38 = arith.constant 0 : i32
    %dma_start3A_39 = tpu.memref_slice %arg9[%dma_start3A_36, %dma_start3A_37, %dma_start3A_38] : memref<2x96x128xf32, #tpu.memory_space<vmem>> -> memref<1x96x128xf32, #tpu.memory_space<vmem>>
    %dma_start3A_40 = tpu.memref_squeeze %dma_start3A_39 : memref<1x96x128xf32, #tpu.memory_space<vmem>> -> memref<96x128xf32, #tpu.memory_space<vmem>>
    %dma_start3A_41 = arith.constant 0 : i32
    %dma_start3A_42 = tpu.memref_slice %arg8[%dma_start3A_34, %dma_start3A_35, %dma_start3A_41] : memref<2x106x96xi32, #tpu.memory_space<vmem>> -> memref<1x1x96xi32, #tpu.memory_space<vmem>>
    %dma_start3A_43 = tpu.memref_squeeze %dma_start3A_42 : memref<1x1x96xi32, #tpu.memory_space<vmem>> -> memref<96xi32, #tpu.memory_space<vmem>>
    %dma_start3A_44 = arith.constant 0 : i32
    %dma_start3A_45 = arith.constant 0 : i32
    %dma_start3A_46 = tpu.memref_slice %arg3[%dma_start3A_44, %dma_start3A_45] : memref<10240x128xf32, #tpu.memory_space<hbm>> -> memref<10240x128xf32, #tpu.memory_space<hbm>>
    tpu.enqueue_indirect_dma source(%dma_start3A_46 : memref<10240x128xf32, #tpu.memory_space<hbm>>) target(%dma_start3A_40 : memref<96x128xf32, #tpu.memory_space<vmem>>) offsets(%dma_start3A_43 : memref<96xi32, #tpu.memory_space<vmem>>) semaphore(%arg14 : memref<!tpu.dma_semaphore, #tpu.memory_space<semaphore_mem>>)
    %run_scoped3A = arith.constant 0 : i32
    %run_scoped3A_47 = arith.constant 1 : i32
    %run_scoped3A_48 = arith.constant 104 : i32
    "tpu.region"() ({
      %run_scoped3A_66 = tpu.sem_alloc : memref<!tpu.dma_semaphore, #tpu.memory_space<semaphore_mem>>
      %dma_start3A_67 = arith.constant 0 : i32
      %dma_start3A_68 = arith.constant 0 : i32
      %dma_start3A_69 = tpu.memref_slice %arg9[%run_scoped3A, %dma_start3A_67, %dma_start3A_68] : memref<2x96x128xf32, #tpu.memory_space<vmem>> -> memref<1x96x128xf32, #tpu.memory_space<vmem>>
      %dma_start3A_70 = tpu.memref_squeeze %dma_start3A_69 : memref<1x96x128xf32, #tpu.memory_space<vmem>> -> memref<96x128xf32, #tpu.memory_space<vmem>>
      %dma_start3A_71 = arith.constant 0 : i32
      %dma_start3A_72 = tpu.memref_slice %arg8[%run_scoped3A_47, %run_scoped3A_48, %dma_start3A_71] : memref<2x106x96xi32, #tpu.memory_space<vmem>> -> memref<1x1x96xi32, #tpu.memory_space<vmem>>
      %dma_start3A_73 = tpu.memref_squeeze %dma_start3A_72 : memref<1x1x96xi32, #tpu.memory_space<vmem>> -> memref<96xi32, #tpu.memory_space<vmem>>
      %dma_start3A_74 = arith.constant 0 : i32
      %dma_start3A_75 = arith.constant 0 : i32
      %dma_start3A_76 = tpu.memref_slice %arg11[%dma_start3A_74, %dma_start3A_75] : memref<10240x128xf32, #tpu.memory_space<vmem_shared>> -> memref<10240x128xf32, #tpu.memory_space<vmem_shared>>
      tpu.enqueue_indirect_dma source(%dma_start3A_70 : memref<96x128xf32, #tpu.memory_space<vmem>>) target(%dma_start3A_76 : memref<10240x128xf32, #tpu.memory_space<vmem_shared>>) offsets(%dma_start3A_73 : memref<96xi32, #tpu.memory_space<vmem>>) semaphore(%run_scoped3A_66 : memref<!tpu.dma_semaphore, #tpu.memory_space<semaphore_mem>>) {add = true}
      %dma_wait3A_77 = arith.constant 0 : i32
      %dma_wait3A_78 = arith.constant 0 : i32
      %dma_wait3A_79 = tpu.memref_slice %arg9[%run_scoped3A, %dma_wait3A_77, %dma_wait3A_78] : memref<2x96x128xf32, #tpu.memory_space<vmem>> -> memref<1x96x128xf32, #tpu.memory_space<vmem>>
      %dma_wait3A_80 = tpu.memref_squeeze %dma_wait3A_79 : memref<1x96x128xf32, #tpu.memory_space<vmem>> -> memref<96x128xf32, #tpu.memory_space<vmem>>
      %dma_wait3A_81 = arith.constant 0 : i32
      %dma_wait3A_82 = tpu.memref_slice %arg8[%run_scoped3A_47, %run_scoped3A_48, %dma_wait3A_81] : memref<2x106x96xi32, #tpu.memory_space<vmem>> -> memref<1x1x96xi32, #tpu.memory_space<vmem>>
      %dma_wait3A_83 = tpu.memref_squeeze %dma_wait3A_82 : memref<1x1x96xi32, #tpu.memory_space<vmem>> -> memref<96xi32, #tpu.memory_space<vmem>>
      %dma_wait3A_84 = arith.constant 0 : i32
      %dma_wait3A_85 = arith.constant 0 : i32
      %dma_wait3A_86 = tpu.memref_slice %arg11[%dma_wait3A_84, %dma_wait3A_85] : memref<10240x128xf32, #tpu.memory_space<vmem_shared>> -> memref<10240x128xf32, #tpu.memory_space<vmem_shared>>
      tpu.wait_indirect_dma semaphore(%run_scoped3A_66 : memref<!tpu.dma_semaphore, #tpu.memory_space<semaphore_mem>>) src(%dma_wait3A_80 : memref<96x128xf32, #tpu.memory_space<vmem>>) dst(%dma_wait3A_86 : memref<10240x128xf32, #tpu.memory_space<vmem_shared>>)
      tpu.yield
    }) : () -> ()
    %dma_wait3A_49 = arith.constant 0 : i32
    %dma_wait3A_50 = arith.constant 0 : i32
    %dma_wait3A_51 = arith.constant 1 : i32
    %dma_wait3A_52 = arith.constant 0 : i32
    %dma_wait3A_53 = arith.constant 0 : i32
    %dma_wait3A_54 = tpu.memref_slice %arg9[%dma_wait3A_51, %dma_wait3A_52, %dma_wait3A_53] : memref<2x96x128xf32, #tpu.memory_space<vmem>> -> memref<1x96x128xf32, #tpu.memory_space<vmem>>
    %dma_wait3A_55 = tpu.memref_squeeze %dma_wait3A_54 : memref<1x96x128xf32, #tpu.memory_space<vmem>> -> memref<96x128xf32, #tpu.memory_space<vmem>>
    %dma_wait3A_56 = arith.constant 0 : i32
    %dma_wait3A_57 = tpu.memref_slice %arg8[%dma_wait3A_49, %dma_wait3A_50, %dma_wait3A_56] : memref<2x106x96xi32, #tpu.memory_space<vmem>> -> memref<1x1x96xi32, #tpu.memory_space<vmem>>
    %dma_wait3A_58 = tpu.memref_squeeze %dma_wait3A_57 : memref<1x1x96xi32, #tpu.memory_space<vmem>> -> memref<96xi32, #tpu.memory_space<vmem>>
    %dma_wait3A_59 = arith.constant 0 : i32
    %dma_wait3A_60 = arith.constant 0 : i32
    %dma_wait3A_61 = tpu.memref_slice %arg3[%dma_wait3A_59, %dma_wait3A_60] : memref<10240x128xf32, #tpu.memory_space<hbm>> -> memref<10240x128xf32, #tpu.memory_space<hbm>>
    tpu.wait_indirect_dma semaphore(%arg14 : memref<!tpu.dma_semaphore, #tpu.memory_space<semaphore_mem>>) src(%dma_wait3A_61 : memref<10240x128xf32, #tpu.memory_space<hbm>>) dst(%dma_wait3A_55 : memref<96x128xf32, #tpu.memory_space<vmem>>)
    %run_scoped3A_62 = arith.constant 1 : i32
    %run_scoped3A_63 = arith.constant 1 : i32
    %run_scoped3A_64 = arith.constant 105 : i32
    "tpu.region"() ({
      %run_scoped3A_66 = tpu.sem_alloc : memref<!tpu.dma_semaphore, #tpu.memory_space<semaphore_mem>>
      %dma_start3A_67 = arith.constant 0 : i32
      %dma_start3A_68 = arith.constant 0 : i32
      %dma_start3A_69 = tpu.memref_slice %arg9[%run_scoped3A_62, %dma_start3A_67, %dma_start3A_68] : memref<2x96x128xf32, #tpu.memory_space<vmem>> -> memref<1x96x128xf32, #tpu.memory_space<vmem>>
      %dma_start3A_70 = tpu.memref_squeeze %dma_start3A_69 : memref<1x96x128xf32, #tpu.memory_space<vmem>> -> memref<96x128xf32, #tpu.memory_space<vmem>>
      %dma_start3A_71 = arith.constant 0 : i32
      %dma_start3A_72 = tpu.memref_slice %arg8[%run_scoped3A_63, %run_scoped3A_64, %dma_start3A_71] : memref<2x106x96xi32, #tpu.memory_space<vmem>> -> memref<1x1x96xi32, #tpu.memory_space<vmem>>
      %dma_start3A_73 = tpu.memref_squeeze %dma_start3A_72 : memref<1x1x96xi32, #tpu.memory_space<vmem>> -> memref<96xi32, #tpu.memory_space<vmem>>
      %dma_start3A_74 = arith.constant 0 : i32
      %dma_start3A_75 = arith.constant 0 : i32
      %dma_start3A_76 = tpu.memref_slice %arg11[%dma_start3A_74, %dma_start3A_75] : memref<10240x128xf32, #tpu.memory_space<vmem_shared>> -> memref<10240x128xf32, #tpu.memory_space<vmem_shared>>
      tpu.enqueue_indirect_dma source(%dma_start3A_70 : memref<96x128xf32, #tpu.memory_space<vmem>>) target(%dma_start3A_76 : memref<10240x128xf32, #tpu.memory_space<vmem_shared>>) offsets(%dma_start3A_73 : memref<96xi32, #tpu.memory_space<vmem>>) semaphore(%run_scoped3A_66 : memref<!tpu.dma_semaphore, #tpu.memory_space<semaphore_mem>>) {add = true}
      %dma_wait3A_77 = arith.constant 0 : i32
      %dma_wait3A_78 = arith.constant 0 : i32
      %dma_wait3A_79 = tpu.memref_slice %arg9[%run_scoped3A_62, %dma_wait3A_77, %dma_wait3A_78] : memref<2x96x128xf32, #tpu.memory_space<vmem>> -> memref<1x96x128xf32, #tpu.memory_space<vmem>>
      %dma_wait3A_80 = tpu.memref_squeeze %dma_wait3A_79 : memref<1x96x128xf32, #tpu.memory_space<vmem>> -> memref<96x128xf32, #tpu.memory_space<vmem>>
      %dma_wait3A_81 = arith.constant 0 : i32
      %dma_wait3A_82 = tpu.memref_slice %arg8[%run_scoped3A_63, %run_scoped3A_64, %dma_wait3A_81] : memref<2x106x96xi32, #tpu.memory_space<vmem>> -> memref<1x1x96xi32, #tpu.memory_space<vmem>>
      %dma_wait3A_83 = tpu.memref_squeeze %dma_wait3A_82 : memref<1x1x96xi32, #tpu.memory_space<vmem>> -> memref<96xi32, #tpu.memory_space<vmem>>
      %dma_wait3A_84 = arith.constant 0 : i32
      %dma_wait3A_85 = arith.constant 0 : i32
      %dma_wait3A_86 = tpu.memref_slice %arg11[%dma_wait3A_84, %dma_wait3A_85] : memref<10240x128xf32, #tpu.memory_space<vmem_shared>> -> memref<10240x128xf32, #tpu.memory_space<vmem_shared>>
      tpu.wait_indirect_dma semaphore(%run_scoped3A_66 : memref<!tpu.dma_semaphore, #tpu.memory_space<semaphore_mem>>) src(%dma_wait3A_80 : memref<96x128xf32, #tpu.memory_space<vmem>>) dst(%dma_wait3A_86 : memref<10240x128xf32, #tpu.memory_space<vmem_shared>>)
      tpu.yield
    }) : () -> ()
    %barrier3A_65 = arith.constant 0 : index
    tpu.barrier barrier_id(%barrier3A_65)
    "tpu.region"() ({
      %run_scoped3A_66 = tpu.sem_alloc : memref<!tpu.dma_semaphore, #tpu.memory_space<semaphore_mem>>
      %dma_start3A_67 = arith.constant 0 : i32
      %dma_start3A_68 = tpu.memref_slice %arg6[%arg0, %mul3A_2, %dma_start3A_67] : memref<2x10240x128xf32, #tpu.memory_space<hbm>> -> memref<1x640x128xf32, #tpu.memory_space<hbm>>
      %dma_start3A_69 = tpu.memref_squeeze %dma_start3A_68 : memref<1x640x128xf32, #tpu.memory_space<hbm>> -> memref<640x128xf32, #tpu.memory_space<hbm>>
      %dma_start3A_70 = arith.constant 0 : i32
      %dma_start3A_71 = tpu.memref_slice %arg11[%mul3A_2, %dma_start3A_70] : memref<10240x128xf32, #tpu.memory_space<vmem_shared>> -> memref<640x128xf32, #tpu.memory_space<vmem_shared>>
      tpu.enqueue_dma source(%dma_start3A_71 : memref<640x128xf32, #tpu.memory_space<vmem_shared>>) target(%dma_start3A_69 : memref<640x128xf32, #tpu.memory_space<hbm>>) target_semaphore(%run_scoped3A_66 : memref<!tpu.dma_semaphore, #tpu.memory_space<semaphore_mem>>)
      %dma_wait3A_72 = arith.constant 0 : i32
      %dma_wait3A_73 = tpu.memref_slice %arg6[%arg0, %mul3A_2, %dma_wait3A_72] : memref<2x10240x128xf32, #tpu.memory_space<hbm>> -> memref<1x640x128xf32, #tpu.memory_space<hbm>>
      %dma_wait3A_74 = tpu.memref_squeeze %dma_wait3A_73 : memref<1x640x128xf32, #tpu.memory_space<hbm>> -> memref<640x128xf32, #tpu.memory_space<hbm>>
      %dma_wait3A_75 = arith.constant 0 : i32
      %dma_wait3A_76 = tpu.memref_slice %arg11[%mul3A_2, %dma_wait3A_75] : memref<10240x128xf32, #tpu.memory_space<vmem_shared>> -> memref<640x128xf32, #tpu.memory_space<vmem_shared>>
      tpu.wait_dma2 semaphore(%run_scoped3A_66 : memref<!tpu.dma_semaphore, #tpu.memory_space<semaphore_mem>>) src(%dma_wait3A_76 : memref<640x128xf32, #tpu.memory_space<vmem_shared>>) dst(%dma_wait3A_74 : memref<640x128xf32, #tpu.memory_space<hbm>>)
      tpu.yield
    }) : () -> ()
    return
  }
}

#map = affine_map<(d0, d1) -> (0, 0, 0, 0)>
#map1 = affine_map<(d0, d1) -> (0, 0)>
#map2 = affine_map<(d0, d1) -> (0)>
#map3 = affine_map<(d0, d1) -> (0, 0, 0)>
module attributes {stable_mosaic.version = 14 : i64} {
  func.func @_sc_body(%arg0: i32, %arg1: i32, %arg2: memref<32x2x106x96xi32, #tpu.memory_space<hbm>>, %arg3: memref<10240x128xf32, #tpu.memory_space<hbm>>, %arg4: memref<640x128xf32, #tpu.memory_space<hbm>>, %arg5: memref<640xf32, #tpu.memory_space<hbm>>, %arg6: memref<2x10240x128xf32, #tpu.memory_space<hbm>>, %arg7: memref<2x10240xf32, #tpu.memory_space<hbm>>, %arg8: memref<2x106x96xi32, #tpu.memory_space<vmem>>, %arg9: memref<2x96x128xf32, #tpu.memory_space<vmem>>, %arg10: memref<96xf32, #tpu.memory_space<vmem>>, %arg11: memref<10240x128xf32, #tpu.memory_space<vmem_shared>>, %arg12: memref<10240xf32, #tpu.memory_space<vmem_shared>>, %arg13: memref<!tpu.dma_semaphore, #tpu.memory_space<semaphore_mem>>, %arg14: memref<!tpu.dma_semaphore, #tpu.memory_space<semaphore_mem>>) attributes {dimension_semantics = [#tpu.dimension_semantics<core_parallel>, #tpu.dimension_semantics<subcore_parallel>], iteration_bounds = array<i64: 2, 16>, scalar_prefetch = 0 : i64, scratch_operands = 7 : i64, tpu.core_type = #tpu.core_type<sc_vector_subcore>, window_params = [{transform_indices = #map}, {transform_indices = #map1}, {transform_indices = #map1}, {transform_indices = #map2}, {transform_indices = #map3}, {transform_indices = #map1}]} {
    %mul3A = arith.constant 2 : i32
    %mul3A_0 = arith.muli %arg1, %mul3A : i32
    %add3A = arith.addi %mul3A_0, %arg0 : i32
    %mul3A_1 = arith.constant 640 : i32
    %mul3A_2 = arith.muli %arg1, %mul3A_1 : i32
    "tpu.region"() ({
      %run_scoped3A_104 = tpu.sem_alloc : memref<!tpu.dma_semaphore, #tpu.memory_space<semaphore_mem>>
      %dma_start3A_105 = arith.constant 0 : i32
      %dma_start3A_106 = tpu.memref_slice %arg11[%mul3A_2, %dma_start3A_105] : memref<10240x128xf32, #tpu.memory_space<vmem_shared>> -> memref<640x128xf32, #tpu.memory_space<vmem_shared>>
      tpu.enqueue_dma source(%arg4 : memref<640x128xf32, #tpu.memory_space<hbm>>) target(%dma_start3A_106 : memref<640x128xf32, #tpu.memory_space<vmem_shared>>) target_semaphore(%run_scoped3A_104 : memref<!tpu.dma_semaphore, #tpu.memory_space<semaphore_mem>>)
      %dma_wait3A_107 = arith.constant 0 : i32
      %dma_wait3A_108 = tpu.memref_slice %arg11[%mul3A_2, %dma_wait3A_107] : memref<10240x128xf32, #tpu.memory_space<vmem_shared>> -> memref<640x128xf32, #tpu.memory_space<vmem_shared>>
      tpu.wait_dma2 semaphore(%run_scoped3A_104 : memref<!tpu.dma_semaphore, #tpu.memory_space<semaphore_mem>>) src(%arg4 : memref<640x128xf32, #tpu.memory_space<hbm>>) dst(%dma_wait3A_108 : memref<640x128xf32, #tpu.memory_space<vmem_shared>>)
      tpu.yield
    }) : () -> ()
    "tpu.region"() ({
      %run_scoped3A_104 = tpu.sem_alloc : memref<!tpu.dma_semaphore, #tpu.memory_space<semaphore_mem>>
      %dma_start3A_105 = tpu.memref_slice %arg12[%mul3A_2] : memref<10240xf32, #tpu.memory_space<vmem_shared>> -> memref<640xf32, #tpu.memory_space<vmem_shared>>
      tpu.enqueue_dma source(%arg5 : memref<640xf32, #tpu.memory_space<hbm>>) target(%dma_start3A_105 : memref<640xf32, #tpu.memory_space<vmem_shared>>) target_semaphore(%run_scoped3A_104 : memref<!tpu.dma_semaphore, #tpu.memory_space<semaphore_mem>>)
      %dma_wait3A_106 = tpu.memref_slice %arg12[%mul3A_2] : memref<10240xf32, #tpu.memory_space<vmem_shared>> -> memref<640xf32, #tpu.memory_space<vmem_shared>>
      tpu.wait_dma2 semaphore(%run_scoped3A_104 : memref<!tpu.dma_semaphore, #tpu.memory_space<semaphore_mem>>) src(%arg5 : memref<640xf32, #tpu.memory_space<hbm>>) dst(%dma_wait3A_106 : memref<640xf32, #tpu.memory_space<vmem_shared>>)
      tpu.yield
    }) : () -> ()
    %broadcast_in_dim3A = arith.constant 1.000000e+00 : f32
    %broadcast_in_dim3A_3 = vector.broadcast %broadcast_in_dim3A : f32 to vector<16xf32>
    %swap3A = arith.constant 0 : index
    %swap3A_4 = tpu.vector_load %arg10[%swap3A] {strides = array<i32>} : memref<96xf32, #tpu.memory_space<vmem>>, vector<16xf32>,
    %swap3A_5 = vector.shape_cast %swap3A_4 : vector<16xf32> to vector<16xf32>
    %swap3A_6 = vector.shape_cast %broadcast_in_dim3A_3 : vector<16xf32> to vector<16xf32>
    tpu.vector_store %arg10[%swap3A], %swap3A_6 {strides = array<i32>} : memref<96xf32, #tpu.memory_space<vmem>>, vector<16xf32>,
    %broadcast_in_dim3A_7 = arith.constant 1.000000e+00 : f32
    %broadcast_in_dim3A_8 = vector.broadcast %broadcast_in_dim3A_7 : f32 to vector<16xf32>
    %swap3A_9 = arith.constant 16 : index
    %swap3A_10 = tpu.vector_load %arg10[%swap3A_9] {strides = array<i32>} : memref<96xf32, #tpu.memory_space<vmem>>, vector<16xf32>,
    %swap3A_11 = vector.shape_cast %swap3A_10 : vector<16xf32> to vector<16xf32>
    %swap3A_12 = vector.shape_cast %broadcast_in_dim3A_8 : vector<16xf32> to vector<16xf32>
    tpu.vector_store %arg10[%swap3A_9], %swap3A_12 {strides = array<i32>} : memref<96xf32, #tpu.memory_space<vmem>>, vector<16xf32>,
    %broadcast_in_dim3A_13 = arith.constant 1.000000e+00 : f32
    %broadcast_in_dim3A_14 = vector.broadcast %broadcast_in_dim3A_13 : f32 to vector<16xf32>
    %swap3A_15 = arith.constant 32 : index
    %swap3A_16 = tpu.vector_load %arg10[%swap3A_15] {strides = array<i32>} : memref<96xf32, #tpu.memory_space<vmem>>, vector<16xf32>,
    %swap3A_17 = vector.shape_cast %swap3A_16 : vector<16xf32> to vector<16xf32>
    %swap3A_18 = vector.shape_cast %broadcast_in_dim3A_14 : vector<16xf32> to vector<16xf32>
    tpu.vector_store %arg10[%swap3A_15], %swap3A_18 {strides = array<i32>} : memref<96xf32, #tpu.memory_space<vmem>>, vector<16xf32>,
    %broadcast_in_dim3A_19 = arith.constant 1.000000e+00 : f32
    %broadcast_in_dim3A_20 = vector.broadcast %broadcast_in_dim3A_19 : f32 to vector<16xf32>
    %swap3A_21 = arith.constant 48 : index
    %swap3A_22 = tpu.vector_load %arg10[%swap3A_21] {strides = array<i32>} : memref<96xf32, #tpu.memory_space<vmem>>, vector<16xf32>,
    %swap3A_23 = vector.shape_cast %swap3A_22 : vector<16xf32> to vector<16xf32>
    %swap3A_24 = vector.shape_cast %broadcast_in_dim3A_20 : vector<16xf32> to vector<16xf32>
    tpu.vector_store %arg10[%swap3A_21], %swap3A_24 {strides = array<i32>} : memref<96xf32, #tpu.memory_space<vmem>>, vector<16xf32>,
    %broadcast_in_dim3A_25 = arith.constant 1.000000e+00 : f32
    %broadcast_in_dim3A_26 = vector.broadcast %broadcast_in_dim3A_25 : f32 to vector<16xf32>
    %swap3A_27 = arith.constant 64 : index
    %swap3A_28 = tpu.vector_load %arg10[%swap3A_27] {strides = array<i32>} : memref<96xf32, #tpu.memory_space<vmem>>, vector<16xf32>,
    %swap3A_29 = vector.shape_cast %swap3A_28 : vector<16xf32> to vector<16xf32>
    %swap3A_30 = vector.shape_cast %broadcast_in_dim3A_26 : vector<16xf32> to vector<16xf32>
    tpu.vector_store %arg10[%swap3A_27], %swap3A_30 {strides = array<i32>} : memref<96xf32, #tpu.memory_space<vmem>>, vector<16xf32>,
    %broadcast_in_dim3A_31 = arith.constant 1.000000e+00 : f32
    %broadcast_in_dim3A_32 = vector.broadcast %broadcast_in_dim3A_31 : f32 to vector<16xf32>
    %swap3A_33 = arith.constant 80 : index
    %swap3A_34 = tpu.vector_load %arg10[%swap3A_33] {strides = array<i32>} : memref<96xf32, #tpu.memory_space<vmem>>, vector<16xf32>,
    %swap3A_35 = vector.shape_cast %swap3A_34 : vector<16xf32> to vector<16xf32>
    %swap3A_36 = vector.shape_cast %broadcast_in_dim3A_32 : vector<16xf32> to vector<16xf32>
    tpu.vector_store %arg10[%swap3A_33], %swap3A_36 {strides = array<i32>} : memref<96xf32, #tpu.memory_space<vmem>>, vector<16xf32>,
    "tpu.region"() ({
      %run_scoped3A_104 = tpu.sem_alloc : memref<!tpu.dma_semaphore, #tpu.memory_space<semaphore_mem>>
      %dma_start3A_105 = arith.constant 0 : i32
      %dma_start3A_106 = arith.constant 0 : i32
      %dma_start3A_107 = arith.constant 0 : i32
      %dma_start3A_108 = tpu.memref_slice %arg2[%add3A, %dma_start3A_105, %dma_start3A_106, %dma_start3A_107] : memref<32x2x106x96xi32, #tpu.memory_space<hbm>> -> memref<1x2x106x96xi32, #tpu.memory_space<hbm>>
      %dma_start3A_109 = tpu.memref_squeeze %dma_start3A_108 : memref<1x2x106x96xi32, #tpu.memory_space<hbm>> -> memref<2x106x96xi32, #tpu.memory_space<hbm>>
      %dma_start3A_110 = arith.constant 0 : i32
      %dma_start3A_111 = arith.constant 0 : i32
      %dma_start3A_112 = arith.constant 0 : i32
      %dma_start3A_113 = tpu.memref_slice %arg2[%add3A, %dma_start3A_110, %dma_start3A_111, %dma_start3A_112] : memref<32x2x106x96xi32, #tpu.memory_space<hbm>> -> memref<1x2x106x96xi32, #tpu.memory_space<hbm>>
      %dma_start3A_114 = tpu.memref_squeeze %dma_start3A_113 : memref<1x2x106x96xi32, #tpu.memory_space<hbm>> -> memref<2x106x96xi32, #tpu.memory_space<hbm>>
      tpu.enqueue_dma source(%dma_start3A_114 : memref<2x106x96xi32, #tpu.memory_space<hbm>>) target(%arg8 : memref<2x106x96xi32, #tpu.memory_space<vmem>>) target_semaphore(%run_scoped3A_104 : memref<!tpu.dma_semaphore, #tpu.memory_space<semaphore_mem>>)
      %dma_wait3A_115 = arith.constant 0 : i32
      %dma_wait3A_116 = arith.constant 0 : i32
      %dma_wait3A_117 = arith.constant 0 : i32
      %dma_wait3A_118 = tpu.memref_slice %arg2[%add3A, %dma_wait3A_115, %dma_wait3A_116, %dma_wait3A_117] : memref<32x2x106x96xi32, #tpu.memory_space<hbm>> -> memref<1x2x106x96xi32, #tpu.memory_space<hbm>>
      %dma_wait3A_119 = tpu.memref_squeeze %dma_wait3A_118 : memref<1x2x106x96xi32, #tpu.memory_space<hbm>> -> memref<2x106x96xi32, #tpu.memory_space<hbm>>
      %dma_wait3A_120 = arith.constant 0 : i32
      %dma_wait3A_121 = arith.constant 0 : i32
      %dma_wait3A_122 = arith.constant 0 : i32
      %dma_wait3A_123 = tpu.memref_slice %arg2[%add3A, %dma_wait3A_120, %dma_wait3A_121, %dma_wait3A_122] : memref<32x2x106x96xi32, #tpu.memory_space<hbm>> -> memref<1x2x106x96xi32, #tpu.memory_space<hbm>>
      %dma_wait3A_124 = tpu.memref_squeeze %dma_wait3A_123 : memref<1x2x106x96xi32, #tpu.memory_space<hbm>> -> memref<2x106x96xi32, #tpu.memory_space<hbm>>
      tpu.wait_dma2 semaphore(%run_scoped3A_104 : memref<!tpu.dma_semaphore, #tpu.memory_space<semaphore_mem>>) src(%dma_wait3A_124 : memref<2x106x96xi32, #tpu.memory_space<hbm>>) dst(%arg8 : memref<2x106x96xi32, #tpu.memory_space<vmem>>)
      tpu.yield
    }) : () -> ()
    %barrier3A = arith.constant 0 : index
    tpu.barrier barrier_id(%barrier3A)
    %dma_start3A = arith.constant 0 : i32
    %dma_start3A_37 = arith.constant 0 : i32
    %dma_start3A_38 = arith.constant 0 : i32
    %dma_start3A_39 = arith.constant 0 : i32
    %dma_start3A_40 = arith.constant 0 : i32
    %dma_start3A_41 = tpu.memref_slice %arg9[%dma_start3A_38, %dma_start3A_39, %dma_start3A_40] : memref<2x96x128xf32, #tpu.memory_space<vmem>> -> memref<1x96x128xf32, #tpu.memory_space<vmem>>
    %dma_start3A_42 = tpu.memref_squeeze %dma_start3A_41 : memref<1x96x128xf32, #tpu.memory_space<vmem>> -> memref<96x128xf32, #tpu.memory_space<vmem>>
    %dma_start3A_43 = arith.constant 0 : i32
    %dma_start3A_44 = tpu.memref_slice %arg8[%dma_start3A, %dma_start3A_37, %dma_start3A_43] : memref<2x106x96xi32, #tpu.memory_space<vmem>> -> memref<1x1x96xi32, #tpu.memory_space<vmem>>
    %dma_start3A_45 = tpu.memref_squeeze %dma_start3A_44 : memref<1x1x96xi32, #tpu.memory_space<vmem>> -> memref<96xi32, #tpu.memory_space<vmem>>
    %dma_start3A_46 = arith.constant 0 : i32
    %dma_start3A_47 = arith.constant 0 : i32
    %dma_start3A_48 = tpu.memref_slice %arg3[%dma_start3A_46, %dma_start3A_47] : memref<10240x128xf32, #tpu.memory_space<hbm>> -> memref<10240x128xf32, #tpu.memory_space<hbm>>
    tpu.enqueue_indirect_dma source(%dma_start3A_48 : memref<10240x128xf32, #tpu.memory_space<hbm>>) target(%dma_start3A_42 : memref<96x128xf32, #tpu.memory_space<vmem>>) offsets(%dma_start3A_45 : memref<96xi32, #tpu.memory_space<vmem>>) semaphore(%arg13 : memref<!tpu.dma_semaphore, #tpu.memory_space<semaphore_mem>>)
    %scan3A = arith.constant 0 : i32
    %scan3A_49 = arith.constant 0 : i32
    %scan3A_50 = arith.constant 1 : i32
    %scan3A_51 = arith.constant 0 : i32
    %scan3A_52 = arith.constant 52 : i32
    %scan3A_53 = arith.addi %scan3A_51, %scan3A_52 : i32
    %scan3A_54 = arith.constant 1 : i32
    scf.for %scan3A_104 = %scan3A_51 to %scan3A_53 step %scan3A_54  : i32 {
      %mul3A_105 = arith.constant 2 : i32
      %mul3A_106 = arith.muli %mul3A_105, %scan3A_104 : i32
      %dma_wait3A_107 = arith.constant 0 : i32
      %dma_wait3A_108 = arith.constant 0 : i32
      %dma_wait3A_109 = arith.constant 0 : i32
      %dma_wait3A_110 = arith.constant 0 : i32
      %dma_wait3A_111 = tpu.memref_slice %arg9[%scan3A_49, %dma_wait3A_109, %dma_wait3A_110] : memref<2x96x128xf32, #tpu.memory_space<vmem>> -> memref<1x96x128xf32, #tpu.memory_space<vmem>>
      %dma_wait3A_112 = tpu.memref_squeeze %dma_wait3A_111 : memref<1x96x128xf32, #tpu.memory_space<vmem>> -> memref<96x128xf32, #tpu.memory_space<vmem>>
      %dma_wait3A_113 = arith.constant 0 : i32
      %dma_wait3A_114 = tpu.memref_slice %arg8[%dma_wait3A_107, %dma_wait3A_108, %dma_wait3A_113] : memref<2x106x96xi32, #tpu.memory_space<vmem>> -> memref<1x1x96xi32, #tpu.memory_space<vmem>>
      %dma_wait3A_115 = tpu.memref_squeeze %dma_wait3A_114 : memref<1x1x96xi32, #tpu.memory_space<vmem>> -> memref<96xi32, #tpu.memory_space<vmem>>
      %dma_wait3A_116 = arith.constant 0 : i32
      %dma_wait3A_117 = arith.constant 0 : i32
      %dma_wait3A_118 = tpu.memref_slice %arg3[%dma_wait3A_116, %dma_wait3A_117] : memref<10240x128xf32, #tpu.memory_space<hbm>> -> memref<10240x128xf32, #tpu.memory_space<hbm>>
      tpu.wait_indirect_dma semaphore(%arg13 : memref<!tpu.dma_semaphore, #tpu.memory_space<semaphore_mem>>) src(%dma_wait3A_118 : memref<10240x128xf32, #tpu.memory_space<hbm>>) dst(%dma_wait3A_112 : memref<96x128xf32, #tpu.memory_space<vmem>>)
      %add3A_119 = arith.constant 1 : i32
      %add3A_120 = arith.addi %mul3A_106, %add3A_119 : i32
      %dma_start3A_121 = arith.constant 0 : i32
      %dma_start3A_122 = arith.constant 0 : i32
      %dma_start3A_123 = arith.constant 0 : i32
      %dma_start3A_124 = tpu.memref_slice %arg9[%scan3A_50, %dma_start3A_122, %dma_start3A_123] : memref<2x96x128xf32, #tpu.memory_space<vmem>> -> memref<1x96x128xf32, #tpu.memory_space<vmem>>
      %dma_start3A_125 = tpu.memref_squeeze %dma_start3A_124 : memref<1x96x128xf32, #tpu.memory_space<vmem>> -> memref<96x128xf32, #tpu.memory_space<vmem>>
      %dma_start3A_126 = arith.constant 0 : i32
      %dma_start3A_127 = tpu.memref_slice %arg8[%dma_start3A_121, %add3A_120, %dma_start3A_126] : memref<2x106x96xi32, #tpu.memory_space<vmem>> -> memref<1x1x96xi32, #tpu.memory_space<vmem>>
      %dma_start3A_128 = tpu.memref_squeeze %dma_start3A_127 : memref<1x1x96xi32, #tpu.memory_space<vmem>> -> memref<96xi32, #tpu.memory_space<vmem>>
      %dma_start3A_129 = arith.constant 0 : i32
      %dma_start3A_130 = arith.constant 0 : i32
      %dma_start3A_131 = tpu.memref_slice %arg3[%dma_start3A_129, %dma_start3A_130] : memref<10240x128xf32, #tpu.memory_space<hbm>> -> memref<10240x128xf32, #tpu.memory_space<hbm>>
      tpu.enqueue_indirect_dma source(%dma_start3A_131 : memref<10240x128xf32, #tpu.memory_space<hbm>>) target(%dma_start3A_125 : memref<96x128xf32, #tpu.memory_space<vmem>>) offsets(%dma_start3A_128 : memref<96xi32, #tpu.memory_space<vmem>>) semaphore(%arg14 : memref<!tpu.dma_semaphore, #tpu.memory_space<semaphore_mem>>)
      %run_scoped3A_132 = arith.constant 1 : i32
      "tpu.region"() ({
        %run_scoped3A_163 = tpu.sem_alloc : memref<!tpu.dma_semaphore, #tpu.memory_space<semaphore_mem>>
        %dma_start3A_164 = arith.constant 0 : i32
        %dma_start3A_165 = arith.constant 0 : i32
        %dma_start3A_166 = tpu.memref_slice %arg9[%scan3A_49, %dma_start3A_164, %dma_start3A_165] : memref<2x96x128xf32, #tpu.memory_space<vmem>> -> memref<1x96x128xf32, #tpu.memory_space<vmem>>
        %dma_start3A_167 = tpu.memref_squeeze %dma_start3A_166 : memref<1x96x128xf32, #tpu.memory_space<vmem>> -> memref<96x128xf32, #tpu.memory_space<vmem>>
        %dma_start3A_168 = arith.constant 0 : i32
        %dma_start3A_169 = tpu.memref_slice %arg8[%run_scoped3A_132, %mul3A_106, %dma_start3A_168] : memref<2x106x96xi32, #tpu.memory_space<vmem>> -> memref<1x1x96xi32, #tpu.memory_space<vmem>>
        %dma_start3A_170 = tpu.memref_squeeze %dma_start3A_169 : memref<1x1x96xi32, #tpu.memory_space<vmem>> -> memref<96xi32, #tpu.memory_space<vmem>>
        %dma_start3A_171 = arith.constant 0 : i32
        %dma_start3A_172 = arith.constant 0 : i32
        %dma_start3A_173 = tpu.memref_slice %arg11[%dma_start3A_171, %dma_start3A_172] : memref<10240x128xf32, #tpu.memory_space<vmem_shared>> -> memref<10240x128xf32, #tpu.memory_space<vmem_shared>>
        tpu.enqueue_indirect_dma source(%dma_start3A_167 : memref<96x128xf32, #tpu.memory_space<vmem>>) target(%dma_start3A_173 : memref<10240x128xf32, #tpu.memory_space<vmem_shared>>) offsets(%dma_start3A_170 : memref<96xi32, #tpu.memory_space<vmem>>) semaphore(%run_scoped3A_163 : memref<!tpu.dma_semaphore, #tpu.memory_space<semaphore_mem>>) {add = true}
        %dma_wait3A_174 = arith.constant 0 : i32
        %dma_wait3A_175 = arith.constant 0 : i32
        %dma_wait3A_176 = tpu.memref_slice %arg9[%scan3A_49, %dma_wait3A_174, %dma_wait3A_175] : memref<2x96x128xf32, #tpu.memory_space<vmem>> -> memref<1x96x128xf32, #tpu.memory_space<vmem>>
        %dma_wait3A_177 = tpu.memref_squeeze %dma_wait3A_176 : memref<1x96x128xf32, #tpu.memory_space<vmem>> -> memref<96x128xf32, #tpu.memory_space<vmem>>
        %dma_wait3A_178 = arith.constant 0 : i32
        %dma_wait3A_179 = tpu.memref_slice %arg8[%run_scoped3A_132, %mul3A_106, %dma_wait3A_178] : memref<2x106x96xi32, #tpu.memory_space<vmem>> -> memref<1x1x96xi32, #tpu.memory_space<vmem>>
        %dma_wait3A_180 = tpu.memref_squeeze %dma_wait3A_179 : memref<1x1x96xi32, #tpu.memory_space<vmem>> -> memref<96xi32, #tpu.memory_space<vmem>>
        %dma_wait3A_181 = arith.constant 0 : i32
        %dma_wait3A_182 = arith.constant 0 : i32
        %dma_wait3A_183 = tpu.memref_slice %arg11[%dma_wait3A_181, %dma_wait3A_182] : memref<10240x128xf32, #tpu.memory_space<vmem_shared>> -> memref<10240x128xf32, #tpu.memory_space<vmem_shared>>
        tpu.wait_indirect_dma semaphore(%run_scoped3A_163 : memref<!tpu.dma_semaphore, #tpu.memory_space<semaphore_mem>>) src(%dma_wait3A_177 : memref<96x128xf32, #tpu.memory_space<vmem>>) dst(%dma_wait3A_183 : memref<10240x128xf32, #tpu.memory_space<vmem_shared>>)
        tpu.yield
      }) : () -> ()
      %run_scoped3A_133 = arith.constant 1 : i32
      "tpu.region"() ({
        %run_scoped3A_163 = tpu.sem_alloc : memref<!tpu.dma_semaphore, #tpu.memory_space<semaphore_mem>>
        %dma_start3A_164 = arith.constant 0 : i32
        %dma_start3A_165 = tpu.memref_slice %arg8[%run_scoped3A_133, %mul3A_106, %dma_start3A_164] : memref<2x106x96xi32, #tpu.memory_space<vmem>> -> memref<1x1x96xi32, #tpu.memory_space<vmem>>
        %dma_start3A_166 = tpu.memref_squeeze %dma_start3A_165 : memref<1x1x96xi32, #tpu.memory_space<vmem>> -> memref<96xi32, #tpu.memory_space<vmem>>
        %dma_start3A_167 = arith.constant 0 : i32
        %dma_start3A_168 = tpu.memref_slice %arg12[%dma_start3A_167] : memref<10240xf32, #tpu.memory_space<vmem_shared>> -> memref<10240xf32, #tpu.memory_space<vmem_shared>>
        tpu.enqueue_indirect_dma source(%arg10 : memref<96xf32, #tpu.memory_space<vmem>>) target(%dma_start3A_168 : memref<10240xf32, #tpu.memory_space<vmem_shared>>) offsets(%dma_start3A_166 : memref<96xi32, #tpu.memory_space<vmem>>) semaphore(%run_scoped3A_163 : memref<!tpu.dma_semaphore, #tpu.memory_space<semaphore_mem>>) {add = true}
        %dma_wait3A_169 = arith.constant 0 : i32
        %dma_wait3A_170 = tpu.memref_slice %arg8[%run_scoped3A_133, %mul3A_106, %dma_wait3A_169] : memref<2x106x96xi32, #tpu.memory_space<vmem>> -> memref<1x1x96xi32, #tpu.memory_space<vmem>>
        %dma_wait3A_171 = tpu.memref_squeeze %dma_wait3A_170 : memref<1x1x96xi32, #tpu.memory_space<vmem>> -> memref<96xi32, #tpu.memory_space<vmem>>
        %dma_wait3A_172 = arith.constant 0 : i32
        %dma_wait3A_173 = tpu.memref_slice %arg12[%dma_wait3A_172] : memref<10240xf32, #tpu.memory_space<vmem_shared>> -> memref<10240xf32, #tpu.memory_space<vmem_shared>>
        tpu.wait_indirect_dma semaphore(%run_scoped3A_163 : memref<!tpu.dma_semaphore, #tpu.memory_space<semaphore_mem>>) src(%arg10 : memref<96xf32, #tpu.memory_space<vmem>>) dst(%dma_wait3A_173 : memref<10240xf32, #tpu.memory_space<vmem_shared>>)
        tpu.yield
      }) : () -> ()
      %dma_wait3A_134 = arith.constant 0 : i32
      %dma_wait3A_135 = arith.constant 0 : i32
      %dma_wait3A_136 = arith.constant 0 : i32
      %dma_wait3A_137 = arith.constant 0 : i32
      %dma_wait3A_138 = tpu.memref_slice %arg9[%scan3A_50, %dma_wait3A_136, %dma_wait3A_137] : memref<2x96x128xf32, #tpu.memory_space<vmem>> -> memref<1x96x128xf32, #tpu.memory_space<vmem>>
      %dma_wait3A_139 = tpu.memref_squeeze %dma_wait3A_138 : memref<1x96x128xf32, #tpu.memory_space<vmem>> -> memref<96x128xf32, #tpu.memory_space<vmem>>
      %dma_wait3A_140 = arith.constant 0 : i32
      %dma_wait3A_141 = tpu.memref_slice %arg8[%dma_wait3A_134, %dma_wait3A_135, %dma_wait3A_140] : memref<2x106x96xi32, #tpu.memory_space<vmem>> -> memref<1x1x96xi32, #tpu.memory_space<vmem>>
      %dma_wait3A_142 = tpu.memref_squeeze %dma_wait3A_141 : memref<1x1x96xi32, #tpu.memory_space<vmem>> -> memref<96xi32, #tpu.memory_space<vmem>>
      %dma_wait3A_143 = arith.constant 0 : i32
      %dma_wait3A_144 = arith.constant 0 : i32
      %dma_wait3A_145 = tpu.memref_slice %arg3[%dma_wait3A_143, %dma_wait3A_144] : memref<10240x128xf32, #tpu.memory_space<hbm>> -> memref<10240x128xf32, #tpu.memory_space<hbm>>
      tpu.wait_indirect_dma semaphore(%arg14 : memref<!tpu.dma_semaphore, #tpu.memory_space<semaphore_mem>>) src(%dma_wait3A_145 : memref<10240x128xf32, #tpu.memory_space<hbm>>) dst(%dma_wait3A_139 : memref<96x128xf32, #tpu.memory_space<vmem>>)
      %add3A_146 = arith.constant 2 : i32
      %add3A_147 = arith.addi %mul3A_106, %add3A_146 : i32
      %dma_start3A_148 = arith.constant 0 : i32
      %dma_start3A_149 = arith.constant 0 : i32
      %dma_start3A_150 = arith.constant 0 : i32
      %dma_start3A_151 = tpu.memref_slice %arg9[%scan3A_49, %dma_start3A_149, %dma_start3A_150] : memref<2x96x128xf32, #tpu.memory_space<vmem>> -> memref<1x96x128xf32, #tpu.memory_space<vmem>>
      %dma_start3A_152 = tpu.memref_squeeze %dma_start3A_151 : memref<1x96x128xf32, #tpu.memory_space<vmem>> -> memref<96x128xf32, #tpu.memory_space<vmem>>
      %dma_start3A_153 = arith.constant 0 : i32
      %dma_start3A_154 = tpu.memref_slice %arg8[%dma_start3A_148, %add3A_147, %dma_start3A_153] : memref<2x106x96xi32, #tpu.memory_space<vmem>> -> memref<1x1x96xi32, #tpu.memory_space<vmem>>
      %dma_start3A_155 = tpu.memref_squeeze %dma_start3A_154 : memref<1x1x96xi32, #tpu.memory_space<vmem>> -> memref<96xi32, #tpu.memory_space<vmem>>
      %dma_start3A_156 = arith.constant 0 : i32
      %dma_start3A_157 = arith.constant 0 : i32
      %dma_start3A_158 = tpu.memref_slice %arg3[%dma_start3A_156, %dma_start3A_157] : memref<10240x128xf32, #tpu.memory_space<hbm>> -> memref<10240x128xf32, #tpu.memory_space<hbm>>
      tpu.enqueue_indirect_dma source(%dma_start3A_158 : memref<10240x128xf32, #tpu.memory_space<hbm>>) target(%dma_start3A_152 : memref<96x128xf32, #tpu.memory_space<vmem>>) offsets(%dma_start3A_155 : memref<96xi32, #tpu.memory_space<vmem>>) semaphore(%arg13 : memref<!tpu.dma_semaphore, #tpu.memory_space<semaphore_mem>>)
      %add3A_159 = arith.constant 1 : i32
      %add3A_160 = arith.addi %mul3A_106, %add3A_159 : i32
      %run_scoped3A_161 = arith.constant 1 : i32
      "tpu.region"() ({
        %run_scoped3A_163 = tpu.sem_alloc : memref<!tpu.dma_semaphore, #tpu.memory_space<semaphore_mem>>
        %dma_start3A_164 = arith.constant 0 : i32
        %dma_start3A_165 = arith.constant 0 : i32
        %dma_start3A_166 = tpu.memref_slice %arg9[%scan3A_50, %dma_start3A_164, %dma_start3A_165] : memref<2x96x128xf32, #tpu.memory_space<vmem>> -> memref<1x96x128xf32, #tpu.memory_space<vmem>>
        %dma_start3A_167 = tpu.memref_squeeze %dma_start3A_166 : memref<1x96x128xf32, #tpu.memory_space<vmem>> -> memref<96x128xf32, #tpu.memory_space<vmem>>
        %dma_start3A_168 = arith.constant 0 : i32
        %dma_start3A_169 = tpu.memref_slice %arg8[%run_scoped3A_161, %add3A_160, %dma_start3A_168] : memref<2x106x96xi32, #tpu.memory_space<vmem>> -> memref<1x1x96xi32, #tpu.memory_space<vmem>>
        %dma_start3A_170 = tpu.memref_squeeze %dma_start3A_169 : memref<1x1x96xi32, #tpu.memory_space<vmem>> -> memref<96xi32, #tpu.memory_space<vmem>>
        %dma_start3A_171 = arith.constant 0 : i32
        %dma_start3A_172 = arith.constant 0 : i32
        %dma_start3A_173 = tpu.memref_slice %arg11[%dma_start3A_171, %dma_start3A_172] : memref<10240x128xf32, #tpu.memory_space<vmem_shared>> -> memref<10240x128xf32, #tpu.memory_space<vmem_shared>>
        tpu.enqueue_indirect_dma source(%dma_start3A_167 : memref<96x128xf32, #tpu.memory_space<vmem>>) target(%dma_start3A_173 : memref<10240x128xf32, #tpu.memory_space<vmem_shared>>) offsets(%dma_start3A_170 : memref<96xi32, #tpu.memory_space<vmem>>) semaphore(%run_scoped3A_163 : memref<!tpu.dma_semaphore, #tpu.memory_space<semaphore_mem>>) {add = true}
        %dma_wait3A_174 = arith.constant 0 : i32
        %dma_wait3A_175 = arith.constant 0 : i32
        %dma_wait3A_176 = tpu.memref_slice %arg9[%scan3A_50, %dma_wait3A_174, %dma_wait3A_175] : memref<2x96x128xf32, #tpu.memory_space<vmem>> -> memref<1x96x128xf32, #tpu.memory_space<vmem>>
        %dma_wait3A_177 = tpu.memref_squeeze %dma_wait3A_176 : memref<1x96x128xf32, #tpu.memory_space<vmem>> -> memref<96x128xf32, #tpu.memory_space<vmem>>
        %dma_wait3A_178 = arith.constant 0 : i32
        %dma_wait3A_179 = tpu.memref_slice %arg8[%run_scoped3A_161, %add3A_160, %dma_wait3A_178] : memref<2x106x96xi32, #tpu.memory_space<vmem>> -> memref<1x1x96xi32, #tpu.memory_space<vmem>>
        %dma_wait3A_180 = tpu.memref_squeeze %dma_wait3A_179 : memref<1x1x96xi32, #tpu.memory_space<vmem>> -> memref<96xi32, #tpu.memory_space<vmem>>
        %dma_wait3A_181 = arith.constant 0 : i32
        %dma_wait3A_182 = arith.constant 0 : i32
        %dma_wait3A_183 = tpu.memref_slice %arg11[%dma_wait3A_181, %dma_wait3A_182] : memref<10240x128xf32, #tpu.memory_space<vmem_shared>> -> memref<10240x128xf32, #tpu.memory_space<vmem_shared>>
        tpu.wait_indirect_dma semaphore(%run_scoped3A_163 : memref<!tpu.dma_semaphore, #tpu.memory_space<semaphore_mem>>) src(%dma_wait3A_177 : memref<96x128xf32, #tpu.memory_space<vmem>>) dst(%dma_wait3A_183 : memref<10240x128xf32, #tpu.memory_space<vmem_shared>>)
        tpu.yield
      }) : () -> ()
      %run_scoped3A_162 = arith.constant 1 : i32
      "tpu.region"() ({
        %run_scoped3A_163 = tpu.sem_alloc : memref<!tpu.dma_semaphore, #tpu.memory_space<semaphore_mem>>
        %dma_start3A_164 = arith.constant 0 : i32
        %dma_start3A_165 = tpu.memref_slice %arg8[%run_scoped3A_162, %add3A_160, %dma_start3A_164] : memref<2x106x96xi32, #tpu.memory_space<vmem>> -> memref<1x1x96xi32, #tpu.memory_space<vmem>>
        %dma_start3A_166 = tpu.memref_squeeze %dma_start3A_165 : memref<1x1x96xi32, #tpu.memory_space<vmem>> -> memref<96xi32, #tpu.memory_space<vmem>>
        %dma_start3A_167 = arith.constant 0 : i32
        %dma_start3A_168 = tpu.memref_slice %arg12[%dma_start3A_167] : memref<10240xf32, #tpu.memory_space<vmem_shared>> -> memref<10240xf32, #tpu.memory_space<vmem_shared>>
        tpu.enqueue_indirect_dma source(%arg10 : memref<96xf32, #tpu.memory_space<vmem>>) target(%dma_start3A_168 : memref<10240xf32, #tpu.memory_space<vmem_shared>>) offsets(%dma_start3A_166 : memref<96xi32, #tpu.memory_space<vmem>>) semaphore(%run_scoped3A_163 : memref<!tpu.dma_semaphore, #tpu.memory_space<semaphore_mem>>) {add = true}
        %dma_wait3A_169 = arith.constant 0 : i32
        %dma_wait3A_170 = tpu.memref_slice %arg8[%run_scoped3A_162, %add3A_160, %dma_wait3A_169] : memref<2x106x96xi32, #tpu.memory_space<vmem>> -> memref<1x1x96xi32, #tpu.memory_space<vmem>>
        %dma_wait3A_171 = tpu.memref_squeeze %dma_wait3A_170 : memref<1x1x96xi32, #tpu.memory_space<vmem>> -> memref<96xi32, #tpu.memory_space<vmem>>
        %dma_wait3A_172 = arith.constant 0 : i32
        %dma_wait3A_173 = tpu.memref_slice %arg12[%dma_wait3A_172] : memref<10240xf32, #tpu.memory_space<vmem_shared>> -> memref<10240xf32, #tpu.memory_space<vmem_shared>>
        tpu.wait_indirect_dma semaphore(%run_scoped3A_163 : memref<!tpu.dma_semaphore, #tpu.memory_space<semaphore_mem>>) src(%arg10 : memref<96xf32, #tpu.memory_space<vmem>>) dst(%dma_wait3A_173 : memref<10240xf32, #tpu.memory_space<vmem_shared>>)
        tpu.yield
      }) : () -> ()
    }
    %scan3A_55 = arith.constant 52 : i32
    %dma_wait3A = arith.constant 0 : i32
    %dma_wait3A_56 = arith.constant 0 : i32
    %dma_wait3A_57 = arith.constant 0 : i32
    %dma_wait3A_58 = arith.constant 0 : i32
    %dma_wait3A_59 = arith.constant 0 : i32
    %dma_wait3A_60 = tpu.memref_slice %arg9[%dma_wait3A_57, %dma_wait3A_58, %dma_wait3A_59] : memref<2x96x128xf32, #tpu.memory_space<vmem>> -> memref<1x96x128xf32, #tpu.memory_space<vmem>>
    %dma_wait3A_61 = tpu.memref_squeeze %dma_wait3A_60 : memref<1x96x128xf32, #tpu.memory_space<vmem>> -> memref<96x128xf32, #tpu.memory_space<vmem>>
    %dma_wait3A_62 = arith.constant 0 : i32
    %dma_wait3A_63 = tpu.memref_slice %arg8[%dma_wait3A, %dma_wait3A_56, %dma_wait3A_62] : memref<2x106x96xi32, #tpu.memory_space<vmem>> -> memref<1x1x96xi32, #tpu.memory_space<vmem>>
    %dma_wait3A_64 = tpu.memref_squeeze %dma_wait3A_63 : memref<1x1x96xi32, #tpu.memory_space<vmem>> -> memref<96xi32, #tpu.memory_space<vmem>>
    %dma_wait3A_65 = arith.constant 0 : i32
    %dma_wait3A_66 = arith.constant 0 : i32
    %dma_wait3A_67 = tpu.memref_slice %arg3[%dma_wait3A_65, %dma_wait3A_66] : memref<10240x128xf32, #tpu.memory_space<hbm>> -> memref<10240x128xf32, #tpu.memory_space<hbm>>
    tpu.wait_indirect_dma semaphore(%arg13 : memref<!tpu.dma_semaphore, #tpu.memory_space<semaphore_mem>>) src(%dma_wait3A_67 : memref<10240x128xf32, #tpu.memory_space<hbm>>) dst(%dma_wait3A_61 : memref<96x128xf32, #tpu.memory_space<vmem>>)
    %dma_start3A_68 = arith.constant 0 : i32
    %dma_start3A_69 = arith.constant 105 : i32
    %dma_start3A_70 = arith.constant 1 : i32
    %dma_start3A_71 = arith.constant 0 : i32
    %dma_start3A_72 = arith.constant 0 : i32
    %dma_start3A_73 = tpu.memref_slice %arg9[%dma_start3A_70, %dma_start3A_71, %dma_start3A_72] : memref<2x96x128xf32, #tpu.memory_space<vmem>> -> memref<1x96x128xf32, #tpu.memory_space<vmem>>
    %dma_start3A_74 = tpu.memref_squeeze %dma_start3A_73 : memref<1x96x128xf32, #tpu.memory_space<vmem>> -> memref<96x128xf32, #tpu.memory_space<vmem>>
    %dma_start3A_75 = arith.constant 0 : i32
    %dma_start3A_76 = tpu.memref_slice %arg8[%dma_start3A_68, %dma_start3A_69, %dma_start3A_75] : memref<2x106x96xi32, #tpu.memory_space<vmem>> -> memref<1x1x96xi32, #tpu.memory_space<vmem>>
    %dma_start3A_77 = tpu.memref_squeeze %dma_start3A_76 : memref<1x1x96xi32, #tpu.memory_space<vmem>> -> memref<96xi32, #tpu.memory_space<vmem>>
    %dma_start3A_78 = arith.constant 0 : i32
    %dma_start3A_79 = arith.constant 0 : i32
    %dma_start3A_80 = tpu.memref_slice %arg3[%dma_start3A_78, %dma_start3A_79] : memref<10240x128xf32, #tpu.memory_space<hbm>> -> memref<10240x128xf32, #tpu.memory_space<hbm>>
    tpu.enqueue_indirect_dma source(%dma_start3A_80 : memref<10240x128xf32, #tpu.memory_space<hbm>>) target(%dma_start3A_74 : memref<96x128xf32, #tpu.memory_space<vmem>>) offsets(%dma_start3A_77 : memref<96xi32, #tpu.memory_space<vmem>>) semaphore(%arg14 : memref<!tpu.dma_semaphore, #tpu.memory_space<semaphore_mem>>)
    %run_scoped3A = arith.constant 0 : i32
    %run_scoped3A_81 = arith.constant 1 : i32
    %run_scoped3A_82 = arith.constant 104 : i32
    "tpu.region"() ({
      %run_scoped3A_104 = tpu.sem_alloc : memref<!tpu.dma_semaphore, #tpu.memory_space<semaphore_mem>>
      %dma_start3A_105 = arith.constant 0 : i32
      %dma_start3A_106 = arith.constant 0 : i32
      %dma_start3A_107 = tpu.memref_slice %arg9[%run_scoped3A, %dma_start3A_105, %dma_start3A_106] : memref<2x96x128xf32, #tpu.memory_space<vmem>> -> memref<1x96x128xf32, #tpu.memory_space<vmem>>
      %dma_start3A_108 = tpu.memref_squeeze %dma_start3A_107 : memref<1x96x128xf32, #tpu.memory_space<vmem>> -> memref<96x128xf32, #tpu.memory_space<vmem>>
      %dma_start3A_109 = arith.constant 0 : i32
      %dma_start3A_110 = tpu.memref_slice %arg8[%run_scoped3A_81, %run_scoped3A_82, %dma_start3A_109] : memref<2x106x96xi32, #tpu.memory_space<vmem>> -> memref<1x1x96xi32, #tpu.memory_space<vmem>>
      %dma_start3A_111 = tpu.memref_squeeze %dma_start3A_110 : memref<1x1x96xi32, #tpu.memory_space<vmem>> -> memref<96xi32, #tpu.memory_space<vmem>>
      %dma_start3A_112 = arith.constant 0 : i32
      %dma_start3A_113 = arith.constant 0 : i32
      %dma_start3A_114 = tpu.memref_slice %arg11[%dma_start3A_112, %dma_start3A_113] : memref<10240x128xf32, #tpu.memory_space<vmem_shared>> -> memref<10240x128xf32, #tpu.memory_space<vmem_shared>>
      tpu.enqueue_indirect_dma source(%dma_start3A_108 : memref<96x128xf32, #tpu.memory_space<vmem>>) target(%dma_start3A_114 : memref<10240x128xf32, #tpu.memory_space<vmem_shared>>) offsets(%dma_start3A_111 : memref<96xi32, #tpu.memory_space<vmem>>) semaphore(%run_scoped3A_104 : memref<!tpu.dma_semaphore, #tpu.memory_space<semaphore_mem>>) {add = true}
      %dma_wait3A_115 = arith.constant 0 : i32
      %dma_wait3A_116 = arith.constant 0 : i32
      %dma_wait3A_117 = tpu.memref_slice %arg9[%run_scoped3A, %dma_wait3A_115, %dma_wait3A_116] : memref<2x96x128xf32, #tpu.memory_space<vmem>> -> memref<1x96x128xf32, #tpu.memory_space<vmem>>
      %dma_wait3A_118 = tpu.memref_squeeze %dma_wait3A_117 : memref<1x96x128xf32, #tpu.memory_space<vmem>> -> memref<96x128xf32, #tpu.memory_space<vmem>>
      %dma_wait3A_119 = arith.constant 0 : i32
      %dma_wait3A_120 = tpu.memref_slice %arg8[%run_scoped3A_81, %run_scoped3A_82, %dma_wait3A_119] : memref<2x106x96xi32, #tpu.memory_space<vmem>> -> memref<1x1x96xi32, #tpu.memory_space<vmem>>
      %dma_wait3A_121 = tpu.memref_squeeze %dma_wait3A_120 : memref<1x1x96xi32, #tpu.memory_space<vmem>> -> memref<96xi32, #tpu.memory_space<vmem>>
      %dma_wait3A_122 = arith.constant 0 : i32
      %dma_wait3A_123 = arith.constant 0 : i32
      %dma_wait3A_124 = tpu.memref_slice %arg11[%dma_wait3A_122, %dma_wait3A_123] : memref<10240x128xf32, #tpu.memory_space<vmem_shared>> -> memref<10240x128xf32, #tpu.memory_space<vmem_shared>>
      tpu.wait_indirect_dma semaphore(%run_scoped3A_104 : memref<!tpu.dma_semaphore, #tpu.memory_space<semaphore_mem>>) src(%dma_wait3A_118 : memref<96x128xf32, #tpu.memory_space<vmem>>) dst(%dma_wait3A_124 : memref<10240x128xf32, #tpu.memory_space<vmem_shared>>)
      tpu.yield
    }) : () -> ()
    %run_scoped3A_83 = arith.constant 1 : i32
    %run_scoped3A_84 = arith.constant 104 : i32
    "tpu.region"() ({
      %run_scoped3A_104 = tpu.sem_alloc : memref<!tpu.dma_semaphore, #tpu.memory_space<semaphore_mem>>
      %dma_start3A_105 = arith.constant 0 : i32
      %dma_start3A_106 = tpu.memref_slice %arg8[%run_scoped3A_83, %run_scoped3A_84, %dma_start3A_105] : memref<2x106x96xi32, #tpu.memory_space<vmem>> -> memref<1x1x96xi32, #tpu.memory_space<vmem>>
      %dma_start3A_107 = tpu.memref_squeeze %dma_start3A_106 : memref<1x1x96xi32, #tpu.memory_space<vmem>> -> memref<96xi32, #tpu.memory_space<vmem>>
      %dma_start3A_108 = arith.constant 0 : i32
      %dma_start3A_109 = tpu.memref_slice %arg12[%dma_start3A_108] : memref<10240xf32, #tpu.memory_space<vmem_shared>> -> memref<10240xf32, #tpu.memory_space<vmem_shared>>
      tpu.enqueue_indirect_dma source(%arg10 : memref<96xf32, #tpu.memory_space<vmem>>) target(%dma_start3A_109 : memref<10240xf32, #tpu.memory_space<vmem_shared>>) offsets(%dma_start3A_107 : memref<96xi32, #tpu.memory_space<vmem>>) semaphore(%run_scoped3A_104 : memref<!tpu.dma_semaphore, #tpu.memory_space<semaphore_mem>>) {add = true}
      %dma_wait3A_110 = arith.constant 0 : i32
      %dma_wait3A_111 = tpu.memref_slice %arg8[%run_scoped3A_83, %run_scoped3A_84, %dma_wait3A_110] : memref<2x106x96xi32, #tpu.memory_space<vmem>> -> memref<1x1x96xi32, #tpu.memory_space<vmem>>
      %dma_wait3A_112 = tpu.memref_squeeze %dma_wait3A_111 : memref<1x1x96xi32, #tpu.memory_space<vmem>> -> memref<96xi32, #tpu.memory_space<vmem>>
      %dma_wait3A_113 = arith.constant 0 : i32
      %dma_wait3A_114 = tpu.memref_slice %arg12[%dma_wait3A_113] : memref<10240xf32, #tpu.memory_space<vmem_shared>> -> memref<10240xf32, #tpu.memory_space<vmem_shared>>
      tpu.wait_indirect_dma semaphore(%run_scoped3A_104 : memref<!tpu.dma_semaphore, #tpu.memory_space<semaphore_mem>>) src(%arg10 : memref<96xf32, #tpu.memory_space<vmem>>) dst(%dma_wait3A_114 : memref<10240xf32, #tpu.memory_space<vmem_shared>>)
      tpu.yield
    }) : () -> ()
    %dma_wait3A_85 = arith.constant 0 : i32
    %dma_wait3A_86 = arith.constant 0 : i32
    %dma_wait3A_87 = arith.constant 1 : i32
    %dma_wait3A_88 = arith.constant 0 : i32
    %dma_wait3A_89 = arith.constant 0 : i32
    %dma_wait3A_90 = tpu.memref_slice %arg9[%dma_wait3A_87, %dma_wait3A_88, %dma_wait3A_89] : memref<2x96x128xf32, #tpu.memory_space<vmem>> -> memref<1x96x128xf32, #tpu.memory_space<vmem>>
    %dma_wait3A_91 = tpu.memref_squeeze %dma_wait3A_90 : memref<1x96x128xf32, #tpu.memory_space<vmem>> -> memref<96x128xf32, #tpu.memory_space<vmem>>
    %dma_wait3A_92 = arith.constant 0 : i32
    %dma_wait3A_93 = tpu.memref_slice %arg8[%dma_wait3A_85, %dma_wait3A_86, %dma_wait3A_92] : memref<2x106x96xi32, #tpu.memory_space<vmem>> -> memref<1x1x96xi32, #tpu.memory_space<vmem>>
    %dma_wait3A_94 = tpu.memref_squeeze %dma_wait3A_93 : memref<1x1x96xi32, #tpu.memory_space<vmem>> -> memref<96xi32, #tpu.memory_space<vmem>>
    %dma_wait3A_95 = arith.constant 0 : i32
    %dma_wait3A_96 = arith.constant 0 : i32
    %dma_wait3A_97 = tpu.memref_slice %arg3[%dma_wait3A_95, %dma_wait3A_96] : memref<10240x128xf32, #tpu.memory_space<hbm>> -> memref<10240x128xf32, #tpu.memory_space<hbm>>
    tpu.wait_indirect_dma semaphore(%arg14 : memref<!tpu.dma_semaphore, #tpu.memory_space<semaphore_mem>>) src(%dma_wait3A_97 : memref<10240x128xf32, #tpu.memory_space<hbm>>) dst(%dma_wait3A_91 : memref<96x128xf32, #tpu.memory_space<vmem>>)
    %run_scoped3A_98 = arith.constant 1 : i32
    %run_scoped3A_99 = arith.constant 1 : i32
    %run_scoped3A_100 = arith.constant 105 : i32
    "tpu.region"() ({
      %run_scoped3A_104 = tpu.sem_alloc : memref<!tpu.dma_semaphore, #tpu.memory_space<semaphore_mem>>
      %dma_start3A_105 = arith.constant 0 : i32
      %dma_start3A_106 = arith.constant 0 : i32
      %dma_start3A_107 = tpu.memref_slice %arg9[%run_scoped3A_98, %dma_start3A_105, %dma_start3A_106] : memref<2x96x128xf32, #tpu.memory_space<vmem>> -> memref<1x96x128xf32, #tpu.memory_space<vmem>>
      %dma_start3A_108 = tpu.memref_squeeze %dma_start3A_107 : memref<1x96x128xf32, #tpu.memory_space<vmem>> -> memref<96x128xf32, #tpu.memory_space<vmem>>
      %dma_start3A_109 = arith.constant 0 : i32
      %dma_start3A_110 = tpu.memref_slice %arg8[%run_scoped3A_99, %run_scoped3A_100, %dma_start3A_109] : memref<2x106x96xi32, #tpu.memory_space<vmem>> -> memref<1x1x96xi32, #tpu.memory_space<vmem>>
      %dma_start3A_111 = tpu.memref_squeeze %dma_start3A_110 : memref<1x1x96xi32, #tpu.memory_space<vmem>> -> memref<96xi32, #tpu.memory_space<vmem>>
      %dma_start3A_112 = arith.constant 0 : i32
      %dma_start3A_113 = arith.constant 0 : i32
      %dma_start3A_114 = tpu.memref_slice %arg11[%dma_start3A_112, %dma_start3A_113] : memref<10240x128xf32, #tpu.memory_space<vmem_shared>> -> memref<10240x128xf32, #tpu.memory_space<vmem_shared>>
      tpu.enqueue_indirect_dma source(%dma_start3A_108 : memref<96x128xf32, #tpu.memory_space<vmem>>) target(%dma_start3A_114 : memref<10240x128xf32, #tpu.memory_space<vmem_shared>>) offsets(%dma_start3A_111 : memref<96xi32, #tpu.memory_space<vmem>>) semaphore(%run_scoped3A_104 : memref<!tpu.dma_semaphore, #tpu.memory_space<semaphore_mem>>) {add = true}
      %dma_wait3A_115 = arith.constant 0 : i32
      %dma_wait3A_116 = arith.constant 0 : i32
      %dma_wait3A_117 = tpu.memref_slice %arg9[%run_scoped3A_98, %dma_wait3A_115, %dma_wait3A_116] : memref<2x96x128xf32, #tpu.memory_space<vmem>> -> memref<1x96x128xf32, #tpu.memory_space<vmem>>
      %dma_wait3A_118 = tpu.memref_squeeze %dma_wait3A_117 : memref<1x96x128xf32, #tpu.memory_space<vmem>> -> memref<96x128xf32, #tpu.memory_space<vmem>>
      %dma_wait3A_119 = arith.constant 0 : i32
      %dma_wait3A_120 = tpu.memref_slice %arg8[%run_scoped3A_99, %run_scoped3A_100, %dma_wait3A_119] : memref<2x106x96xi32, #tpu.memory_space<vmem>> -> memref<1x1x96xi32, #tpu.memory_space<vmem>>
      %dma_wait3A_121 = tpu.memref_squeeze %dma_wait3A_120 : memref<1x1x96xi32, #tpu.memory_space<vmem>> -> memref<96xi32, #tpu.memory_space<vmem>>
      %dma_wait3A_122 = arith.constant 0 : i32
      %dma_wait3A_123 = arith.constant 0 : i32
      %dma_wait3A_124 = tpu.memref_slice %arg11[%dma_wait3A_122, %dma_wait3A_123] : memref<10240x128xf32, #tpu.memory_space<vmem_shared>> -> memref<10240x128xf32, #tpu.memory_space<vmem_shared>>
      tpu.wait_indirect_dma semaphore(%run_scoped3A_104 : memref<!tpu.dma_semaphore, #tpu.memory_space<semaphore_mem>>) src(%dma_wait3A_118 : memref<96x128xf32, #tpu.memory_space<vmem>>) dst(%dma_wait3A_124 : memref<10240x128xf32, #tpu.memory_space<vmem_shared>>)
      tpu.yield
    }) : () -> ()
    %run_scoped3A_101 = arith.constant 1 : i32
    %run_scoped3A_102 = arith.constant 105 : i32
    "tpu.region"() ({
      %run_scoped3A_104 = tpu.sem_alloc : memref<!tpu.dma_semaphore, #tpu.memory_space<semaphore_mem>>
      %dma_start3A_105 = arith.constant 0 : i32
      %dma_start3A_106 = tpu.memref_slice %arg8[%run_scoped3A_101, %run_scoped3A_102, %dma_start3A_105] : memref<2x106x96xi32, #tpu.memory_space<vmem>> -> memref<1x1x96xi32, #tpu.memory_space<vmem>>
      %dma_start3A_107 = tpu.memref_squeeze %dma_start3A_106 : memref<1x1x96xi32, #tpu.memory_space<vmem>> -> memref<96xi32, #tpu.memory_space<vmem>>
      %dma_start3A_108 = arith.constant 0 : i32
      %dma_start3A_109 = tpu.memref_slice %arg12[%dma_start3A_108] : memref<10240xf32, #tpu.memory_space<vmem_shared>> -> memref<10240xf32, #tpu.memory_space<vmem_shared>>
      tpu.enqueue_indirect_dma source(%arg10 : memref<96xf32, #tpu.memory_space<vmem>>) target(%dma_start3A_109 : memref<10240xf32, #tpu.memory_space<vmem_shared>>) offsets(%dma_start3A_107 : memref<96xi32, #tpu.memory_space<vmem>>) semaphore(%run_scoped3A_104 : memref<!tpu.dma_semaphore, #tpu.memory_space<semaphore_mem>>) {add = true}
      %dma_wait3A_110 = arith.constant 0 : i32
      %dma_wait3A_111 = tpu.memref_slice %arg8[%run_scoped3A_101, %run_scoped3A_102, %dma_wait3A_110] : memref<2x106x96xi32, #tpu.memory_space<vmem>> -> memref<1x1x96xi32, #tpu.memory_space<vmem>>
      %dma_wait3A_112 = tpu.memref_squeeze %dma_wait3A_111 : memref<1x1x96xi32, #tpu.memory_space<vmem>> -> memref<96xi32, #tpu.memory_space<vmem>>
      %dma_wait3A_113 = arith.constant 0 : i32
      %dma_wait3A_114 = tpu.memref_slice %arg12[%dma_wait3A_113] : memref<10240xf32, #tpu.memory_space<vmem_shared>> -> memref<10240xf32, #tpu.memory_space<vmem_shared>>
      tpu.wait_indirect_dma semaphore(%run_scoped3A_104 : memref<!tpu.dma_semaphore, #tpu.memory_space<semaphore_mem>>) src(%arg10 : memref<96xf32, #tpu.memory_space<vmem>>) dst(%dma_wait3A_114 : memref<10240xf32, #tpu.memory_space<vmem_shared>>)
      tpu.yield
    }) : () -> ()
    %barrier3A_103 = arith.constant 0 : index
    tpu.barrier barrier_id(%barrier3A_103)
    "tpu.region"() ({
      %run_scoped3A_104 = tpu.sem_alloc : memref<!tpu.dma_semaphore, #tpu.memory_space<semaphore_mem>>
      %dma_start3A_105 = arith.constant 0 : i32
      %dma_start3A_106 = tpu.memref_slice %arg6[%arg0, %mul3A_2, %dma_start3A_105] : memref<2x10240x128xf32, #tpu.memory_space<hbm>> -> memref<1x640x128xf32, #tpu.memory_space<hbm>>
      %dma_start3A_107 = tpu.memref_squeeze %dma_start3A_106 : memref<1x640x128xf32, #tpu.memory_space<hbm>> -> memref<640x128xf32, #tpu.memory_space<hbm>>
      %dma_start3A_108 = arith.constant 0 : i32
      %dma_start3A_109 = tpu.memref_slice %arg11[%mul3A_2, %dma_start3A_108] : memref<10240x128xf32, #tpu.memory_space<vmem_shared>> -> memref<640x128xf32, #tpu.memory_space<vmem_shared>>
      tpu.enqueue_dma source(%dma_start3A_109 : memref<640x128xf32, #tpu.memory_space<vmem_shared>>) target(%dma_start3A_107 : memref<640x128xf32, #tpu.memory_space<hbm>>) target_semaphore(%run_scoped3A_104 : memref<!tpu.dma_semaphore, #tpu.memory_space<semaphore_mem>>)
      %dma_wait3A_110 = arith.constant 0 : i32
      %dma_wait3A_111 = tpu.memref_slice %arg6[%arg0, %mul3A_2, %dma_wait3A_110] : memref<2x10240x128xf32, #tpu.memory_space<hbm>> -> memref<1x640x128xf32, #tpu.memory_space<hbm>>
      %dma_wait3A_112 = tpu.memref_squeeze %dma_wait3A_111 : memref<1x640x128xf32, #tpu.memory_space<hbm>> -> memref<640x128xf32, #tpu.memory_space<hbm>>
      %dma_wait3A_113 = arith.constant 0 : i32
      %dma_wait3A_114 = tpu.memref_slice %arg11[%mul3A_2, %dma_wait3A_113] : memref<10240x128xf32, #tpu.memory_space<vmem_shared>> -> memref<640x128xf32, #tpu.memory_space<vmem_shared>>
      tpu.wait_dma2 semaphore(%run_scoped3A_104 : memref<!tpu.dma_semaphore, #tpu.memory_space<semaphore_mem>>) src(%dma_wait3A_114 : memref<640x128xf32, #tpu.memory_space<vmem_shared>>) dst(%dma_wait3A_112 : memref<640x128xf32, #tpu.memory_space<hbm>>)
      tpu.yield
    }) : () -> ()
    "tpu.region"() ({
      %run_scoped3A_104 = tpu.sem_alloc : memref<!tpu.dma_semaphore, #tpu.memory_space<semaphore_mem>>
      %dma_start3A_105 = tpu.memref_slice %arg7[%arg0, %mul3A_2] : memref<2x10240xf32, #tpu.memory_space<hbm>> -> memref<1x640xf32, #tpu.memory_space<hbm>>
      %dma_start3A_106 = tpu.memref_squeeze %dma_start3A_105 : memref<1x640xf32, #tpu.memory_space<hbm>> -> memref<640xf32, #tpu.memory_space<hbm>>
      %dma_start3A_107 = tpu.memref_slice %arg12[%mul3A_2] : memref<10240xf32, #tpu.memory_space<vmem_shared>> -> memref<640xf32, #tpu.memory_space<vmem_shared>>
      tpu.enqueue_dma source(%dma_start3A_107 : memref<640xf32, #tpu.memory_space<vmem_shared>>) target(%dma_start3A_106 : memref<640xf32, #tpu.memory_space<hbm>>) target_semaphore(%run_scoped3A_104 : memref<!tpu.dma_semaphore, #tpu.memory_space<semaphore_mem>>)
      %dma_wait3A_108 = tpu.memref_slice %arg7[%arg0, %mul3A_2] : memref<2x10240xf32, #tpu.memory_space<hbm>> -> memref<1x640xf32, #tpu.memory_space<hbm>>
      %dma_wait3A_109 = tpu.memref_squeeze %dma_wait3A_108 : memref<1x640xf32, #tpu.memory_space<hbm>> -> memref<640xf32, #tpu.memory_space<hbm>>
      %dma_wait3A_110 = tpu.memref_slice %arg12[%mul3A_2] : memref<10240xf32, #tpu.memory_space<vmem_shared>> -> memref<640xf32, #tpu.memory_space<vmem_shared>>
      tpu.wait_dma2 semaphore(%run_scoped3A_104 : memref<!tpu.dma_semaphore, #tpu.memory_space<semaphore_mem>>) src(%dma_wait3A_110 : memref<640xf32, #tpu.memory_space<vmem_shared>>) dst(%dma_wait3A_109 : memref<640xf32, #tpu.memory_space<hbm>>)
      tpu.yield
    }) : () -> ()
    return
  }
}

#map = affine_map<(d0, d1) -> (0, 0, 0, 0)>
#map1 = affine_map<(d0, d1) -> (0, 0)>
#map2 = affine_map<(d0, d1) -> (0)>
#map3 = affine_map<(d0, d1) -> (0, 0, 0)>
module attributes {stable_mosaic.version = 14 : i64} {
  func.func @_sc_body(%arg0: i32, %arg1: i32, %arg2: memref<32x2x106x96xi32, #tpu.memory_space<hbm>>, %arg3: memref<10240x128xf32, #tpu.memory_space<hbm>>, %arg4: memref<640x128xf32, #tpu.memory_space<hbm>>, %arg5: memref<640xf32, #tpu.memory_space<hbm>>, %arg6: memref<2x10240x128xf32, #tpu.memory_space<hbm>>, %arg7: memref<2x10240xf32, #tpu.memory_space<hbm>>, %arg8: memref<2x106x96xi32, #tpu.memory_space<vmem>>, %arg9: memref<2x96x128xf32, #tpu.memory_space<vmem>>, %arg10: memref<96xf32, #tpu.memory_space<vmem>>, %arg11: memref<10240x128xf32, #tpu.memory_space<vmem_shared>>, %arg12: memref<10240xf32, #tpu.memory_space<vmem_shared>>, %arg13: memref<!tpu.dma_semaphore, #tpu.memory_space<semaphore_mem>>, %arg14: memref<!tpu.dma_semaphore, #tpu.memory_space<semaphore_mem>>) attributes {dimension_semantics = [#tpu.dimension_semantics<core_parallel>, #tpu.dimension_semantics<subcore_parallel>], iteration_bounds = array<i64: 2, 16>, scalar_prefetch = 0 : i64, scratch_operands = 7 : i64, tpu.core_type = #tpu.core_type<sc_vector_subcore>, window_params = [{transform_indices = #map}, {transform_indices = #map1}, {transform_indices = #map1}, {transform_indices = #map2}, {transform_indices = #map3}, {transform_indices = #map1}]} {
    %mul3A = arith.constant 2 : i32
    %mul3A_0 = arith.muli %arg1, %mul3A : i32
    %add3A = arith.addi %mul3A_0, %arg0 : i32
    %mul3A_1 = arith.constant 640 : i32
    %mul3A_2 = arith.muli %arg1, %mul3A_1 : i32
    "tpu.region"() ({
      %run_scoped3A_66 = tpu.sem_alloc : memref<!tpu.dma_semaphore, #tpu.memory_space<semaphore_mem>>
      %dma_start3A_67 = arith.constant 0 : i32
      %dma_start3A_68 = tpu.memref_slice %arg11[%mul3A_2, %dma_start3A_67] : memref<10240x128xf32, #tpu.memory_space<vmem_shared>> -> memref<640x128xf32, #tpu.memory_space<vmem_shared>>
      tpu.enqueue_dma source(%arg4 : memref<640x128xf32, #tpu.memory_space<hbm>>) target(%dma_start3A_68 : memref<640x128xf32, #tpu.memory_space<vmem_shared>>) target_semaphore(%run_scoped3A_66 : memref<!tpu.dma_semaphore, #tpu.memory_space<semaphore_mem>>)
      %dma_wait3A_69 = arith.constant 0 : i32
      %dma_wait3A_70 = tpu.memref_slice %arg11[%mul3A_2, %dma_wait3A_69] : memref<10240x128xf32, #tpu.memory_space<vmem_shared>> -> memref<640x128xf32, #tpu.memory_space<vmem_shared>>
      tpu.wait_dma2 semaphore(%run_scoped3A_66 : memref<!tpu.dma_semaphore, #tpu.memory_space<semaphore_mem>>) src(%arg4 : memref<640x128xf32, #tpu.memory_space<hbm>>) dst(%dma_wait3A_70 : memref<640x128xf32, #tpu.memory_space<vmem_shared>>)
      tpu.yield
    }) : () -> ()
    "tpu.region"() ({
      %run_scoped3A_66 = tpu.sem_alloc : memref<!tpu.dma_semaphore, #tpu.memory_space<semaphore_mem>>
      %dma_start3A_67 = arith.constant 0 : i32
      %dma_start3A_68 = arith.constant 0 : i32
      %dma_start3A_69 = arith.constant 0 : i32
      %dma_start3A_70 = tpu.memref_slice %arg2[%add3A, %dma_start3A_67, %dma_start3A_68, %dma_start3A_69] : memref<32x2x106x96xi32, #tpu.memory_space<hbm>> -> memref<1x2x106x96xi32, #tpu.memory_space<hbm>>
      %dma_start3A_71 = tpu.memref_squeeze %dma_start3A_70 : memref<1x2x106x96xi32, #tpu.memory_space<hbm>> -> memref<2x106x96xi32, #tpu.memory_space<hbm>>
      %dma_start3A_72 = arith.constant 0 : i32
      %dma_start3A_73 = arith.constant 0 : i32
      %dma_start3A_74 = arith.constant 0 : i32
      %dma_start3A_75 = tpu.memref_slice %arg2[%add3A, %dma_start3A_72, %dma_start3A_73, %dma_start3A_74] : memref<32x2x106x96xi32, #tpu.memory_space<hbm>> -> memref<1x2x106x96xi32, #tpu.memory_space<hbm>>
      %dma_start3A_76 = tpu.memref_squeeze %dma_start3A_75 : memref<1x2x106x96xi32, #tpu.memory_space<hbm>> -> memref<2x106x96xi32, #tpu.memory_space<hbm>>
      tpu.enqueue_dma source(%dma_start3A_76 : memref<2x106x96xi32, #tpu.memory_space<hbm>>) target(%arg8 : memref<2x106x96xi32, #tpu.memory_space<vmem>>) target_semaphore(%run_scoped3A_66 : memref<!tpu.dma_semaphore, #tpu.memory_space<semaphore_mem>>)
      %dma_wait3A_77 = arith.constant 0 : i32
      %dma_wait3A_78 = arith.constant 0 : i32
      %dma_wait3A_79 = arith.constant 0 : i32
      %dma_wait3A_80 = tpu.memref_slice %arg2[%add3A, %dma_wait3A_77, %dma_wait3A_78, %dma_wait3A_79] : memref<32x2x106x96xi32, #tpu.memory_space<hbm>> -> memref<1x2x106x96xi32, #tpu.memory_space<hbm>>
      %dma_wait3A_81 = tpu.memref_squeeze %dma_wait3A_80 : memref<1x2x106x96xi32, #tpu.memory_space<hbm>> -> memref<2x106x96xi32, #tpu.memory_space<hbm>>
      %dma_wait3A_82 = arith.constant 0 : i32
      %dma_wait3A_83 = arith.constant 0 : i32
      %dma_wait3A_84 = arith.constant 0 : i32
      %dma_wait3A_85 = tpu.memref_slice %arg2[%add3A, %dma_wait3A_82, %dma_wait3A_83, %dma_wait3A_84] : memref<32x2x106x96xi32, #tpu.memory_space<hbm>> -> memref<1x2x106x96xi32, #tpu.memory_space<hbm>>
      %dma_wait3A_86 = tpu.memref_squeeze %dma_wait3A_85 : memref<1x2x106x96xi32, #tpu.memory_space<hbm>> -> memref<2x106x96xi32, #tpu.memory_space<hbm>>
      tpu.wait_dma2 semaphore(%run_scoped3A_66 : memref<!tpu.dma_semaphore, #tpu.memory_space<semaphore_mem>>) src(%dma_wait3A_86 : memref<2x106x96xi32, #tpu.memory_space<hbm>>) dst(%arg8 : memref<2x106x96xi32, #tpu.memory_space<vmem>>)
      tpu.yield
    }) : () -> ()
    %barrier3A = arith.constant 0 : index
    tpu.barrier barrier_id(%barrier3A)
    %dma_start3A = arith.constant 0 : i32
    %dma_start3A_3 = arith.constant 0 : i32
    %dma_start3A_4 = arith.constant 0 : i32
    %dma_start3A_5 = arith.constant 0 : i32
    %dma_start3A_6 = arith.constant 0 : i32
    %dma_start3A_7 = tpu.memref_slice %arg9[%dma_start3A_4, %dma_start3A_5, %dma_start3A_6] : memref<2x96x128xf32, #tpu.memory_space<vmem>> -> memref<1x96x128xf32, #tpu.memory_space<vmem>>
    %dma_start3A_8 = tpu.memref_squeeze %dma_start3A_7 : memref<1x96x128xf32, #tpu.memory_space<vmem>> -> memref<96x128xf32, #tpu.memory_space<vmem>>
    %dma_start3A_9 = arith.constant 0 : i32
    %dma_start3A_10 = tpu.memref_slice %arg8[%dma_start3A, %dma_start3A_3, %dma_start3A_9] : memref<2x106x96xi32, #tpu.memory_space<vmem>> -> memref<1x1x96xi32, #tpu.memory_space<vmem>>
    %dma_start3A_11 = tpu.memref_squeeze %dma_start3A_10 : memref<1x1x96xi32, #tpu.memory_space<vmem>> -> memref<96xi32, #tpu.memory_space<vmem>>
    %dma_start3A_12 = arith.constant 0 : i32
    %dma_start3A_13 = arith.constant 0 : i32
    %dma_start3A_14 = tpu.memref_slice %arg3[%dma_start3A_12, %dma_start3A_13] : memref<10240x128xf32, #tpu.memory_space<hbm>> -> memref<10240x128xf32, #tpu.memory_space<hbm>>
    tpu.enqueue_indirect_dma source(%dma_start3A_14 : memref<10240x128xf32, #tpu.memory_space<hbm>>) target(%dma_start3A_8 : memref<96x128xf32, #tpu.memory_space<vmem>>) offsets(%dma_start3A_11 : memref<96xi32, #tpu.memory_space<vmem>>) semaphore(%arg13 : memref<!tpu.dma_semaphore, #tpu.memory_space<semaphore_mem>>)
    %scan3A = arith.constant 0 : i32
    %scan3A_15 = arith.constant 0 : i32
    %scan3A_16 = arith.constant 1 : i32
    %scan3A_17 = arith.constant 0 : i32
    %scan3A_18 = arith.constant 52 : i32
    %scan3A_19 = arith.addi %scan3A_17, %scan3A_18 : i32
    %scan3A_20 = arith.constant 1 : i32
    scf.for %scan3A_66 = %scan3A_17 to %scan3A_19 step %scan3A_20  : i32 {
      %mul3A_67 = arith.constant 2 : i32
      %mul3A_68 = arith.muli %mul3A_67, %scan3A_66 : i32
      %dma_wait3A_69 = arith.constant 0 : i32
      %dma_wait3A_70 = arith.constant 0 : i32
      %dma_wait3A_71 = arith.constant 0 : i32
      %dma_wait3A_72 = arith.constant 0 : i32
      %dma_wait3A_73 = tpu.memref_slice %arg9[%scan3A_15, %dma_wait3A_71, %dma_wait3A_72] : memref<2x96x128xf32, #tpu.memory_space<vmem>> -> memref<1x96x128xf32, #tpu.memory_space<vmem>>
      %dma_wait3A_74 = tpu.memref_squeeze %dma_wait3A_73 : memref<1x96x128xf32, #tpu.memory_space<vmem>> -> memref<96x128xf32, #tpu.memory_space<vmem>>
      %dma_wait3A_75 = arith.constant 0 : i32
      %dma_wait3A_76 = tpu.memref_slice %arg8[%dma_wait3A_69, %dma_wait3A_70, %dma_wait3A_75] : memref<2x106x96xi32, #tpu.memory_space<vmem>> -> memref<1x1x96xi32, #tpu.memory_space<vmem>>
      %dma_wait3A_77 = tpu.memref_squeeze %dma_wait3A_76 : memref<1x1x96xi32, #tpu.memory_space<vmem>> -> memref<96xi32, #tpu.memory_space<vmem>>
      %dma_wait3A_78 = arith.constant 0 : i32
      %dma_wait3A_79 = arith.constant 0 : i32
      %dma_wait3A_80 = tpu.memref_slice %arg3[%dma_wait3A_78, %dma_wait3A_79] : memref<10240x128xf32, #tpu.memory_space<hbm>> -> memref<10240x128xf32, #tpu.memory_space<hbm>>
      tpu.wait_indirect_dma semaphore(%arg13 : memref<!tpu.dma_semaphore, #tpu.memory_space<semaphore_mem>>) src(%dma_wait3A_80 : memref<10240x128xf32, #tpu.memory_space<hbm>>) dst(%dma_wait3A_74 : memref<96x128xf32, #tpu.memory_space<vmem>>)
      %add3A_81 = arith.constant 1 : i32
      %add3A_82 = arith.addi %mul3A_68, %add3A_81 : i32
      %dma_start3A_83 = arith.constant 0 : i32
      %dma_start3A_84 = arith.constant 0 : i32
      %dma_start3A_85 = arith.constant 0 : i32
      %dma_start3A_86 = tpu.memref_slice %arg9[%scan3A_16, %dma_start3A_84, %dma_start3A_85] : memref<2x96x128xf32, #tpu.memory_space<vmem>> -> memref<1x96x128xf32, #tpu.memory_space<vmem>>
      %dma_start3A_87 = tpu.memref_squeeze %dma_start3A_86 : memref<1x96x128xf32, #tpu.memory_space<vmem>> -> memref<96x128xf32, #tpu.memory_space<vmem>>
      %dma_start3A_88 = arith.constant 0 : i32
      %dma_start3A_89 = tpu.memref_slice %arg8[%dma_start3A_83, %add3A_82, %dma_start3A_88] : memref<2x106x96xi32, #tpu.memory_space<vmem>> -> memref<1x1x96xi32, #tpu.memory_space<vmem>>
      %dma_start3A_90 = tpu.memref_squeeze %dma_start3A_89 : memref<1x1x96xi32, #tpu.memory_space<vmem>> -> memref<96xi32, #tpu.memory_space<vmem>>
      %dma_start3A_91 = arith.constant 0 : i32
      %dma_start3A_92 = arith.constant 0 : i32
      %dma_start3A_93 = tpu.memref_slice %arg3[%dma_start3A_91, %dma_start3A_92] : memref<10240x128xf32, #tpu.memory_space<hbm>> -> memref<10240x128xf32, #tpu.memory_space<hbm>>
      tpu.enqueue_indirect_dma source(%dma_start3A_93 : memref<10240x128xf32, #tpu.memory_space<hbm>>) target(%dma_start3A_87 : memref<96x128xf32, #tpu.memory_space<vmem>>) offsets(%dma_start3A_90 : memref<96xi32, #tpu.memory_space<vmem>>) semaphore(%arg14 : memref<!tpu.dma_semaphore, #tpu.memory_space<semaphore_mem>>)
      %run_scoped3A_94 = arith.constant 1 : i32
      "tpu.region"() ({
        %run_scoped3A_123 = tpu.sem_alloc : memref<!tpu.dma_semaphore, #tpu.memory_space<semaphore_mem>>
        %dma_start3A_124 = arith.constant 0 : i32
        %dma_start3A_125 = arith.constant 0 : i32
        %dma_start3A_126 = tpu.memref_slice %arg9[%scan3A_15, %dma_start3A_124, %dma_start3A_125] : memref<2x96x128xf32, #tpu.memory_space<vmem>> -> memref<1x96x128xf32, #tpu.memory_space<vmem>>
        %dma_start3A_127 = tpu.memref_squeeze %dma_start3A_126 : memref<1x96x128xf32, #tpu.memory_space<vmem>> -> memref<96x128xf32, #tpu.memory_space<vmem>>
        %dma_start3A_128 = arith.constant 0 : i32
        %dma_start3A_129 = tpu.memref_slice %arg8[%run_scoped3A_94, %mul3A_68, %dma_start3A_128] : memref<2x106x96xi32, #tpu.memory_space<vmem>> -> memref<1x1x96xi32, #tpu.memory_space<vmem>>
        %dma_start3A_130 = tpu.memref_squeeze %dma_start3A_129 : memref<1x1x96xi32, #tpu.memory_space<vmem>> -> memref<96xi32, #tpu.memory_space<vmem>>
        %dma_start3A_131 = arith.constant 0 : i32
        %dma_start3A_132 = arith.constant 0 : i32
        %dma_start3A_133 = tpu.memref_slice %arg11[%dma_start3A_131, %dma_start3A_132] : memref<10240x128xf32, #tpu.memory_space<vmem_shared>> -> memref<10240x128xf32, #tpu.memory_space<vmem_shared>>
        tpu.enqueue_indirect_dma source(%dma_start3A_127 : memref<96x128xf32, #tpu.memory_space<vmem>>) target(%dma_start3A_133 : memref<10240x128xf32, #tpu.memory_space<vmem_shared>>) offsets(%dma_start3A_130 : memref<96xi32, #tpu.memory_space<vmem>>) semaphore(%run_scoped3A_123 : memref<!tpu.dma_semaphore, #tpu.memory_space<semaphore_mem>>) {add = true}
        %dma_wait3A_134 = arith.constant 0 : i32
        %dma_wait3A_135 = arith.constant 0 : i32
        %dma_wait3A_136 = tpu.memref_slice %arg9[%scan3A_15, %dma_wait3A_134, %dma_wait3A_135] : memref<2x96x128xf32, #tpu.memory_space<vmem>> -> memref<1x96x128xf32, #tpu.memory_space<vmem>>
        %dma_wait3A_137 = tpu.memref_squeeze %dma_wait3A_136 : memref<1x96x128xf32, #tpu.memory_space<vmem>> -> memref<96x128xf32, #tpu.memory_space<vmem>>
        %dma_wait3A_138 = arith.constant 0 : i32
        %dma_wait3A_139 = tpu.memref_slice %arg8[%run_scoped3A_94, %mul3A_68, %dma_wait3A_138] : memref<2x106x96xi32, #tpu.memory_space<vmem>> -> memref<1x1x96xi32, #tpu.memory_space<vmem>>
        %dma_wait3A_140 = tpu.memref_squeeze %dma_wait3A_139 : memref<1x1x96xi32, #tpu.memory_space<vmem>> -> memref<96xi32, #tpu.memory_space<vmem>>
        %dma_wait3A_141 = arith.constant 0 : i32
        %dma_wait3A_142 = arith.constant 0 : i32
        %dma_wait3A_143 = tpu.memref_slice %arg11[%dma_wait3A_141, %dma_wait3A_142] : memref<10240x128xf32, #tpu.memory_space<vmem_shared>> -> memref<10240x128xf32, #tpu.memory_space<vmem_shared>>
        tpu.wait_indirect_dma semaphore(%run_scoped3A_123 : memref<!tpu.dma_semaphore, #tpu.memory_space<semaphore_mem>>) src(%dma_wait3A_137 : memref<96x128xf32, #tpu.memory_space<vmem>>) dst(%dma_wait3A_143 : memref<10240x128xf32, #tpu.memory_space<vmem_shared>>)
        tpu.yield
      }) : () -> ()
      %dma_wait3A_95 = arith.constant 0 : i32
      %dma_wait3A_96 = arith.constant 0 : i32
      %dma_wait3A_97 = arith.constant 0 : i32
      %dma_wait3A_98 = arith.constant 0 : i32
      %dma_wait3A_99 = tpu.memref_slice %arg9[%scan3A_16, %dma_wait3A_97, %dma_wait3A_98] : memref<2x96x128xf32, #tpu.memory_space<vmem>> -> memref<1x96x128xf32, #tpu.memory_space<vmem>>
      %dma_wait3A_100 = tpu.memref_squeeze %dma_wait3A_99 : memref<1x96x128xf32, #tpu.memory_space<vmem>> -> memref<96x128xf32, #tpu.memory_space<vmem>>
      %dma_wait3A_101 = arith.constant 0 : i32
      %dma_wait3A_102 = tpu.memref_slice %arg8[%dma_wait3A_95, %dma_wait3A_96, %dma_wait3A_101] : memref<2x106x96xi32, #tpu.memory_space<vmem>> -> memref<1x1x96xi32, #tpu.memory_space<vmem>>
      %dma_wait3A_103 = tpu.memref_squeeze %dma_wait3A_102 : memref<1x1x96xi32, #tpu.memory_space<vmem>> -> memref<96xi32, #tpu.memory_space<vmem>>
      %dma_wait3A_104 = arith.constant 0 : i32
      %dma_wait3A_105 = arith.constant 0 : i32
      %dma_wait3A_106 = tpu.memref_slice %arg3[%dma_wait3A_104, %dma_wait3A_105] : memref<10240x128xf32, #tpu.memory_space<hbm>> -> memref<10240x128xf32, #tpu.memory_space<hbm>>
      tpu.wait_indirect_dma semaphore(%arg14 : memref<!tpu.dma_semaphore, #tpu.memory_space<semaphore_mem>>) src(%dma_wait3A_106 : memref<10240x128xf32, #tpu.memory_space<hbm>>) dst(%dma_wait3A_100 : memref<96x128xf32, #tpu.memory_space<vmem>>)
      %add3A_107 = arith.constant 2 : i32
      %add3A_108 = arith.addi %mul3A_68, %add3A_107 : i32
      %dma_start3A_109 = arith.constant 0 : i32
      %dma_start3A_110 = arith.constant 0 : i32
      %dma_start3A_111 = arith.constant 0 : i32
      %dma_start3A_112 = tpu.memref_slice %arg9[%scan3A_15, %dma_start3A_110, %dma_start3A_111] : memref<2x96x128xf32, #tpu.memory_space<vmem>> -> memref<1x96x128xf32, #tpu.memory_space<vmem>>
      %dma_start3A_113 = tpu.memref_squeeze %dma_start3A_112 : memref<1x96x128xf32, #tpu.memory_space<vmem>> -> memref<96x128xf32, #tpu.memory_space<vmem>>
      %dma_start3A_114 = arith.constant 0 : i32
      %dma_start3A_115 = tpu.memref_slice %arg8[%dma_start3A_109, %add3A_108, %dma_start3A_114] : memref<2x106x96xi32, #tpu.memory_space<vmem>> -> memref<1x1x96xi32, #tpu.memory_space<vmem>>
      %dma_start3A_116 = tpu.memref_squeeze %dma_start3A_115 : memref<1x1x96xi32, #tpu.memory_space<vmem>> -> memref<96xi32, #tpu.memory_space<vmem>>
      %dma_start3A_117 = arith.constant 0 : i32
      %dma_start3A_118 = arith.constant 0 : i32
      %dma_start3A_119 = tpu.memref_slice %arg3[%dma_start3A_117, %dma_start3A_118] : memref<10240x128xf32, #tpu.memory_space<hbm>> -> memref<10240x128xf32, #tpu.memory_space<hbm>>
      tpu.enqueue_indirect_dma source(%dma_start3A_119 : memref<10240x128xf32, #tpu.memory_space<hbm>>) target(%dma_start3A_113 : memref<96x128xf32, #tpu.memory_space<vmem>>) offsets(%dma_start3A_116 : memref<96xi32, #tpu.memory_space<vmem>>) semaphore(%arg13 : memref<!tpu.dma_semaphore, #tpu.memory_space<semaphore_mem>>)
      %add3A_120 = arith.constant 1 : i32
      %add3A_121 = arith.addi %mul3A_68, %add3A_120 : i32
      %run_scoped3A_122 = arith.constant 1 : i32
      "tpu.region"() ({
        %run_scoped3A_123 = tpu.sem_alloc : memref<!tpu.dma_semaphore, #tpu.memory_space<semaphore_mem>>
        %dma_start3A_124 = arith.constant 0 : i32
        %dma_start3A_125 = arith.constant 0 : i32
        %dma_start3A_126 = tpu.memref_slice %arg9[%scan3A_16, %dma_start3A_124, %dma_start3A_125] : memref<2x96x128xf32, #tpu.memory_space<vmem>> -> memref<1x96x128xf32, #tpu.memory_space<vmem>>
        %dma_start3A_127 = tpu.memref_squeeze %dma_start3A_126 : memref<1x96x128xf32, #tpu.memory_space<vmem>> -> memref<96x128xf32, #tpu.memory_space<vmem>>
        %dma_start3A_128 = arith.constant 0 : i32
        %dma_start3A_129 = tpu.memref_slice %arg8[%run_scoped3A_122, %add3A_121, %dma_start3A_128] : memref<2x106x96xi32, #tpu.memory_space<vmem>> -> memref<1x1x96xi32, #tpu.memory_space<vmem>>
        %dma_start3A_130 = tpu.memref_squeeze %dma_start3A_129 : memref<1x1x96xi32, #tpu.memory_space<vmem>> -> memref<96xi32, #tpu.memory_space<vmem>>
        %dma_start3A_131 = arith.constant 0 : i32
        %dma_start3A_132 = arith.constant 0 : i32
        %dma_start3A_133 = tpu.memref_slice %arg11[%dma_start3A_131, %dma_start3A_132] : memref<10240x128xf32, #tpu.memory_space<vmem_shared>> -> memref<10240x128xf32, #tpu.memory_space<vmem_shared>>
        tpu.enqueue_indirect_dma source(%dma_start3A_127 : memref<96x128xf32, #tpu.memory_space<vmem>>) target(%dma_start3A_133 : memref<10240x128xf32, #tpu.memory_space<vmem_shared>>) offsets(%dma_start3A_130 : memref<96xi32, #tpu.memory_space<vmem>>) semaphore(%run_scoped3A_123 : memref<!tpu.dma_semaphore, #tpu.memory_space<semaphore_mem>>) {add = true}
        %dma_wait3A_134 = arith.constant 0 : i32
        %dma_wait3A_135 = arith.constant 0 : i32
        %dma_wait3A_136 = tpu.memref_slice %arg9[%scan3A_16, %dma_wait3A_134, %dma_wait3A_135] : memref<2x96x128xf32, #tpu.memory_space<vmem>> -> memref<1x96x128xf32, #tpu.memory_space<vmem>>
        %dma_wait3A_137 = tpu.memref_squeeze %dma_wait3A_136 : memref<1x96x128xf32, #tpu.memory_space<vmem>> -> memref<96x128xf32, #tpu.memory_space<vmem>>
        %dma_wait3A_138 = arith.constant 0 : i32
        %dma_wait3A_139 = tpu.memref_slice %arg8[%run_scoped3A_122, %add3A_121, %dma_wait3A_138] : memref<2x106x96xi32, #tpu.memory_space<vmem>> -> memref<1x1x96xi32, #tpu.memory_space<vmem>>
        %dma_wait3A_140 = tpu.memref_squeeze %dma_wait3A_139 : memref<1x1x96xi32, #tpu.memory_space<vmem>> -> memref<96xi32, #tpu.memory_space<vmem>>
        %dma_wait3A_141 = arith.constant 0 : i32
        %dma_wait3A_142 = arith.constant 0 : i32
        %dma_wait3A_143 = tpu.memref_slice %arg11[%dma_wait3A_141, %dma_wait3A_142] : memref<10240x128xf32, #tpu.memory_space<vmem_shared>> -> memref<10240x128xf32, #tpu.memory_space<vmem_shared>>
        tpu.wait_indirect_dma semaphore(%run_scoped3A_123 : memref<!tpu.dma_semaphore, #tpu.memory_space<semaphore_mem>>) src(%dma_wait3A_137 : memref<96x128xf32, #tpu.memory_space<vmem>>) dst(%dma_wait3A_143 : memref<10240x128xf32, #tpu.memory_space<vmem_shared>>)
        tpu.yield
      }) : () -> ()
    }
    %scan3A_21 = arith.constant 52 : i32
    %dma_wait3A = arith.constant 0 : i32
    %dma_wait3A_22 = arith.constant 0 : i32
    %dma_wait3A_23 = arith.constant 0 : i32
    %dma_wait3A_24 = arith.constant 0 : i32
    %dma_wait3A_25 = arith.constant 0 : i32
    %dma_wait3A_26 = tpu.memref_slice %arg9[%dma_wait3A_23, %dma_wait3A_24, %dma_wait3A_25] : memref<2x96x128xf32, #tpu.memory_space<vmem>> -> memref<1x96x128xf32, #tpu.memory_space<vmem>>
    %dma_wait3A_27 = tpu.memref_squeeze %dma_wait3A_26 : memref<1x96x128xf32, #tpu.memory_space<vmem>> -> memref<96x128xf32, #tpu.memory_space<vmem>>
    %dma_wait3A_28 = arith.constant 0 : i32
    %dma_wait3A_29 = tpu.memref_slice %arg8[%dma_wait3A, %dma_wait3A_22, %dma_wait3A_28] : memref<2x106x96xi32, #tpu.memory_space<vmem>> -> memref<1x1x96xi32, #tpu.memory_space<vmem>>
    %dma_wait3A_30 = tpu.memref_squeeze %dma_wait3A_29 : memref<1x1x96xi32, #tpu.memory_space<vmem>> -> memref<96xi32, #tpu.memory_space<vmem>>
    %dma_wait3A_31 = arith.constant 0 : i32
    %dma_wait3A_32 = arith.constant 0 : i32
    %dma_wait3A_33 = tpu.memref_slice %arg3[%dma_wait3A_31, %dma_wait3A_32] : memref<10240x128xf32, #tpu.memory_space<hbm>> -> memref<10240x128xf32, #tpu.memory_space<hbm>>
    tpu.wait_indirect_dma semaphore(%arg13 : memref<!tpu.dma_semaphore, #tpu.memory_space<semaphore_mem>>) src(%dma_wait3A_33 : memref<10240x128xf32, #tpu.memory_space<hbm>>) dst(%dma_wait3A_27 : memref<96x128xf32, #tpu.memory_space<vmem>>)
    %dma_start3A_34 = arith.constant 0 : i32
    %dma_start3A_35 = arith.constant 105 : i32
    %dma_start3A_36 = arith.constant 1 : i32
    %dma_start3A_37 = arith.constant 0 : i32
    %dma_start3A_38 = arith.constant 0 : i32
    %dma_start3A_39 = tpu.memref_slice %arg9[%dma_start3A_36, %dma_start3A_37, %dma_start3A_38] : memref<2x96x128xf32, #tpu.memory_space<vmem>> -> memref<1x96x128xf32, #tpu.memory_space<vmem>>
    %dma_start3A_40 = tpu.memref_squeeze %dma_start3A_39 : memref<1x96x128xf32, #tpu.memory_space<vmem>> -> memref<96x128xf32, #tpu.memory_space<vmem>>
    %dma_start3A_41 = arith.constant 0 : i32
    %dma_start3A_42 = tpu.memref_slice %arg8[%dma_start3A_34, %dma_start3A_35, %dma_start3A_41] : memref<2x106x96xi32, #tpu.memory_space<vmem>> -> memref<1x1x96xi32, #tpu.memory_space<vmem>>
    %dma_start3A_43 = tpu.memref_squeeze %dma_start3A_42 : memref<1x1x96xi32, #tpu.memory_space<vmem>> -> memref<96xi32, #tpu.memory_space<vmem>>
    %dma_start3A_44 = arith.constant 0 : i32
    %dma_start3A_45 = arith.constant 0 : i32
    %dma_start3A_46 = tpu.memref_slice %arg3[%dma_start3A_44, %dma_start3A_45] : memref<10240x128xf32, #tpu.memory_space<hbm>> -> memref<10240x128xf32, #tpu.memory_space<hbm>>
    tpu.enqueue_indirect_dma source(%dma_start3A_46 : memref<10240x128xf32, #tpu.memory_space<hbm>>) target(%dma_start3A_40 : memref<96x128xf32, #tpu.memory_space<vmem>>) offsets(%dma_start3A_43 : memref<96xi32, #tpu.memory_space<vmem>>) semaphore(%arg14 : memref<!tpu.dma_semaphore, #tpu.memory_space<semaphore_mem>>)
    %run_scoped3A = arith.constant 0 : i32
    %run_scoped3A_47 = arith.constant 1 : i32
    %run_scoped3A_48 = arith.constant 104 : i32
    "tpu.region"() ({
      %run_scoped3A_66 = tpu.sem_alloc : memref<!tpu.dma_semaphore, #tpu.memory_space<semaphore_mem>>
      %dma_start3A_67 = arith.constant 0 : i32
      %dma_start3A_68 = arith.constant 0 : i32
      %dma_start3A_69 = tpu.memref_slice %arg9[%run_scoped3A, %dma_start3A_67, %dma_start3A_68] : memref<2x96x128xf32, #tpu.memory_space<vmem>> -> memref<1x96x128xf32, #tpu.memory_space<vmem>>
      %dma_start3A_70 = tpu.memref_squeeze %dma_start3A_69 : memref<1x96x128xf32, #tpu.memory_space<vmem>> -> memref<96x128xf32, #tpu.memory_space<vmem>>
      %dma_start3A_71 = arith.constant 0 : i32
      %dma_start3A_72 = tpu.memref_slice %arg8[%run_scoped3A_47, %run_scoped3A_48, %dma_start3A_71] : memref<2x106x96xi32, #tpu.memory_space<vmem>> -> memref<1x1x96xi32, #tpu.memory_space<vmem>>
      %dma_start3A_73 = tpu.memref_squeeze %dma_start3A_72 : memref<1x1x96xi32, #tpu.memory_space<vmem>> -> memref<96xi32, #tpu.memory_space<vmem>>
      %dma_start3A_74 = arith.constant 0 : i32
      %dma_start3A_75 = arith.constant 0 : i32
      %dma_start3A_76 = tpu.memref_slice %arg11[%dma_start3A_74, %dma_start3A_75] : memref<10240x128xf32, #tpu.memory_space<vmem_shared>> -> memref<10240x128xf32, #tpu.memory_space<vmem_shared>>
      tpu.enqueue_indirect_dma source(%dma_start3A_70 : memref<96x128xf32, #tpu.memory_space<vmem>>) target(%dma_start3A_76 : memref<10240x128xf32, #tpu.memory_space<vmem_shared>>) offsets(%dma_start3A_73 : memref<96xi32, #tpu.memory_space<vmem>>) semaphore(%run_scoped3A_66 : memref<!tpu.dma_semaphore, #tpu.memory_space<semaphore_mem>>) {add = true}
      %dma_wait3A_77 = arith.constant 0 : i32
      %dma_wait3A_78 = arith.constant 0 : i32
      %dma_wait3A_79 = tpu.memref_slice %arg9[%run_scoped3A, %dma_wait3A_77, %dma_wait3A_78] : memref<2x96x128xf32, #tpu.memory_space<vmem>> -> memref<1x96x128xf32, #tpu.memory_space<vmem>>
      %dma_wait3A_80 = tpu.memref_squeeze %dma_wait3A_79 : memref<1x96x128xf32, #tpu.memory_space<vmem>> -> memref<96x128xf32, #tpu.memory_space<vmem>>
      %dma_wait3A_81 = arith.constant 0 : i32
      %dma_wait3A_82 = tpu.memref_slice %arg8[%run_scoped3A_47, %run_scoped3A_48, %dma_wait3A_81] : memref<2x106x96xi32, #tpu.memory_space<vmem>> -> memref<1x1x96xi32, #tpu.memory_space<vmem>>
      %dma_wait3A_83 = tpu.memref_squeeze %dma_wait3A_82 : memref<1x1x96xi32, #tpu.memory_space<vmem>> -> memref<96xi32, #tpu.memory_space<vmem>>
      %dma_wait3A_84 = arith.constant 0 : i32
      %dma_wait3A_85 = arith.constant 0 : i32
      %dma_wait3A_86 = tpu.memref_slice %arg11[%dma_wait3A_84, %dma_wait3A_85] : memref<10240x128xf32, #tpu.memory_space<vmem_shared>> -> memref<10240x128xf32, #tpu.memory_space<vmem_shared>>
      tpu.wait_indirect_dma semaphore(%run_scoped3A_66 : memref<!tpu.dma_semaphore, #tpu.memory_space<semaphore_mem>>) src(%dma_wait3A_80 : memref<96x128xf32, #tpu.memory_space<vmem>>) dst(%dma_wait3A_86 : memref<10240x128xf32, #tpu.memory_space<vmem_shared>>)
      tpu.yield
    }) : () -> ()
    %dma_wait3A_49 = arith.constant 0 : i32
    %dma_wait3A_50 = arith.constant 0 : i32
    %dma_wait3A_51 = arith.constant 1 : i32
    %dma_wait3A_52 = arith.constant 0 : i32
    %dma_wait3A_53 = arith.constant 0 : i32
    %dma_wait3A_54 = tpu.memref_slice %arg9[%dma_wait3A_51, %dma_wait3A_52, %dma_wait3A_53] : memref<2x96x128xf32, #tpu.memory_space<vmem>> -> memref<1x96x128xf32, #tpu.memory_space<vmem>>
    %dma_wait3A_55 = tpu.memref_squeeze %dma_wait3A_54 : memref<1x96x128xf32, #tpu.memory_space<vmem>> -> memref<96x128xf32, #tpu.memory_space<vmem>>
    %dma_wait3A_56 = arith.constant 0 : i32
    %dma_wait3A_57 = tpu.memref_slice %arg8[%dma_wait3A_49, %dma_wait3A_50, %dma_wait3A_56] : memref<2x106x96xi32, #tpu.memory_space<vmem>> -> memref<1x1x96xi32, #tpu.memory_space<vmem>>
    %dma_wait3A_58 = tpu.memref_squeeze %dma_wait3A_57 : memref<1x1x96xi32, #tpu.memory_space<vmem>> -> memref<96xi32, #tpu.memory_space<vmem>>
    %dma_wait3A_59 = arith.constant 0 : i32
    %dma_wait3A_60 = arith.constant 0 : i32
    %dma_wait3A_61 = tpu.memref_slice %arg3[%dma_wait3A_59, %dma_wait3A_60] : memref<10240x128xf32, #tpu.memory_space<hbm>> -> memref<10240x128xf32, #tpu.memory_space<hbm>>
    tpu.wait_indirect_dma semaphore(%arg14 : memref<!tpu.dma_semaphore, #tpu.memory_space<semaphore_mem>>) src(%dma_wait3A_61 : memref<10240x128xf32, #tpu.memory_space<hbm>>) dst(%dma_wait3A_55 : memref<96x128xf32, #tpu.memory_space<vmem>>)
    %run_scoped3A_62 = arith.constant 1 : i32
    %run_scoped3A_63 = arith.constant 1 : i32
    %run_scoped3A_64 = arith.constant 105 : i32
    "tpu.region"() ({
      %run_scoped3A_66 = tpu.sem_alloc : memref<!tpu.dma_semaphore, #tpu.memory_space<semaphore_mem>>
      %dma_start3A_67 = arith.constant 0 : i32
      %dma_start3A_68 = arith.constant 0 : i32
      %dma_start3A_69 = tpu.memref_slice %arg9[%run_scoped3A_62, %dma_start3A_67, %dma_start3A_68] : memref<2x96x128xf32, #tpu.memory_space<vmem>> -> memref<1x96x128xf32, #tpu.memory_space<vmem>>
      %dma_start3A_70 = tpu.memref_squeeze %dma_start3A_69 : memref<1x96x128xf32, #tpu.memory_space<vmem>> -> memref<96x128xf32, #tpu.memory_space<vmem>>
      %dma_start3A_71 = arith.constant 0 : i32
      %dma_start3A_72 = tpu.memref_slice %arg8[%run_scoped3A_63, %run_scoped3A_64, %dma_start3A_71] : memref<2x106x96xi32, #tpu.memory_space<vmem>> -> memref<1x1x96xi32, #tpu.memory_space<vmem>>
      %dma_start3A_73 = tpu.memref_squeeze %dma_start3A_72 : memref<1x1x96xi32, #tpu.memory_space<vmem>> -> memref<96xi32, #tpu.memory_space<vmem>>
      %dma_start3A_74 = arith.constant 0 : i32
      %dma_start3A_75 = arith.constant 0 : i32
      %dma_start3A_76 = tpu.memref_slice %arg11[%dma_start3A_74, %dma_start3A_75] : memref<10240x128xf32, #tpu.memory_space<vmem_shared>> -> memref<10240x128xf32, #tpu.memory_space<vmem_shared>>
      tpu.enqueue_indirect_dma source(%dma_start3A_70 : memref<96x128xf32, #tpu.memory_space<vmem>>) target(%dma_start3A_76 : memref<10240x128xf32, #tpu.memory_space<vmem_shared>>) offsets(%dma_start3A_73 : memref<96xi32, #tpu.memory_space<vmem>>) semaphore(%run_scoped3A_66 : memref<!tpu.dma_semaphore, #tpu.memory_space<semaphore_mem>>) {add = true}
      %dma_wait3A_77 = arith.constant 0 : i32
      %dma_wait3A_78 = arith.constant 0 : i32
      %dma_wait3A_79 = tpu.memref_slice %arg9[%run_scoped3A_62, %dma_wait3A_77, %dma_wait3A_78] : memref<2x96x128xf32, #tpu.memory_space<vmem>> -> memref<1x96x128xf32, #tpu.memory_space<vmem>>
      %dma_wait3A_80 = tpu.memref_squeeze %dma_wait3A_79 : memref<1x96x128xf32, #tpu.memory_space<vmem>> -> memref<96x128xf32, #tpu.memory_space<vmem>>
      %dma_wait3A_81 = arith.constant 0 : i32
      %dma_wait3A_82 = tpu.memref_slice %arg8[%run_scoped3A_63, %run_scoped3A_64, %dma_wait3A_81] : memref<2x106x96xi32, #tpu.memory_space<vmem>> -> memref<1x1x96xi32, #tpu.memory_space<vmem>>
      %dma_wait3A_83 = tpu.memref_squeeze %dma_wait3A_82 : memref<1x1x96xi32, #tpu.memory_space<vmem>> -> memref<96xi32, #tpu.memory_space<vmem>>
      %dma_wait3A_84 = arith.constant 0 : i32
      %dma_wait3A_85 = arith.constant 0 : i32
      %dma_wait3A_86 = tpu.memref_slice %arg11[%dma_wait3A_84, %dma_wait3A_85] : memref<10240x128xf32, #tpu.memory_space<vmem_shared>> -> memref<10240x128xf32, #tpu.memory_space<vmem_shared>>
      tpu.wait_indirect_dma semaphore(%run_scoped3A_66 : memref<!tpu.dma_semaphore, #tpu.memory_space<semaphore_mem>>) src(%dma_wait3A_80 : memref<96x128xf32, #tpu.memory_space<vmem>>) dst(%dma_wait3A_86 : memref<10240x128xf32, #tpu.memory_space<vmem_shared>>)
      tpu.yield
    }) : () -> ()
    %barrier3A_65 = arith.constant 0 : index
    tpu.barrier barrier_id(%barrier3A_65)
    "tpu.region"() ({
      %run_scoped3A_66 = tpu.sem_alloc : memref<!tpu.dma_semaphore, #tpu.memory_space<semaphore_mem>>
      %dma_start3A_67 = arith.constant 0 : i32
      %dma_start3A_68 = tpu.memref_slice %arg6[%arg0, %mul3A_2, %dma_start3A_67] : memref<2x10240x128xf32, #tpu.memory_space<hbm>> -> memref<1x640x128xf32, #tpu.memory_space<hbm>>
      %dma_start3A_69 = tpu.memref_squeeze %dma_start3A_68 : memref<1x640x128xf32, #tpu.memory_space<hbm>> -> memref<640x128xf32, #tpu.memory_space<hbm>>
      %dma_start3A_70 = arith.constant 0 : i32
      %dma_start3A_71 = tpu.memref_slice %arg11[%mul3A_2, %dma_start3A_70] : memref<10240x128xf32, #tpu.memory_space<vmem_shared>> -> memref<640x128xf32, #tpu.memory_space<vmem_shared>>
      tpu.enqueue_dma source(%dma_start3A_71 : memref<640x128xf32, #tpu.memory_space<vmem_shared>>) target(%dma_start3A_69 : memref<640x128xf32, #tpu.memory_space<hbm>>) target_semaphore(%run_scoped3A_66 : memref<!tpu.dma_semaphore, #tpu.memory_space<semaphore_mem>>)
      %dma_wait3A_72 = arith.constant 0 : i32
      %dma_wait3A_73 = tpu.memref_slice %arg6[%arg0, %mul3A_2, %dma_wait3A_72] : memref<2x10240x128xf32, #tpu.memory_space<hbm>> -> memref<1x640x128xf32, #tpu.memory_space<hbm>>
      %dma_wait3A_74 = tpu.memref_squeeze %dma_wait3A_73 : memref<1x640x128xf32, #tpu.memory_space<hbm>> -> memref<640x128xf32, #tpu.memory_space<hbm>>
      %dma_wait3A_75 = arith.constant 0 : i32
      %dma_wait3A_76 = tpu.memref_slice %arg11[%mul3A_2, %dma_wait3A_75] : memref<10240x128xf32, #tpu.memory_space<vmem_shared>> -> memref<640x128xf32, #tpu.memory_space<vmem_shared>>
      tpu.wait_dma2 semaphore(%run_scoped3A_66 : memref<!tpu.dma_semaphore, #tpu.memory_space<semaphore_mem>>) src(%dma_wait3A_76 : memref<640x128xf32, #tpu.memory_space<vmem_shared>>) dst(%dma_wait3A_74 : memref<640x128xf32, #tpu.memory_space<hbm>>)
      tpu.yield
    }) : () -> ()
    return
  }
}

module attributes {stable_mosaic.version = 14 : i64} {
  func.func @_tc_layer12(%arg0: i32, %arg1: memref<256x128xf32, #tpu.memory_space<vmem>>, %arg2: memref<256x128xf32, #tpu.memory_space<vmem>>, %arg3: memref<256x2xf32, #tpu.memory_space<vmem>>, %arg4: memref<256x128xf32, #tpu.memory_space<vmem>>, %arg5: memref<256x128xf32, #tpu.memory_space<vmem>>, %arg6: memref<8x128x128xf32, #tpu.memory_space<vmem>>, %arg7: memref<8x128x128xf32, #tpu.memory_space<vmem>>, %arg8: memref<8x128xf32, #tpu.memory_space<vmem>>, %arg9: memref<256x128xf32, #tpu.memory_space<vmem>>) attributes {dimension_semantics = [#tpu.dimension_semantics<arbitrary>], iteration_bounds = array<i64: 40>, scalar_prefetch = 0 : i64, scratch_operands = 0 : i64, tpu.core_type = #tpu.core_type<tc>, window_params = [{transform_indices = @transform_0, window_bounds = array<i64: 256, 128>}, {transform_indices = @transform_1, window_bounds = array<i64: 256, 128>}, {transform_indices = @transform_2, window_bounds = array<i64: 256, 2>}, {transform_indices = @transform_3, window_bounds = array<i64: 256, 128>}, {transform_indices = @transform_4, window_bounds = array<i64: 256, 128>}, {pipeline_mode = #tpu.pipeline_mode<synchronous>, transform_indices = @transform_5, window_bounds = array<i64: 8, 128, 128>}, {pipeline_mode = #tpu.pipeline_mode<synchronous>, transform_indices = @transform_6, window_bounds = array<i64: 8, 128, 128>}, {pipeline_mode = #tpu.pipeline_mode<synchronous>, transform_indices = @transform_7, window_bounds = array<i64: 8, 128>}, {transform_indices = @transform_8, window_bounds = array<i64: 256, 128>}]} {
    %get3A = arith.constant 0 : index
    %get3A_0 = arith.constant 0 : index
    %get3A_1 = vector.load %arg3[%get3A, %get3A_0] : memref<256x2xf32, #tpu.memory_space<vmem>>, vector<256x2xf32>
    %reduce_sum3A = arith.constant dense<0.000000e+00> : vector<256xf32>
    %reduce_sum3A_2 = vector.multi_reduction <add>, %get3A_1, %reduce_sum3A [1] : vector<256x2xf32> to vector<256xf32>
    %broadcast_in_dim3A = vector.shape_cast %reduce_sum3A_2 : vector<256xf32> to vector<256x1xf32>
    %max3A = arith.constant 1.000000e+00 : f32
    %max3A_3 = vector.broadcast %max3A : f32 to vector<256x1xf32>
    %max3A_4 = arith.maximumf %broadcast_in_dim3A, %max3A_3 : vector<256x1xf32>
    %div3A = arith.constant 1.000000e+00 : f32
    %div3A_5 = vector.broadcast %div3A : f32 to vector<256x1xf32>
    %div3A_6 = arith.divf %div3A_5, %max3A_4 : vector<256x1xf32>
    %get3A_7 = arith.constant 0 : index
    %get3A_8 = arith.constant 0 : index
    %get3A_9 = vector.load %arg1[%get3A_7, %get3A_8] : memref<256x128xf32, #tpu.memory_space<vmem>>, vector<256x128xf32>
    %get3A_10 = arith.constant 0 : index
    %get3A_11 = arith.constant 0 : index
    %get3A_12 = vector.load %arg2[%get3A_10, %get3A_11] : memref<256x128xf32, #tpu.memory_space<vmem>>, vector<256x128xf32>
    %add3A = arith.addf %get3A_9, %get3A_12 : vector<256x128xf32>
    %mul3A = vector.broadcast %div3A_6 : vector<256x1xf32> to vector<256x128xf32>
    %mul3A_13 = arith.mulf %add3A, %mul3A : vector<256x128xf32>
    %get3A_14 = arith.constant 0 : index
    %get3A_15 = arith.constant 0 : index
    %get3A_16 = vector.load %arg4[%get3A_14, %get3A_15] : memref<256x128xf32, #tpu.memory_space<vmem>>, vector<256x128xf32>
    %add3A_17 = arith.addf %mul3A_13, %get3A_16 : vector<256x128xf32>
    %get3A_18 = arith.constant 0 : index
    %get3A_19 = arith.constant 0 : index
    %get3A_20 = vector.load %arg5[%get3A_18, %get3A_19] : memref<256x128xf32, #tpu.memory_space<vmem>>, vector<256x128xf32>
    %mul3A_21 = arith.mulf %get3A_20, %get3A_20 : vector<256x128xf32>
    %reduce_sum3A_22 = arith.constant dense<0.000000e+00> : vector<256xf32>
    %reduce_sum3A_23 = vector.multi_reduction <add>, %mul3A_21, %reduce_sum3A_22 [1] : vector<256x128xf32> to vector<256xf32>
    %broadcast_in_dim3A_24 = vector.shape_cast %reduce_sum3A_23 : vector<256xf32> to vector<256x1xf32>
    %get3A_25 = arith.constant 0 : index
    %get3A_26 = arith.constant 0 : index
    %get3A_27 = arith.constant 0 : index
    %get3A_28 = vector.load %arg6[%get3A_25, %get3A_26, %get3A_27] : memref<8x128x128xf32, #tpu.memory_space<vmem>>, vector<1x128x128xf32>
    %get3A_29 = vector.shape_cast %get3A_28 : vector<1x128x128xf32> to vector<128x128xf32>
    %dot_general3A = arith.constant dense<0.000000e+00> : vector<256x128xf32>
    %dot_general3A_30 = tpu.matmul %get3A_20, %get3A_29, %dot_general3A {dimension_numbers = #tpu.dot_dimension_numbers<[1], [0], [0], [1], [0, 0, 1, 1], [], []>, transpose_lhs_hint = false} : vector<256x128xf32>, vector<128x128xf32>, vector<256x128xf32> -> vector<256x128xf32>
    %mul3A_31 = arith.mulf %get3A_29, %get3A_29 : vector<128x128xf32>
    %reduce_sum3A_32 = arith.constant dense<0.000000e+00> : vector<128xf32>
    %reduce_sum3A_33 = vector.multi_reduction <add>, %mul3A_31, %reduce_sum3A_32 [0] : vector<128x128xf32> to vector<128xf32>
    %broadcast_in_dim3A_34 = vector.shape_cast %reduce_sum3A_33 : vector<128xf32> to vector<1x128xf32>
    %mul3A_35 = arith.constant 2.000000e+00 : f32
    %mul3A_36 = vector.broadcast %mul3A_35 : f32 to vector<256x128xf32>
    %mul3A_37 = arith.mulf %mul3A_36, %dot_general3A_30 : vector<256x128xf32>
    %sub3A = vector.broadcast %broadcast_in_dim3A_24 : vector<256x1xf32> to vector<256x128xf32>
    %sub3A_38 = arith.subf %sub3A, %mul3A_37 : vector<256x128xf32>
    %add3A_39 = vector.broadcast %broadcast_in_dim3A_34 : vector<1x128xf32> to vector<256x128xf32>
    %add3A_40 = arith.addf %sub3A_38, %add3A_39 : vector<256x128xf32>
    %broadcast_in_dim3A_41 = arith.constant 0 : i32
    %broadcast_in_dim3A_42 = vector.broadcast %broadcast_in_dim3A_41 : i32 to vector<256x128xi32>
    %get3A_43 = arith.constant 1 : index
    %get3A_44 = arith.constant 0 : index
    %get3A_45 = arith.constant 0 : index
    %get3A_46 = vector.load %arg6[%get3A_43, %get3A_44, %get3A_45] : memref<8x128x128xf32, #tpu.memory_space<vmem>>, vector<1x128x128xf32>
    %get3A_47 = vector.shape_cast %get3A_46 : vector<1x128x128xf32> to vector<128x128xf32>
    %dot_general3A_48 = arith.constant dense<0.000000e+00> : vector<256x128xf32>
    %dot_general3A_49 = tpu.matmul %get3A_20, %get3A_47, %dot_general3A_48 {dimension_numbers = #tpu.dot_dimension_numbers<[1], [0], [0], [1], [0, 0, 1, 1], [], []>, transpose_lhs_hint = false} : vector<256x128xf32>, vector<128x128xf32>, vector<256x128xf32> -> vector<256x128xf32>
    %mul3A_50 = arith.mulf %get3A_47, %get3A_47 : vector<128x128xf32>
    %reduce_sum3A_51 = arith.constant dense<0.000000e+00> : vector<128xf32>
    %reduce_sum3A_52 = vector.multi_reduction <add>, %mul3A_50, %reduce_sum3A_51 [0] : vector<128x128xf32> to vector<128xf32>
    %broadcast_in_dim3A_53 = vector.shape_cast %reduce_sum3A_52 : vector<128xf32> to vector<1x128xf32>
    %mul3A_54 = arith.constant 2.000000e+00 : f32
    %mul3A_55 = vector.broadcast %mul3A_54 : f32 to vector<256x128xf32>
    %mul3A_56 = arith.mulf %mul3A_55, %dot_general3A_49 : vector<256x128xf32>
    %sub3A_57 = vector.broadcast %broadcast_in_dim3A_24 : vector<256x1xf32> to vector<256x128xf32>
    %sub3A_58 = arith.subf %sub3A_57, %mul3A_56 : vector<256x128xf32>
    %add3A_59 = vector.broadcast %broadcast_in_dim3A_53 : vector<1x128xf32> to vector<256x128xf32>
    %add3A_60 = arith.addf %sub3A_58, %add3A_59 : vector<256x128xf32>
    %lt3A = arith.cmpf olt, %add3A_60, %add3A_40 : vector<256x128xf32>
    %jit3A = arith.constant 1 : i32
    %broadcast_in_dim3A_61 = vector.broadcast %jit3A : i32 to vector<256x128xi32>
    %select_n3A = arith.select %lt3A, %broadcast_in_dim3A_61, %broadcast_in_dim3A_42 : vector<256x128xi1>, vector<256x128xi32>
    %select_n3A_62 = arith.select %lt3A, %add3A_60, %add3A_40 : vector<256x128xi1>, vector<256x128xf32>
    %get3A_63 = arith.constant 2 : index
    %get3A_64 = arith.constant 0 : index
    %get3A_65 = arith.constant 0 : index
    %get3A_66 = vector.load %arg6[%get3A_63, %get3A_64, %get3A_65] : memref<8x128x128xf32, #tpu.memory_space<vmem>>, vector<1x128x128xf32>
    %get3A_67 = vector.shape_cast %get3A_66 : vector<1x128x128xf32> to vector<128x128xf32>
    %dot_general3A_68 = arith.constant dense<0.000000e+00> : vector<256x128xf32>
    %dot_general3A_69 = tpu.matmul %get3A_20, %get3A_67, %dot_general3A_68 {dimension_numbers = #tpu.dot_dimension_numbers<[1], [0], [0], [1], [0, 0, 1, 1], [], []>, transpose_lhs_hint = false} : vector<256x128xf32>, vector<128x128xf32>, vector<256x128xf32> -> vector<256x128xf32>
    %mul3A_70 = arith.mulf %get3A_67, %get3A_67 : vector<128x128xf32>
    %reduce_sum3A_71 = arith.constant dense<0.000000e+00> : vector<128xf32>
    %reduce_sum3A_72 = vector.multi_reduction <add>, %mul3A_70, %reduce_sum3A_71 [0] : vector<128x128xf32> to vector<128xf32>
    %broadcast_in_dim3A_73 = vector.shape_cast %reduce_sum3A_72 : vector<128xf32> to vector<1x128xf32>
    %mul3A_74 = arith.constant 2.000000e+00 : f32
    %mul3A_75 = vector.broadcast %mul3A_74 : f32 to vector<256x128xf32>
    %mul3A_76 = arith.mulf %mul3A_75, %dot_general3A_69 : vector<256x128xf32>
    %sub3A_77 = vector.broadcast %broadcast_in_dim3A_24 : vector<256x1xf32> to vector<256x128xf32>
    %sub3A_78 = arith.subf %sub3A_77, %mul3A_76 : vector<256x128xf32>
    %add3A_79 = vector.broadcast %broadcast_in_dim3A_73 : vector<1x128xf32> to vector<256x128xf32>
    %add3A_80 = arith.addf %sub3A_78, %add3A_79 : vector<256x128xf32>
    %lt3A_81 = arith.cmpf olt, %add3A_80, %select_n3A_62 : vector<256x128xf32>
    %jit3A_82 = arith.constant 2 : i32
    %broadcast_in_dim3A_83 = vector.broadcast %jit3A_82 : i32 to vector<256x128xi32>
    %select_n3A_84 = arith.select %lt3A_81, %broadcast_in_dim3A_83, %select_n3A : vector<256x128xi1>, vector<256x128xi32>
    %select_n3A_85 = arith.select %lt3A_81, %add3A_80, %select_n3A_62 : vector<256x128xi1>, vector<256x128xf32>
    %get3A_86 = arith.constant 3 : index
    %get3A_87 = arith.constant 0 : index
    %get3A_88 = arith.constant 0 : index
    %get3A_89 = vector.load %arg6[%get3A_86, %get3A_87, %get3A_88] : memref<8x128x128xf32, #tpu.memory_space<vmem>>, vector<1x128x128xf32>
    %get3A_90 = vector.shape_cast %get3A_89 : vector<1x128x128xf32> to vector<128x128xf32>
    %dot_general3A_91 = arith.constant dense<0.000000e+00> : vector<256x128xf32>
    %dot_general3A_92 = tpu.matmul %get3A_20, %get3A_90, %dot_general3A_91 {dimension_numbers = #tpu.dot_dimension_numbers<[1], [0], [0], [1], [0, 0, 1, 1], [], []>, transpose_lhs_hint = false} : vector<256x128xf32>, vector<128x128xf32>, vector<256x128xf32> -> vector<256x128xf32>
    %mul3A_93 = arith.mulf %get3A_90, %get3A_90 : vector<128x128xf32>
    %reduce_sum3A_94 = arith.constant dense<0.000000e+00> : vector<128xf32>
    %reduce_sum3A_95 = vector.multi_reduction <add>, %mul3A_93, %reduce_sum3A_94 [0] : vector<128x128xf32> to vector<128xf32>
    %broadcast_in_dim3A_96 = vector.shape_cast %reduce_sum3A_95 : vector<128xf32> to vector<1x128xf32>
    %mul3A_97 = arith.constant 2.000000e+00 : f32
    %mul3A_98 = vector.broadcast %mul3A_97 : f32 to vector<256x128xf32>
    %mul3A_99 = arith.mulf %mul3A_98, %dot_general3A_92 : vector<256x128xf32>
    %sub3A_100 = vector.broadcast %broadcast_in_dim3A_24 : vector<256x1xf32> to vector<256x128xf32>
    %sub3A_101 = arith.subf %sub3A_100, %mul3A_99 : vector<256x128xf32>
    %add3A_102 = vector.broadcast %broadcast_in_dim3A_96 : vector<1x128xf32> to vector<256x128xf32>
    %add3A_103 = arith.addf %sub3A_101, %add3A_102 : vector<256x128xf32>
    %lt3A_104 = arith.cmpf olt, %add3A_103, %select_n3A_85 : vector<256x128xf32>
    %jit3A_105 = arith.constant 3 : i32
    %broadcast_in_dim3A_106 = vector.broadcast %jit3A_105 : i32 to vector<256x128xi32>
    %select_n3A_107 = arith.select %lt3A_104, %broadcast_in_dim3A_106, %select_n3A_84 : vector<256x128xi1>, vector<256x128xi32>
    %select_n3A_108 = arith.select %lt3A_104, %add3A_103, %select_n3A_85 : vector<256x128xi1>, vector<256x128xf32>
    %get3A_109 = arith.constant 4 : index
    %get3A_110 = arith.constant 0 : index
    %get3A_111 = arith.constant 0 : index
    %get3A_112 = vector.load %arg6[%get3A_109, %get3A_110, %get3A_111] : memref<8x128x128xf32, #tpu.memory_space<vmem>>, vector<1x128x128xf32>
    %get3A_113 = vector.shape_cast %get3A_112 : vector<1x128x128xf32> to vector<128x128xf32>
    %dot_general3A_114 = arith.constant dense<0.000000e+00> : vector<256x128xf32>
    %dot_general3A_115 = tpu.matmul %get3A_20, %get3A_113, %dot_general3A_114 {dimension_numbers = #tpu.dot_dimension_numbers<[1], [0], [0], [1], [0, 0, 1, 1], [], []>, transpose_lhs_hint = false} : vector<256x128xf32>, vector<128x128xf32>, vector<256x128xf32> -> vector<256x128xf32>
    %mul3A_116 = arith.mulf %get3A_113, %get3A_113 : vector<128x128xf32>
    %reduce_sum3A_117 = arith.constant dense<0.000000e+00> : vector<128xf32>
    %reduce_sum3A_118 = vector.multi_reduction <add>, %mul3A_116, %reduce_sum3A_117 [0] : vector<128x128xf32> to vector<128xf32>
    %broadcast_in_dim3A_119 = vector.shape_cast %reduce_sum3A_118 : vector<128xf32> to vector<1x128xf32>
    %mul3A_120 = arith.constant 2.000000e+00 : f32
    %mul3A_121 = vector.broadcast %mul3A_120 : f32 to vector<256x128xf32>
    %mul3A_122 = arith.mulf %mul3A_121, %dot_general3A_115 : vector<256x128xf32>
    %sub3A_123 = vector.broadcast %broadcast_in_dim3A_24 : vector<256x1xf32> to vector<256x128xf32>
    %sub3A_124 = arith.subf %sub3A_123, %mul3A_122 : vector<256x128xf32>
    %add3A_125 = vector.broadcast %broadcast_in_dim3A_119 : vector<1x128xf32> to vector<256x128xf32>
    %add3A_126 = arith.addf %sub3A_124, %add3A_125 : vector<256x128xf32>
    %lt3A_127 = arith.cmpf olt, %add3A_126, %select_n3A_108 : vector<256x128xf32>
    %jit3A_128 = arith.constant 4 : i32
    %broadcast_in_dim3A_129 = vector.broadcast %jit3A_128 : i32 to vector<256x128xi32>
    %select_n3A_130 = arith.select %lt3A_127, %broadcast_in_dim3A_129, %select_n3A_107 : vector<256x128xi1>, vector<256x128xi32>
    %select_n3A_131 = arith.select %lt3A_127, %add3A_126, %select_n3A_108 : vector<256x128xi1>, vector<256x128xf32>
    %get3A_132 = arith.constant 5 : index
    %get3A_133 = arith.constant 0 : index
    %get3A_134 = arith.constant 0 : index
    %get3A_135 = vector.load %arg6[%get3A_132, %get3A_133, %get3A_134] : memref<8x128x128xf32, #tpu.memory_space<vmem>>, vector<1x128x128xf32>
    %get3A_136 = vector.shape_cast %get3A_135 : vector<1x128x128xf32> to vector<128x128xf32>
    %dot_general3A_137 = arith.constant dense<0.000000e+00> : vector<256x128xf32>
    %dot_general3A_138 = tpu.matmul %get3A_20, %get3A_136, %dot_general3A_137 {dimension_numbers = #tpu.dot_dimension_numbers<[1], [0], [0], [1], [0, 0, 1, 1], [], []>, transpose_lhs_hint = false} : vector<256x128xf32>, vector<128x128xf32>, vector<256x128xf32> -> vector<256x128xf32>
    %mul3A_139 = arith.mulf %get3A_136, %get3A_136 : vector<128x128xf32>
    %reduce_sum3A_140 = arith.constant dense<0.000000e+00> : vector<128xf32>
    %reduce_sum3A_141 = vector.multi_reduction <add>, %mul3A_139, %reduce_sum3A_140 [0] : vector<128x128xf32> to vector<128xf32>
    %broadcast_in_dim3A_142 = vector.shape_cast %reduce_sum3A_141 : vector<128xf32> to vector<1x128xf32>
    %mul3A_143 = arith.constant 2.000000e+00 : f32
    %mul3A_144 = vector.broadcast %mul3A_143 : f32 to vector<256x128xf32>
    %mul3A_145 = arith.mulf %mul3A_144, %dot_general3A_138 : vector<256x128xf32>
    %sub3A_146 = vector.broadcast %broadcast_in_dim3A_24 : vector<256x1xf32> to vector<256x128xf32>
    %sub3A_147 = arith.subf %sub3A_146, %mul3A_145 : vector<256x128xf32>
    %add3A_148 = vector.broadcast %broadcast_in_dim3A_142 : vector<1x128xf32> to vector<256x128xf32>
    %add3A_149 = arith.addf %sub3A_147, %add3A_148 : vector<256x128xf32>
    %lt3A_150 = arith.cmpf olt, %add3A_149, %select_n3A_131 : vector<256x128xf32>
    %jit3A_151 = arith.constant 5 : i32
    %broadcast_in_dim3A_152 = vector.broadcast %jit3A_151 : i32 to vector<256x128xi32>
    %select_n3A_153 = arith.select %lt3A_150, %broadcast_in_dim3A_152, %select_n3A_130 : vector<256x128xi1>, vector<256x128xi32>
    %select_n3A_154 = arith.select %lt3A_150, %add3A_149, %select_n3A_131 : vector<256x128xi1>, vector<256x128xf32>
    %get3A_155 = arith.constant 6 : index
    %get3A_156 = arith.constant 0 : index
    %get3A_157 = arith.constant 0 : index
    %get3A_158 = vector.load %arg6[%get3A_155, %get3A_156, %get3A_157] : memref<8x128x128xf32, #tpu.memory_space<vmem>>, vector<1x128x128xf32>
    %get3A_159 = vector.shape_cast %get3A_158 : vector<1x128x128xf32> to vector<128x128xf32>
    %dot_general3A_160 = arith.constant dense<0.000000e+00> : vector<256x128xf32>
    %dot_general3A_161 = tpu.matmul %get3A_20, %get3A_159, %dot_general3A_160 {dimension_numbers = #tpu.dot_dimension_numbers<[1], [0], [0], [1], [0, 0, 1, 1], [], []>, transpose_lhs_hint = false} : vector<256x128xf32>, vector<128x128xf32>, vector<256x128xf32> -> vector<256x128xf32>
    %mul3A_162 = arith.mulf %get3A_159, %get3A_159 : vector<128x128xf32>
    %reduce_sum3A_163 = arith.constant dense<0.000000e+00> : vector<128xf32>
    %reduce_sum3A_164 = vector.multi_reduction <add>, %mul3A_162, %reduce_sum3A_163 [0] : vector<128x128xf32> to vector<128xf32>
    %broadcast_in_dim3A_165 = vector.shape_cast %reduce_sum3A_164 : vector<128xf32> to vector<1x128xf32>
    %mul3A_166 = arith.constant 2.000000e+00 : f32
    %mul3A_167 = vector.broadcast %mul3A_166 : f32 to vector<256x128xf32>
    %mul3A_168 = arith.mulf %mul3A_167, %dot_general3A_161 : vector<256x128xf32>
    %sub3A_169 = vector.broadcast %broadcast_in_dim3A_24 : vector<256x1xf32> to vector<256x128xf32>
    %sub3A_170 = arith.subf %sub3A_169, %mul3A_168 : vector<256x128xf32>
    %add3A_171 = vector.broadcast %broadcast_in_dim3A_165 : vector<1x128xf32> to vector<256x128xf32>
    %add3A_172 = arith.addf %sub3A_170, %add3A_171 : vector<256x128xf32>
    %lt3A_173 = arith.cmpf olt, %add3A_172, %select_n3A_154 : vector<256x128xf32>
    %jit3A_174 = arith.constant 6 : i32
    %broadcast_in_dim3A_175 = vector.broadcast %jit3A_174 : i32 to vector<256x128xi32>
    %select_n3A_176 = arith.select %lt3A_173, %broadcast_in_dim3A_175, %select_n3A_153 : vector<256x128xi1>, vector<256x128xi32>
    %select_n3A_177 = arith.select %lt3A_173, %add3A_172, %select_n3A_154 : vector<256x128xi1>, vector<256x128xf32>
    %get3A_178 = arith.constant 7 : index
    %get3A_179 = arith.constant 0 : index
    %get3A_180 = arith.constant 0 : index
    %get3A_181 = vector.load %arg6[%get3A_178, %get3A_179, %get3A_180] : memref<8x128x128xf32, #tpu.memory_space<vmem>>, vector<1x128x128xf32>
    %get3A_182 = vector.shape_cast %get3A_181 : vector<1x128x128xf32> to vector<128x128xf32>
    %dot_general3A_183 = arith.constant dense<0.000000e+00> : vector<256x128xf32>
    %dot_general3A_184 = tpu.matmul %get3A_20, %get3A_182, %dot_general3A_183 {dimension_numbers = #tpu.dot_dimension_numbers<[1], [0], [0], [1], [0, 0, 1, 1], [], []>, transpose_lhs_hint = false} : vector<256x128xf32>, vector<128x128xf32>, vector<256x128xf32> -> vector<256x128xf32>
    %mul3A_185 = arith.mulf %get3A_182, %get3A_182 : vector<128x128xf32>
    %reduce_sum3A_186 = arith.constant dense<0.000000e+00> : vector<128xf32>
    %reduce_sum3A_187 = vector.multi_reduction <add>, %mul3A_185, %reduce_sum3A_186 [0] : vector<128x128xf32> to vector<128xf32>
    %broadcast_in_dim3A_188 = vector.shape_cast %reduce_sum3A_187 : vector<128xf32> to vector<1x128xf32>
    %mul3A_189 = arith.constant 2.000000e+00 : f32
    %mul3A_190 = vector.broadcast %mul3A_189 : f32 to vector<256x128xf32>
    %mul3A_191 = arith.mulf %mul3A_190, %dot_general3A_184 : vector<256x128xf32>
    %sub3A_192 = vector.broadcast %broadcast_in_dim3A_24 : vector<256x1xf32> to vector<256x128xf32>
    %sub3A_193 = arith.subf %sub3A_192, %mul3A_191 : vector<256x128xf32>
    %add3A_194 = vector.broadcast %broadcast_in_dim3A_188 : vector<1x128xf32> to vector<256x128xf32>
    %add3A_195 = arith.addf %sub3A_193, %add3A_194 : vector<256x128xf32>
    %lt3A_196 = arith.cmpf olt, %add3A_195, %select_n3A_177 : vector<256x128xf32>
    %jit3A_197 = arith.constant 7 : i32
    %broadcast_in_dim3A_198 = vector.broadcast %jit3A_197 : i32 to vector<256x128xi32>
    %select_n3A_199 = arith.select %lt3A_196, %broadcast_in_dim3A_198, %select_n3A_176 : vector<256x128xi1>, vector<256x128xi32>
    %get3A_200 = arith.constant 0 : index
    %get3A_201 = arith.constant 0 : index
    %get3A_202 = vector.load %arg8[%get3A_200, %get3A_201] : memref<8x128xf32, #tpu.memory_space<vmem>>, vector<8x128xf32>
    %broadcast_in_dim3A_203 = arith.constant 0.000000e+00 : f32
    %broadcast_in_dim3A_204 = vector.broadcast %broadcast_in_dim3A_203 : f32 to vector<256x128xf32>
    %get3A_205 = arith.constant 0 : index
    %get3A_206 = arith.constant 0 : index
    %get3A_207 = arith.constant 0 : index
    %get3A_208 = vector.load %arg7[%get3A_205, %get3A_206, %get3A_207] : memref<8x128x128xf32, #tpu.memory_space<vmem>>, vector<1x128x128xf32>
    %get3A_209 = vector.shape_cast %get3A_208 : vector<1x128x128xf32> to vector<128x128xf32>
    %dot_general3A_210 = arith.constant dense<0.000000e+00> : vector<256x128xf32>
    %dot_general3A_211 = tpu.matmul %add3A_17, %get3A_209, %dot_general3A_210 {dimension_numbers = #tpu.dot_dimension_numbers<[1], [0], [0], [1], [0, 0, 1, 1], [], []>, transpose_lhs_hint = false} : vector<256x128xf32>, vector<128x128xf32>, vector<256x128xf32> -> vector<256x128xf32>
    %eq3A = arith.constant 0 : i32
    %eq3A_212 = vector.broadcast %eq3A : i32 to vector<256x128xi32>
    %eq3A_213 = arith.cmpi eq, %select_n3A_199, %eq3A_212 : vector<256x128xi32>
    %slice3A = vector.extract_strided_slice %get3A_202 {offsets = [0, 0], sizes = [1, 128], strides = [1, 1]} : vector<8x128xf32> to vector<1x128xf32>
    %add3A_214 = vector.broadcast %slice3A : vector<1x128xf32> to vector<256x128xf32>
    %add3A_215 = arith.addf %dot_general3A_211, %add3A_214 : vector<256x128xf32>
    %jit3A_216 = arith.constant 0.000000e+00 : f32
    %broadcast_in_dim3A_217 = vector.broadcast %jit3A_216 : f32 to vector<256x128xf32>
    %select_n3A_218 = arith.select %eq3A_213, %add3A_215, %broadcast_in_dim3A_217 : vector<256x128xi1>, vector<256x128xf32>
    %add3A_219 = arith.addf %broadcast_in_dim3A_204, %select_n3A_218 : vector<256x128xf32>
    %get3A_220 = arith.constant 1 : index
    %get3A_221 = arith.constant 0 : index
    %get3A_222 = arith.constant 0 : index
    %get3A_223 = vector.load %arg7[%get3A_220, %get3A_221, %get3A_222] : memref<8x128x128xf32, #tpu.memory_space<vmem>>, vector<1x128x128xf32>
    %get3A_224 = vector.shape_cast %get3A_223 : vector<1x128x128xf32> to vector<128x128xf32>
    %dot_general3A_225 = arith.constant dense<0.000000e+00> : vector<256x128xf32>
    %dot_general3A_226 = tpu.matmul %add3A_17, %get3A_224, %dot_general3A_225 {dimension_numbers = #tpu.dot_dimension_numbers<[1], [0], [0], [1], [0, 0, 1, 1], [], []>, transpose_lhs_hint = false} : vector<256x128xf32>, vector<128x128xf32>, vector<256x128xf32> -> vector<256x128xf32>
    %eq3A_227 = arith.constant 1 : i32
    %eq3A_228 = vector.broadcast %eq3A_227 : i32 to vector<256x128xi32>
    %eq3A_229 = arith.cmpi eq, %select_n3A_199, %eq3A_228 : vector<256x128xi32>
    %slice3A_230 = vector.extract_strided_slice %get3A_202 {offsets = [1, 0], sizes = [1, 128], strides = [1, 1]} : vector<8x128xf32> to vector<1x128xf32>
    %add3A_231 = vector.broadcast %slice3A_230 : vector<1x128xf32> to vector<256x128xf32>
    %add3A_232 = arith.addf %dot_general3A_226, %add3A_231 : vector<256x128xf32>
    %jit3A_233 = arith.constant 0.000000e+00 : f32
    %broadcast_in_dim3A_234 = vector.broadcast %jit3A_233 : f32 to vector<256x128xf32>
    %select_n3A_235 = arith.select %eq3A_229, %add3A_232, %broadcast_in_dim3A_234 : vector<256x128xi1>, vector<256x128xf32>
    %add3A_236 = arith.addf %add3A_219, %select_n3A_235 : vector<256x128xf32>
    %get3A_237 = arith.constant 2 : index
    %get3A_238 = arith.constant 0 : index
    %get3A_239 = arith.constant 0 : index
    %get3A_240 = vector.load %arg7[%get3A_237, %get3A_238, %get3A_239] : memref<8x128x128xf32, #tpu.memory_space<vmem>>, vector<1x128x128xf32>
    %get3A_241 = vector.shape_cast %get3A_240 : vector<1x128x128xf32> to vector<128x128xf32>
    %dot_general3A_242 = arith.constant dense<0.000000e+00> : vector<256x128xf32>
    %dot_general3A_243 = tpu.matmul %add3A_17, %get3A_241, %dot_general3A_242 {dimension_numbers = #tpu.dot_dimension_numbers<[1], [0], [0], [1], [0, 0, 1, 1], [], []>, transpose_lhs_hint = false} : vector<256x128xf32>, vector<128x128xf32>, vector<256x128xf32> -> vector<256x128xf32>
    %eq3A_244 = arith.constant 2 : i32
    %eq3A_245 = vector.broadcast %eq3A_244 : i32 to vector<256x128xi32>
    %eq3A_246 = arith.cmpi eq, %select_n3A_199, %eq3A_245 : vector<256x128xi32>
    %slice3A_247 = vector.extract_strided_slice %get3A_202 {offsets = [2, 0], sizes = [1, 128], strides = [1, 1]} : vector<8x128xf32> to vector<1x128xf32>
    %add3A_248 = vector.broadcast %slice3A_247 : vector<1x128xf32> to vector<256x128xf32>
    %add3A_249 = arith.addf %dot_general3A_243, %add3A_248 : vector<256x128xf32>
    %jit3A_250 = arith.constant 0.000000e+00 : f32
    %broadcast_in_dim3A_251 = vector.broadcast %jit3A_250 : f32 to vector<256x128xf32>
    %select_n3A_252 = arith.select %eq3A_246, %add3A_249, %broadcast_in_dim3A_251 : vector<256x128xi1>, vector<256x128xf32>
    %add3A_253 = arith.addf %add3A_236, %select_n3A_252 : vector<256x128xf32>
    %get3A_254 = arith.constant 3 : index
    %get3A_255 = arith.constant 0 : index
    %get3A_256 = arith.constant 0 : index
    %get3A_257 = vector.load %arg7[%get3A_254, %get3A_255, %get3A_256] : memref<8x128x128xf32, #tpu.memory_space<vmem>>, vector<1x128x128xf32>
    %get3A_258 = vector.shape_cast %get3A_257 : vector<1x128x128xf32> to vector<128x128xf32>
    %dot_general3A_259 = arith.constant dense<0.000000e+00> : vector<256x128xf32>
    %dot_general3A_260 = tpu.matmul %add3A_17, %get3A_258, %dot_general3A_259 {dimension_numbers = #tpu.dot_dimension_numbers<[1], [0], [0], [1], [0, 0, 1, 1], [], []>, transpose_lhs_hint = false} : vector<256x128xf32>, vector<128x128xf32>, vector<256x128xf32> -> vector<256x128xf32>
    %eq3A_261 = arith.constant 3 : i32
    %eq3A_262 = vector.broadcast %eq3A_261 : i32 to vector<256x128xi32>
    %eq3A_263 = arith.cmpi eq, %select_n3A_199, %eq3A_262 : vector<256x128xi32>
    %slice3A_264 = vector.extract_strided_slice %get3A_202 {offsets = [3, 0], sizes = [1, 128], strides = [1, 1]} : vector<8x128xf32> to vector<1x128xf32>
    %add3A_265 = vector.broadcast %slice3A_264 : vector<1x128xf32> to vector<256x128xf32>
    %add3A_266 = arith.addf %dot_general3A_260, %add3A_265 : vector<256x128xf32>
    %jit3A_267 = arith.constant 0.000000e+00 : f32
    %broadcast_in_dim3A_268 = vector.broadcast %jit3A_267 : f32 to vector<256x128xf32>
    %select_n3A_269 = arith.select %eq3A_263, %add3A_266, %broadcast_in_dim3A_268 : vector<256x128xi1>, vector<256x128xf32>
    %add3A_270 = arith.addf %add3A_253, %select_n3A_269 : vector<256x128xf32>
    %get3A_271 = arith.constant 4 : index
    %get3A_272 = arith.constant 0 : index
    %get3A_273 = arith.constant 0 : index
    %get3A_274 = vector.load %arg7[%get3A_271, %get3A_272, %get3A_273] : memref<8x128x128xf32, #tpu.memory_space<vmem>>, vector<1x128x128xf32>
    %get3A_275 = vector.shape_cast %get3A_274 : vector<1x128x128xf32> to vector<128x128xf32>
    %dot_general3A_276 = arith.constant dense<0.000000e+00> : vector<256x128xf32>
    %dot_general3A_277 = tpu.matmul %add3A_17, %get3A_275, %dot_general3A_276 {dimension_numbers = #tpu.dot_dimension_numbers<[1], [0], [0], [1], [0, 0, 1, 1], [], []>, transpose_lhs_hint = false} : vector<256x128xf32>, vector<128x128xf32>, vector<256x128xf32> -> vector<256x128xf32>
    %eq3A_278 = arith.constant 4 : i32
    %eq3A_279 = vector.broadcast %eq3A_278 : i32 to vector<256x128xi32>
    %eq3A_280 = arith.cmpi eq, %select_n3A_199, %eq3A_279 : vector<256x128xi32>
    %slice3A_281 = vector.extract_strided_slice %get3A_202 {offsets = [4, 0], sizes = [1, 128], strides = [1, 1]} : vector<8x128xf32> to vector<1x128xf32>
    %add3A_282 = vector.broadcast %slice3A_281 : vector<1x128xf32> to vector<256x128xf32>
    %add3A_283 = arith.addf %dot_general3A_277, %add3A_282 : vector<256x128xf32>
    %jit3A_284 = arith.constant 0.000000e+00 : f32
    %broadcast_in_dim3A_285 = vector.broadcast %jit3A_284 : f32 to vector<256x128xf32>
    %select_n3A_286 = arith.select %eq3A_280, %add3A_283, %broadcast_in_dim3A_285 : vector<256x128xi1>, vector<256x128xf32>
    %add3A_287 = arith.addf %add3A_270, %select_n3A_286 : vector<256x128xf32>
    %get3A_288 = arith.constant 5 : index
    %get3A_289 = arith.constant 0 : index
    %get3A_290 = arith.constant 0 : index
    %get3A_291 = vector.load %arg7[%get3A_288, %get3A_289, %get3A_290] : memref<8x128x128xf32, #tpu.memory_space<vmem>>, vector<1x128x128xf32>
    %get3A_292 = vector.shape_cast %get3A_291 : vector<1x128x128xf32> to vector<128x128xf32>
    %dot_general3A_293 = arith.constant dense<0.000000e+00> : vector<256x128xf32>
    %dot_general3A_294 = tpu.matmul %add3A_17, %get3A_292, %dot_general3A_293 {dimension_numbers = #tpu.dot_dimension_numbers<[1], [0], [0], [1], [0, 0, 1, 1], [], []>, transpose_lhs_hint = false} : vector<256x128xf32>, vector<128x128xf32>, vector<256x128xf32> -> vector<256x128xf32>
    %eq3A_295 = arith.constant 5 : i32
    %eq3A_296 = vector.broadcast %eq3A_295 : i32 to vector<256x128xi32>
    %eq3A_297 = arith.cmpi eq, %select_n3A_199, %eq3A_296 : vector<256x128xi32>
    %slice3A_298 = vector.extract_strided_slice %get3A_202 {offsets = [5, 0], sizes = [1, 128], strides = [1, 1]} : vector<8x128xf32> to vector<1x128xf32>
    %add3A_299 = vector.broadcast %slice3A_298 : vector<1x128xf32> to vector<256x128xf32>
    %add3A_300 = arith.addf %dot_general3A_294, %add3A_299 : vector<256x128xf32>
    %jit3A_301 = arith.constant 0.000000e+00 : f32
    %broadcast_in_dim3A_302 = vector.broadcast %jit3A_301 : f32 to vector<256x128xf32>
    %select_n3A_303 = arith.select %eq3A_297, %add3A_300, %broadcast_in_dim3A_302 : vector<256x128xi1>, vector<256x128xf32>
    %add3A_304 = arith.addf %add3A_287, %select_n3A_303 : vector<256x128xf32>
    %get3A_305 = arith.constant 6 : index
    %get3A_306 = arith.constant 0 : index
    %get3A_307 = arith.constant 0 : index
    %get3A_308 = vector.load %arg7[%get3A_305, %get3A_306, %get3A_307] : memref<8x128x128xf32, #tpu.memory_space<vmem>>, vector<1x128x128xf32>
    %get3A_309 = vector.shape_cast %get3A_308 : vector<1x128x128xf32> to vector<128x128xf32>
    %dot_general3A_310 = arith.constant dense<0.000000e+00> : vector<256x128xf32>
    %dot_general3A_311 = tpu.matmul %add3A_17, %get3A_309, %dot_general3A_310 {dimension_numbers = #tpu.dot_dimension_numbers<[1], [0], [0], [1], [0, 0, 1, 1], [], []>, transpose_lhs_hint = false} : vector<256x128xf32>, vector<128x128xf32>, vector<256x128xf32> -> vector<256x128xf32>
    %eq3A_312 = arith.constant 6 : i32
    %eq3A_313 = vector.broadcast %eq3A_312 : i32 to vector<256x128xi32>
    %eq3A_314 = arith.cmpi eq, %select_n3A_199, %eq3A_313 : vector<256x128xi32>
    %slice3A_315 = vector.extract_strided_slice %get3A_202 {offsets = [6, 0], sizes = [1, 128], strides = [1, 1]} : vector<8x128xf32> to vector<1x128xf32>
    %add3A_316 = vector.broadcast %slice3A_315 : vector<1x128xf32> to vector<256x128xf32>
    %add3A_317 = arith.addf %dot_general3A_311, %add3A_316 : vector<256x128xf32>
    %jit3A_318 = arith.constant 0.000000e+00 : f32
    %broadcast_in_dim3A_319 = vector.broadcast %jit3A_318 : f32 to vector<256x128xf32>
    %select_n3A_320 = arith.select %eq3A_314, %add3A_317, %broadcast_in_dim3A_319 : vector<256x128xi1>, vector<256x128xf32>
    %add3A_321 = arith.addf %add3A_304, %select_n3A_320 : vector<256x128xf32>
    %get3A_322 = arith.constant 7 : index
    %get3A_323 = arith.constant 0 : index
    %get3A_324 = arith.constant 0 : index
    %get3A_325 = vector.load %arg7[%get3A_322, %get3A_323, %get3A_324] : memref<8x128x128xf32, #tpu.memory_space<vmem>>, vector<1x128x128xf32>
    %get3A_326 = vector.shape_cast %get3A_325 : vector<1x128x128xf32> to vector<128x128xf32>
    %dot_general3A_327 = arith.constant dense<0.000000e+00> : vector<256x128xf32>
    %dot_general3A_328 = tpu.matmul %add3A_17, %get3A_326, %dot_general3A_327 {dimension_numbers = #tpu.dot_dimension_numbers<[1], [0], [0], [1], [0, 0, 1, 1], [], []>, transpose_lhs_hint = false} : vector<256x128xf32>, vector<128x128xf32>, vector<256x128xf32> -> vector<256x128xf32>
    %eq3A_329 = arith.constant 7 : i32
    %eq3A_330 = vector.broadcast %eq3A_329 : i32 to vector<256x128xi32>
    %eq3A_331 = arith.cmpi eq, %select_n3A_199, %eq3A_330 : vector<256x128xi32>
    %slice3A_332 = vector.extract_strided_slice %get3A_202 {offsets = [7, 0], sizes = [1, 128], strides = [1, 1]} : vector<8x128xf32> to vector<1x128xf32>
    %add3A_333 = vector.broadcast %slice3A_332 : vector<1x128xf32> to vector<256x128xf32>
    %add3A_334 = arith.addf %dot_general3A_328, %add3A_333 : vector<256x128xf32>
    %jit3A_335 = arith.constant 0.000000e+00 : f32
    %broadcast_in_dim3A_336 = vector.broadcast %jit3A_335 : f32 to vector<256x128xf32>
    %select_n3A_337 = arith.select %eq3A_331, %add3A_334, %broadcast_in_dim3A_336 : vector<256x128xi1>, vector<256x128xf32>
    %add3A_338 = arith.addf %add3A_321, %select_n3A_337 : vector<256x128xf32>
    %max3A_339 = arith.constant 0.000000e+00 : f32
    %max3A_340 = vector.broadcast %max3A_339 : f32 to vector<256x128xf32>
    %max3A_341 = arith.maximumf %add3A_338, %max3A_340 : vector<256x128xf32>
    %swap3A = arith.constant 0 : index
    %swap3A_342 = arith.constant 0 : index
    %swap3A_343 = vector.load %arg9[%swap3A, %swap3A_342] : memref<256x128xf32, #tpu.memory_space<vmem>>, vector<256x128xf32>
    tpu.vector_store %arg9[%swap3A, %swap3A_342], %max3A_341 {strides = array<i32>} : memref<256x128xf32, #tpu.memory_space<vmem>>, vector<256x128xf32>,
    return
  }
  func.func @transform_0(%arg0: i32) -> (i32, i32) {
    %c0_i32 = arith.constant 0 : i32
    %c0_i32_0 = arith.constant 0 : i32
    return %arg0, %c0_i32 : i32, i32
  }
  func.func @transform_1(%arg0: i32) -> (i32, i32) {
    %c0_i32 = arith.constant 0 : i32
    %c0_i32_0 = arith.constant 0 : i32
    return %arg0, %c0_i32 : i32, i32
  }
  func.func @transform_2(%arg0: i32) -> (i32, i32) {
    %c0_i32 = arith.constant 0 : i32
    %c0_i32_0 = arith.constant 0 : i32
    return %arg0, %c0_i32 : i32, i32
  }
  func.func @transform_3(%arg0: i32) -> (i32, i32) {
    %c0_i32 = arith.constant 0 : i32
    %c0_i32_0 = arith.constant 0 : i32
    return %arg0, %c0_i32 : i32, i32
  }
  func.func @transform_4(%arg0: i32) -> (i32, i32) {
    %c0_i32 = arith.constant 0 : i32
    %c0_i32_0 = arith.constant 0 : i32
    return %arg0, %c0_i32 : i32, i32
  }
  func.func @transform_5(%arg0: i32) -> (i32, i32, i32) {
    %c0_i32 = arith.constant 0 : i32
    %c0_i32_0 = arith.constant 0 : i32
    %c0_i32_1 = arith.constant 0 : i32
    %c0_i32_2 = arith.constant 0 : i32
    return %c0_i32, %c0_i32_0, %c0_i32_1 : i32, i32, i32
  }
  func.func @transform_6(%arg0: i32) -> (i32, i32, i32) {
    %c0_i32 = arith.constant 0 : i32
    %c0_i32_0 = arith.constant 0 : i32
    %c0_i32_1 = arith.constant 0 : i32
    %c0_i32_2 = arith.constant 0 : i32
    return %c0_i32, %c0_i32_0, %c0_i32_1 : i32, i32, i32
  }
  func.func @transform_7(%arg0: i32) -> (i32, i32) {
    %c0_i32 = arith.constant 0 : i32
    %c0_i32_0 = arith.constant 0 : i32
    %c0_i32_1 = arith.constant 0 : i32
    return %c0_i32, %c0_i32_0 : i32, i32
  }
  func.func @transform_8(%arg0: i32) -> (i32, i32) {
    %c0_i32 = arith.constant 0 : i32
    %c0_i32_0 = arith.constant 0 : i32
    return %arg0, %c0_i32 : i32, i32
  }
}

module attributes {stable_mosaic.version = 14 : i64} {
  func.func @_tc_layer3(%arg0: i32, %arg1: memref<256x128xf32, #tpu.memory_space<vmem>>, %arg2: memref<256x128xf32, #tpu.memory_space<vmem>>, %arg3: memref<256x2xf32, #tpu.memory_space<vmem>>, %arg4: memref<256x128xf32, #tpu.memory_space<vmem>>, %arg5: memref<256x128xf32, #tpu.memory_space<vmem>>, %arg6: memref<128x8xf32, #tpu.memory_space<vmem>>, %arg7: memref<128x8xf32, #tpu.memory_space<vmem>>, %arg8: memref<8x8xf32, #tpu.memory_space<vmem>>, %arg9: memref<256x8xf32, #tpu.memory_space<vmem>>) attributes {dimension_semantics = [#tpu.dimension_semantics<arbitrary>], iteration_bounds = array<i64: 40>, scalar_prefetch = 0 : i64, scratch_operands = 0 : i64, tpu.core_type = #tpu.core_type<tc>, window_params = [{transform_indices = @transform_0, window_bounds = array<i64: 256, 128>}, {transform_indices = @transform_1, window_bounds = array<i64: 256, 128>}, {transform_indices = @transform_2, window_bounds = array<i64: 256, 2>}, {transform_indices = @transform_3, window_bounds = array<i64: 256, 128>}, {transform_indices = @transform_4, window_bounds = array<i64: 256, 128>}, {pipeline_mode = #tpu.pipeline_mode<synchronous>, transform_indices = @transform_5, window_bounds = array<i64: 128, 8>}, {pipeline_mode = #tpu.pipeline_mode<synchronous>, transform_indices = @transform_6, window_bounds = array<i64: 128, 8>}, {pipeline_mode = #tpu.pipeline_mode<synchronous>, transform_indices = @transform_7, window_bounds = array<i64: 8, 8>}, {transform_indices = @transform_8, window_bounds = array<i64: 256, 8>}]} {
    %get3A = arith.constant 0 : index
    %get3A_0 = arith.constant 0 : index
    %get3A_1 = vector.load %arg3[%get3A, %get3A_0] : memref<256x2xf32, #tpu.memory_space<vmem>>, vector<256x2xf32>
    %reduce_sum3A = arith.constant dense<0.000000e+00> : vector<256xf32>
    %reduce_sum3A_2 = vector.multi_reduction <add>, %get3A_1, %reduce_sum3A [1] : vector<256x2xf32> to vector<256xf32>
    %broadcast_in_dim3A = vector.shape_cast %reduce_sum3A_2 : vector<256xf32> to vector<256x1xf32>
    %max3A = arith.constant 1.000000e+00 : f32
    %max3A_3 = vector.broadcast %max3A : f32 to vector<256x1xf32>
    %max3A_4 = arith.maximumf %broadcast_in_dim3A, %max3A_3 : vector<256x1xf32>
    %div3A = arith.constant 1.000000e+00 : f32
    %div3A_5 = vector.broadcast %div3A : f32 to vector<256x1xf32>
    %div3A_6 = arith.divf %div3A_5, %max3A_4 : vector<256x1xf32>
    %get3A_7 = arith.constant 0 : index
    %get3A_8 = arith.constant 0 : index
    %get3A_9 = vector.load %arg1[%get3A_7, %get3A_8] : memref<256x128xf32, #tpu.memory_space<vmem>>, vector<256x128xf32>
    %get3A_10 = arith.constant 0 : index
    %get3A_11 = arith.constant 0 : index
    %get3A_12 = vector.load %arg2[%get3A_10, %get3A_11] : memref<256x128xf32, #tpu.memory_space<vmem>>, vector<256x128xf32>
    %add3A = arith.addf %get3A_9, %get3A_12 : vector<256x128xf32>
    %mul3A = vector.broadcast %div3A_6 : vector<256x1xf32> to vector<256x128xf32>
    %mul3A_13 = arith.mulf %add3A, %mul3A : vector<256x128xf32>
    %get3A_14 = arith.constant 0 : index
    %get3A_15 = arith.constant 0 : index
    %get3A_16 = vector.load %arg4[%get3A_14, %get3A_15] : memref<256x128xf32, #tpu.memory_space<vmem>>, vector<256x128xf32>
    %add3A_17 = arith.addf %mul3A_13, %get3A_16 : vector<256x128xf32>
    %get3A_18 = arith.constant 0 : index
    %get3A_19 = arith.constant 0 : index
    %get3A_20 = vector.load %arg5[%get3A_18, %get3A_19] : memref<256x128xf32, #tpu.memory_space<vmem>>, vector<256x128xf32>
    %mul3A_21 = arith.mulf %get3A_20, %get3A_20 : vector<256x128xf32>
    %reduce_sum3A_22 = arith.constant dense<0.000000e+00> : vector<256xf32>
    %reduce_sum3A_23 = vector.multi_reduction <add>, %mul3A_21, %reduce_sum3A_22 [1] : vector<256x128xf32> to vector<256xf32>
    %broadcast_in_dim3A_24 = vector.shape_cast %reduce_sum3A_23 : vector<256xf32> to vector<256x1xf32>
    %get3A_25 = arith.constant 0 : index
    %get3A_26 = arith.constant 0 : index
    %get3A_27 = vector.load %arg6[%get3A_25, %get3A_26] : memref<128x8xf32, #tpu.memory_space<vmem>>, vector<128x8xf32>
    %dot_general3A = arith.constant dense<0.000000e+00> : vector<256x8xf32>
    %dot_general3A_28 = tpu.matmul %get3A_20, %get3A_27, %dot_general3A {dimension_numbers = #tpu.dot_dimension_numbers<[1], [0], [0], [1], [0, 0, 1, 1], [], []>, transpose_lhs_hint = false} : vector<256x128xf32>, vector<128x8xf32>, vector<256x8xf32> -> vector<256x8xf32>
    %mul3A_29 = arith.mulf %get3A_27, %get3A_27 : vector<128x8xf32>
    %reduce_sum3A_30 = arith.constant dense<0.000000e+00> : vector<8xf32>
    %reduce_sum3A_31 = vector.multi_reduction <add>, %mul3A_29, %reduce_sum3A_30 [0] : vector<128x8xf32> to vector<8xf32>
    %broadcast_in_dim3A_32 = vector.shape_cast %reduce_sum3A_31 : vector<8xf32> to vector<1x8xf32>
    %mul3A_33 = arith.constant 2.000000e+00 : f32
    %mul3A_34 = vector.broadcast %mul3A_33 : f32 to vector<256x8xf32>
    %mul3A_35 = arith.mulf %mul3A_34, %dot_general3A_28 : vector<256x8xf32>
    %sub3A = vector.broadcast %broadcast_in_dim3A_24 : vector<256x1xf32> to vector<256x8xf32>
    %sub3A_36 = arith.subf %sub3A, %mul3A_35 : vector<256x8xf32>
    %add3A_37 = vector.broadcast %broadcast_in_dim3A_32 : vector<1x8xf32> to vector<256x8xf32>
    %add3A_38 = arith.addf %sub3A_36, %add3A_37 : vector<256x8xf32>
    %slice3A = vector.extract_strided_slice %add3A_38 {offsets = [0, 0], sizes = [256, 1], strides = [1, 1]} : vector<256x8xf32> to vector<256x1xf32>
    %broadcast_in_dim3A_39 = arith.constant 0 : i32
    %broadcast_in_dim3A_40 = vector.broadcast %broadcast_in_dim3A_39 : i32 to vector<256x1xi32>
    %slice3A_41 = vector.extract_strided_slice %add3A_38 {offsets = [0, 1], sizes = [256, 1], strides = [1, 1]} : vector<256x8xf32> to vector<256x1xf32>
    %lt3A = arith.cmpf olt, %slice3A_41, %slice3A : vector<256x1xf32>
    %jit3A = arith.constant 1 : i32
    %broadcast_in_dim3A_42 = vector.broadcast %jit3A : i32 to vector<256x1xi32>
    %select_n3A = arith.select %lt3A, %broadcast_in_dim3A_42, %broadcast_in_dim3A_40 : vector<256x1xi1>, vector<256x1xi32>
    %select_n3A_43 = arith.select %lt3A, %slice3A_41, %slice3A : vector<256x1xi1>, vector<256x1xf32>
    %slice3A_44 = vector.extract_strided_slice %add3A_38 {offsets = [0, 2], sizes = [256, 1], strides = [1, 1]} : vector<256x8xf32> to vector<256x1xf32>
    %lt3A_45 = arith.cmpf olt, %slice3A_44, %select_n3A_43 : vector<256x1xf32>
    %jit3A_46 = arith.constant 2 : i32
    %broadcast_in_dim3A_47 = vector.broadcast %jit3A_46 : i32 to vector<256x1xi32>
    %select_n3A_48 = arith.select %lt3A_45, %broadcast_in_dim3A_47, %select_n3A : vector<256x1xi1>, vector<256x1xi32>
    %select_n3A_49 = arith.select %lt3A_45, %slice3A_44, %select_n3A_43 : vector<256x1xi1>, vector<256x1xf32>
    %slice3A_50 = vector.extract_strided_slice %add3A_38 {offsets = [0, 3], sizes = [256, 1], strides = [1, 1]} : vector<256x8xf32> to vector<256x1xf32>
    %lt3A_51 = arith.cmpf olt, %slice3A_50, %select_n3A_49 : vector<256x1xf32>
    %jit3A_52 = arith.constant 3 : i32
    %broadcast_in_dim3A_53 = vector.broadcast %jit3A_52 : i32 to vector<256x1xi32>
    %select_n3A_54 = arith.select %lt3A_51, %broadcast_in_dim3A_53, %select_n3A_48 : vector<256x1xi1>, vector<256x1xi32>
    %select_n3A_55 = arith.select %lt3A_51, %slice3A_50, %select_n3A_49 : vector<256x1xi1>, vector<256x1xf32>
    %slice3A_56 = vector.extract_strided_slice %add3A_38 {offsets = [0, 4], sizes = [256, 1], strides = [1, 1]} : vector<256x8xf32> to vector<256x1xf32>
    %lt3A_57 = arith.cmpf olt, %slice3A_56, %select_n3A_55 : vector<256x1xf32>
    %jit3A_58 = arith.constant 4 : i32
    %broadcast_in_dim3A_59 = vector.broadcast %jit3A_58 : i32 to vector<256x1xi32>
    %select_n3A_60 = arith.select %lt3A_57, %broadcast_in_dim3A_59, %select_n3A_54 : vector<256x1xi1>, vector<256x1xi32>
    %select_n3A_61 = arith.select %lt3A_57, %slice3A_56, %select_n3A_55 : vector<256x1xi1>, vector<256x1xf32>
    %slice3A_62 = vector.extract_strided_slice %add3A_38 {offsets = [0, 5], sizes = [256, 1], strides = [1, 1]} : vector<256x8xf32> to vector<256x1xf32>
    %lt3A_63 = arith.cmpf olt, %slice3A_62, %select_n3A_61 : vector<256x1xf32>
    %jit3A_64 = arith.constant 5 : i32
    %broadcast_in_dim3A_65 = vector.broadcast %jit3A_64 : i32 to vector<256x1xi32>
    %select_n3A_66 = arith.select %lt3A_63, %broadcast_in_dim3A_65, %select_n3A_60 : vector<256x1xi1>, vector<256x1xi32>
    %select_n3A_67 = arith.select %lt3A_63, %slice3A_62, %select_n3A_61 : vector<256x1xi1>, vector<256x1xf32>
    %slice3A_68 = vector.extract_strided_slice %add3A_38 {offsets = [0, 6], sizes = [256, 1], strides = [1, 1]} : vector<256x8xf32> to vector<256x1xf32>
    %lt3A_69 = arith.cmpf olt, %slice3A_68, %select_n3A_67 : vector<256x1xf32>
    %jit3A_70 = arith.constant 6 : i32
    %broadcast_in_dim3A_71 = vector.broadcast %jit3A_70 : i32 to vector<256x1xi32>
    %select_n3A_72 = arith.select %lt3A_69, %broadcast_in_dim3A_71, %select_n3A_66 : vector<256x1xi1>, vector<256x1xi32>
    %select_n3A_73 = arith.select %lt3A_69, %slice3A_68, %select_n3A_67 : vector<256x1xi1>, vector<256x1xf32>
    %slice3A_74 = vector.extract_strided_slice %add3A_38 {offsets = [0, 7], sizes = [256, 1], strides = [1, 1]} : vector<256x8xf32> to vector<256x1xf32>
    %lt3A_75 = arith.cmpf olt, %slice3A_74, %select_n3A_73 : vector<256x1xf32>
    %jit3A_76 = arith.constant 7 : i32
    %broadcast_in_dim3A_77 = vector.broadcast %jit3A_76 : i32 to vector<256x1xi32>
    %select_n3A_78 = arith.select %lt3A_75, %broadcast_in_dim3A_77, %select_n3A_72 : vector<256x1xi1>, vector<256x1xi32>
    %get3A_79 = arith.constant 0 : index
    %get3A_80 = arith.constant 0 : index
    %get3A_81 = vector.load %arg7[%get3A_79, %get3A_80] : memref<128x8xf32, #tpu.memory_space<vmem>>, vector<128x8xf32>
    %dot_general3A_82 = arith.constant dense<0.000000e+00> : vector<256x8xf32>
    %dot_general3A_83 = tpu.matmul %add3A_17, %get3A_81, %dot_general3A_82 {dimension_numbers = #tpu.dot_dimension_numbers<[1], [0], [0], [1], [0, 0, 1, 1], [], []>, transpose_lhs_hint = false} : vector<256x128xf32>, vector<128x8xf32>, vector<256x8xf32> -> vector<256x8xf32>
    %get3A_84 = arith.constant 0 : index
    %get3A_85 = arith.constant 0 : index
    %get3A_86 = vector.load %arg8[%get3A_84, %get3A_85] : memref<8x8xf32, #tpu.memory_space<vmem>>, vector<1x8xf32>
    %add3A_87 = vector.broadcast %get3A_86 : vector<1x8xf32> to vector<256x8xf32>
    %add3A_88 = arith.addf %dot_general3A_83, %add3A_87 : vector<256x8xf32>
    %iota3A = tpu.iota {dimensions = array<i32: 1>} : vector<256x8xi32>
    %eq3A = vector.broadcast %select_n3A_78 : vector<256x1xi32> to vector<256x8xi32>
    %eq3A_89 = arith.cmpi eq, %iota3A, %eq3A : vector<256x8xi32>
    %jit3A_90 = arith.constant 0.000000e+00 : f32
    %broadcast_in_dim3A_91 = vector.broadcast %jit3A_90 : f32 to vector<256x8xf32>
    %select_n3A_92 = arith.select %eq3A_89, %add3A_88, %broadcast_in_dim3A_91 : vector<256x8xi1>, vector<256x8xf32>
    %reduce_sum3A_93 = arith.constant dense<0.000000e+00> : vector<256xf32>
    %reduce_sum3A_94 = vector.multi_reduction <add>, %select_n3A_92, %reduce_sum3A_93 [1] : vector<256x8xf32> to vector<256xf32>
    %broadcast_in_dim3A_95 = vector.shape_cast %reduce_sum3A_94 : vector<256xf32> to vector<256x1xf32>
    %neg3A = arith.constant 0.000000e+00 : f32
    %neg3A_96 = vector.broadcast %neg3A : f32 to vector<256x1xf32>
    %neg3A_97 = arith.subf %neg3A_96, %broadcast_in_dim3A_95 : vector<256x1xf32>
    %exp3A = math.exp %neg3A_97 : vector<256x1xf32>
    %add3A_98 = arith.constant 1.000000e+00 : f32
    %add3A_99 = vector.broadcast %add3A_98 : f32 to vector<256x1xf32>
    %add3A_100 = arith.addf %add3A_99, %exp3A : vector<256x1xf32>
    %div3A_101 = arith.constant 1.000000e+00 : f32
    %div3A_102 = vector.broadcast %div3A_101 : f32 to vector<256x1xf32>
    %div3A_103 = arith.divf %div3A_102, %add3A_100 : vector<256x1xf32>
    %broadcast_in_dim3A_104 = vector.shape_cast %div3A_103 : vector<256x1xf32> to vector<256x1xf32>
    %broadcast_in_dim3A_105 = vector.broadcast %broadcast_in_dim3A_104 : vector<256x1xf32> to vector<256x8xf32>
    %swap3A = arith.constant 0 : index
    %swap3A_106 = arith.constant 0 : index
    %swap3A_107 = vector.load %arg9[%swap3A, %swap3A_106] : memref<256x8xf32, #tpu.memory_space<vmem>>, vector<256x8xf32>
    tpu.vector_store %arg9[%swap3A, %swap3A_106], %broadcast_in_dim3A_105 {strides = array<i32>} : memref<256x8xf32, #tpu.memory_space<vmem>>, vector<256x8xf32>,
    return
  }
  func.func @transform_0(%arg0: i32) -> (i32, i32) {
    %c0_i32 = arith.constant 0 : i32
    %c0_i32_0 = arith.constant 0 : i32
    return %arg0, %c0_i32 : i32, i32
  }
  func.func @transform_1(%arg0: i32) -> (i32, i32) {
    %c0_i32 = arith.constant 0 : i32
    %c0_i32_0 = arith.constant 0 : i32
    return %arg0, %c0_i32 : i32, i32
  }
  func.func @transform_2(%arg0: i32) -> (i32, i32) {
    %c0_i32 = arith.constant 0 : i32
    %c0_i32_0 = arith.constant 0 : i32
    return %arg0, %c0_i32 : i32, i32
  }
  func.func @transform_3(%arg0: i32) -> (i32, i32) {
    %c0_i32 = arith.constant 0 : i32
    %c0_i32_0 = arith.constant 0 : i32
    return %arg0, %c0_i32 : i32, i32
  }
  func.func @transform_4(%arg0: i32) -> (i32, i32) {
    %c0_i32 = arith.constant 0 : i32
    %c0_i32_0 = arith.constant 0 : i32
    return %arg0, %c0_i32 : i32, i32
  }
  func.func @transform_5(%arg0: i32) -> (i32, i32) {
    %c0_i32 = arith.constant 0 : i32
    %c0_i32_0 = arith.constant 0 : i32
    %c0_i32_1 = arith.constant 0 : i32
    return %c0_i32, %c0_i32_0 : i32, i32
  }
  func.func @transform_6(%arg0: i32) -> (i32, i32) {
    %c0_i32 = arith.constant 0 : i32
    %c0_i32_0 = arith.constant 0 : i32
    %c0_i32_1 = arith.constant 0 : i32
    return %c0_i32, %c0_i32_0 : i32, i32
  }
  func.func @transform_7(%arg0: i32) -> (i32, i32) {
    %c0_i32 = arith.constant 0 : i32
    %c0_i32_0 = arith.constant 0 : i32
    %c0_i32_1 = arith.constant 0 : i32
    return %c0_i32, %c0_i32_0 : i32, i32
  }
  func.func @transform_8(%arg0: i32) -> (i32, i32) {
    %c0_i32 = arith.constant 0 : i32
    %c0_i32_0 = arith.constant 0 : i32
    return %arg0, %c0_i32 : i32, i32
  }
}

</mosaic_0001>

<sc_bundles>
// kernel: kernel.11.cloned.1.call-start
scs
__scs_entry_jumppad:
0x0: {  	(pc) =	sbr.rel $0x88, $3  }
0x1: {  	(tag) =	ssettag $0x0;
	lr =	simm.s32 $0x1  }
0x2: {  	[smem:$0x3F95] =	sst lr;
	_ =	strace $0xD0000000  }
0x3: {  	_ = 	snop  }
0x4: {  	_ = 	snop  }
0x5: {  	_ = 	snop  }
0x6: {  	_ = 	snop  }
0x7: {  	_ = 	snop  }
__scs_overlays_trampoline_lowered:
0x8: {  	[smem:$0x3FA4] =	sst s0  }
0x9: {  	[smem:$0x3FA5] =	sst s1  }
0xa: {  	[smem:$0x3FA6] =	sst s2  }
0xb: {  	[smem:$0x3FA7] =	sst s3  }
0xc: {  	[smem:$0x3FA8] =	sst s4  }
0xd: {  	[smem:$0x3FA9] =	sst s5  }
0xe: {  	[smem:$0x3FAA] =	sst s6  }
0xf: {  	[smem:$0x3FAB] =	sst s7  }
0x10: {  	[smem:$0x3FAC] =	sst s8  }
0x11: {  	[smem:$0x3FAD] =	sst s9;
	s0 =	simm.s32 @!p0 $0x0  }
0x12: {  	s1 =	sld [smem:$0x3F93];
	s0 =	simm.s32 @p0 $0x1  }
0x13: {  	[smem:$0x3FAE] =	sst s0;
	s0 =	simm.s32 @!p1 $0x0  }
0x14: {  	s2 =	sld [smem:$0x3F92];
	s0 =	simm.s32 @p1 $0x1  }
0x15: {  	[smem:$0x3FAF] =	sst s0;
	s0 =	simm.s32 @!p2 $0x0  }
0x16: {  	s3 =	sld [smem:$0x3FDB];
	s0 =	simm.s32 @p2 $0x1  }
0x17: {  	s4 =	simm.s32 $0x1BF5;
	[smem:$0x3FB1] =	sst s0  }
0x18: {  	s0 =	sld [smem:$0x3F94];
	_ =	swait.ge [sflag:s4], $0x0  }
0x19: {  	s7 =	sld [smem:$0x3F95]  }
0x1a: {  	s8 =	sadd.s32 $0xFFFFE003, lr  }
0x1b: {  	s9 =	sadd.s32 $0xFFFFFEF7, lr;
	s5 =	simm.s32 $0xFFFFFFFF;
	p2 =	slt.u32 s8, $0xFFFFF086  }
0x1c: {  	p1 =	slt.u32 s9, $0xF7A;
	s5 =	simm.s32 @!p2 $0x0  }
0x1d: {  	s5 =	simm.s32 @p1 $0x1;
	p0 =	seq.s32 s7, s2  }
0x1e: {  	s7 =	smul.u32 @!p0 $0xF7A, s2;
	p2 =	seq.s32 @!p0 s5, $0x0  }
0x1f: {  	s9 =	smul.u32 $0xF7A, s1;
	s8 =	simm.s32 @!p0 $0x1BF5;
	p2 =	por !p2, p0  }
0x20: {  	[sflag:s8] =	ssyncset.s32 @!p0 $0xFFFFF086;
	s6 =	sadd.s32 @!p0 s3, s7;
	s7 =	simm.s32 @!p0 $0x108  }
0x21: {  	s3 =	sadd.s32 s3, s9;
	s6 =	sadd.s32 @!p0 $0x88, s6;
	s7 =	simm.s32 @p2 $0x1082  }
0x22: {  	[simem:s7], [sflag:s8] =	dma.local @!p0 [hbm:s6], $0xF7A  }
0x23: {  	s9 =	sor.u32 $0xD0000000, s2;
	s6 =	simm.s32 $0x108;
	_ =	swait.ge @!p0 [sflag:s8], $0x0  }
0x24: {  	s3 =	sadd.s32 $0x88, s3;
	s6 =	simm.s32 @!p1 $0x1082;
	[sflag:s4] =	ssyncset.s32 $0xFFFFF086  }
0x25: {  	[simem:s6], [sflag:s4] =	dma.local [hbm:s3], $0xF7A  }
0x26: {  	[smem:$0x3F95] =	sst s1;
	(tag) =	ssettag s2;
	_ =	strace s9  }
0x27: {  	s1 =	sld [smem:$0x3FA5]  }
0x28: {  	s2 =	sld [smem:$0x3FA6]  }
0x29: {  	s4 =	sld [smem:$0x3FA8]  }
0x2a: {  	p0 =	seq.s32 s5, $0x0;
	s5 =	sld [smem:$0x3FA9]  }
0x2b: {  	s6 =	sld [smem:$0x3FAA]  }
0x2c: {  	s7 =	sld [smem:$0x3FAB]  }
0x2d: {  	s3 =	simm.s32 $0x108;
	s8 =	sld [smem:$0x3FAC]  }
0x2e: {  	s3 =	simm.s32 @!p0 $0x1082;
	s9 =	sld [smem:$0x3FAD]  }
0x2f: {  	lr =	sadd.s32 s0, s3;
	s0 =	sld [smem:$0x3FA4]  }
0x30: {  	s3 =	sld [smem:$0x3FA7]  }
0x31: {  	[smem:$0x3FB0] =	sst s10  }
0x32: {  	s10 =	sld [smem:$0x3FAE];
	_ =	sdelay $0x3  }
0x33: {  	p0 =	seq.s32 s10, $0x1;
	s10 =	sld [smem:$0x3FB0];
	_ =	sdelay $0x3  }
0x34: {  	[smem:$0x3FB0] =	sst s10  }
0x35: {  	s10 =	sld [smem:$0x3FAF];
	_ =	sdelay $0x3  }
0x36: {  	p1 =	seq.s32 s10, $0x1;
	s10 =	sld [smem:$0x3FB0];
	_ =	sdelay $0x3  }
0x37: {  	[smem:$0x3FB0] =	sst s10  }
0x38: {  	s10 =	sld [smem:$0x3FB1]  }
0x39: {  	_ = 	snop;
	(pc) =	sbr.ind lr, $3  }
0x3a: {  	_ = 	snop  }
0x3b: {  	_ = 	snop  }
0x3c: {  	p2 =	seq.s32 s10, $0x1;
	s10 =	sld [smem:$0x3FB0]  }
0x3d: {  	_ =	shalt  }
0x3e: {  	_ =	shalt  }
0x3f: {  	_ =	shalt  }
0x40: {  	_ =	shalt  }
0x41: {  	_ =	shalt  }
0x42: {  	_ =	shalt  }
0x43: {  	_ =	shalt  }
0x44: {  	_ =	shalt  }
0x45: {  	_ =	shalt  }
0x46: {  	_ =	shalt  }
0x47: {  	_ =	shalt  }
0x48: {  	_ =	shalt  }
0x49: {  	_ =	shalt  }
0x4a: {  	_ =	shalt  }
0x4b: {  	_ =	shalt  }
0x4c: {  	_ =	shalt  }
0x4d: {  	_ =	shalt  }
0x4e: {  	_ =	shalt  }
0x4f: {  	_ =	shalt  }
0x50: {  	_ =	shalt  }
0x51: {  	_ =	shalt  }
0x52: {  	_ =	shalt  }
0x53: {  	_ =	shalt  }
0x54: {  	_ =	shalt  }
0x55: {  	_ =	shalt  }
0x56: {  	_ =	shalt  }
0x57: {  	_ =	shalt  }
0x58: {  	_ =	shalt  }
0x59: {  	_ =	shalt  }
0x5a: {  	_ =	shalt  }
0x5b: {  	_ =	shalt  }
0x5c: {  	_ =	shalt  }
0x5d: {  	_ =	shalt  }
0x5e: {  	_ =	shalt  }
0x5f: {  	_ =	shalt  }
0x60: {  	_ =	shalt  }
0x61: {  	_ =	shalt  }
0x62: {  	_ =	shalt  }
0x63: {  	_ =	shalt  }
0x64: {  	_ =	shalt  }
0x65: {  	_ =	shalt  }
0x66: {  	_ =	shalt  }
0x67: {  	_ =	shalt  }
0x68: {  	_ =	shalt  }
0x69: {  	_ =	shalt  }
0x6a: {  	_ =	shalt  }
0x6b: {  	_ =	shalt  }
0x6c: {  	_ =	shalt  }
0x6d: {  	_ =	shalt  }
0x6e: {  	_ =	shalt  }
0x6f: {  	_ =	shalt  }
0x70: {  	_ =	shalt  }
0x71: {  	_ =	shalt  }
0x72: {  	_ =	shalt  }
0x73: {  	_ =	shalt  }
0x74: {  	_ =	shalt  }
0x75: {  	_ =	shalt  }
0x76: {  	_ =	shalt  }
0x77: {  	_ =	shalt  }
0x78: {  	_ =	shalt  }
0x79: {  	_ =	shalt  }
0x7a: {  	_ =	shalt  }
0x7b: {  	_ =	shalt  }
0x7c: {  	_ =	shalt  }
0x7d: {  	_ =	shalt  }
0x7e: {  	_ =	shalt  }
0x7f: {  	_ =	shalt  }
0x80: {  	_ =	shalt  }
0x81: {  	_ =	shalt  }
0x82: {  	_ =	shalt  }
0x83: {  	_ =	shalt  }
0x84: {  	_ =	shalt  }
0x85: {  	_ =	shalt  }
0x86: {  	_ =	shalt  }
0x87: {  	_ =	shalt  }
.Lfunc_end0:
.L_simem_size_0:
called_computation.1_lowered:
.L_overlay_start_0:
0x88: {  	s2 =	sld [smem:$0x3FD9]  }
0x89: {  	s3 =	sld [smem:$0x3FFE];
	_ =	sdelay $0x1  }
0x8a: {  	s1 =	srdreg.scid  }
0x8b: {  	s0 =	sand.u32 $0x1, s1  }
0x8c: {  	s16 =	sshll.u32 s0, $0xA;
	s2 =	sadd.s32 s3, s2  }
0x8d: {  	s2 =	sadd.s32 s2, s16  }
0x8e: {  	[smem:$0x3FBC] =	sst s2  }
0x8f: {  	_ = 	snop  }
0x90: {  	(tm) =	ssettm $0x1  }
0x91: {  	s17 =	sld [smem:$0x3FFB];
	_ =	sdelay $0x3  }
0x92: {  	_ =	strace s17  }
0x93: {  	s2 =	sld [smem:$0x3FFC];
	_ =	sdelay $0x3  }
0x94: {  	_ =	strace s2  }
0x95: {  	s2 =	sld [smem:$0x3FFD];
	_ =	sdelay $0x3  }
0x96: {  	_ =	strace s2  }
0x97: {  	_ =	strace $0x8FFFFFFF  }
0x98: {  	s18 =	sld [smem:$0x3FDB];
	_ =	sdelay $0x1  }
0x99: {  	s19 =	simm.s32 $_scs_section_size  }
0x9a: {  	s4 =	simm.s32 $_size__tile_overlayer_lowered;
	s5 =	simm.s32 $_tile_overlayer_lowered  }
0x9b: {  	s22 =	simm.s32 $0x1BFF;
	s21 =	sshll.u32 s5, $0x1;
	s2 =	sadd.s32 s19, s18  }
0x9c: {  	s6 =	simm.s32 $0x0;
	s20 =	sshll.u32 s4, $0x1;
	s4 =	sadd.s32 s21, s2  }
0x9d: {  	[timem:s6], [sflag:s22] =	dma.local [hbm:s4], s20  }
0x9e: {  	_ =	swait.ge [sflag:s22], s20  }
0x9f: {  	s3 =	ssub.s32 $0x0, s20;
	[sflag:s22] =	ssyncset.done $0x0  }
0xa0: {  	[sflag:s22] =	ssyncadd.s32 s3;
	_ =	sdelay $0x1  }
0xa1: {  	s23 =	simm.s32 $0x1B8B  }
0xa2: {  	_ =	swait.ge [sflag:s23], $0x1  }
0xa3: {  	[sflag:s23] =	ssyncset.done $0x0  }
0xa4: {  	s25 =	simm.s32 $0x1B8E;
	s24 =	sld [smem:$0x3FFE];
	[sflag:s23] =	ssyncadd.s32 $0xFFFFFFFF  }
0xa5: {  	s26 =	simm.s32 $execute0_lowered;
	[smem:$0x3FD2] =	sst s25  }
0xa6: {  	s4 =	sshll.u32 s26, $0x1;
	_ =	strace $0x80000049;
	[dreg:$0x1] =	wrdreg $0xFFFFFFFF  }
0xa7: {  	s28 =	simm.s32 $_size_execute0_lowered;
	s2 =	sadd.s32 s2, s4;
	[dreg:$0x0] =	wrdreg $0x0  }
0xa8: {  	s4 =	sshll.u32 s28, $0x1;
	[dreg:$0x2] =	wrdreg s2  }
0xa9: {  	[dreg:$0x3] =	wrdreg s4  }
0xaa: {  	[dreg:$0x4] =	wrdreg $0xC0  }
0xab: {  	_ =	task [dreg:s6], $0x5FFFF  }
0xac: {  	[dreg:$0x1] =	wrdreg $0xFFFFFFFF  }
0xad: {  	[dreg:$0x0] =	wrdreg $0x60  }
0xae: {  	[dreg:$0x2] =	wrdreg s24  }
0xaf: {  	[dreg:$0x3] =	wrdreg $0xAF800  }
0xb0: {  	[dreg:$0x4] =	wrdreg $0x9  }
0xb1: {  	_ =	task.clear_ibuf [dreg:s6], $0x5FFFF;
	_ =	strace $0x90000049  }
0xb2: {  	s29 =	simm.s32 $0x9;
	_ =	strace $0x8000004B  }
0xb3: {  	_ =	swait.ge [sflag:s29], $0x1  }
0xb4: {  	[sflag:s29] =	ssyncadd.s32 $0xFFFFFFFF  }
0xb5: {  	_ =	strace $0x9000004B  }
0xb6: {  	_ =	sfence  }
0xb7: {  	s30 =	sld [smem:$0x0];
	_ =	sdelay $0x2  }
0xb8: {  	s31 =	sshll.u32 s1, $0xD;
	s1 =	sshrl.u32 s1, $0x2  }
0xb9: {  	s3 =	sand.u32 $0x4000, s31;
	s1 =	sadd.s32 s1, s30  }
0xba: {  	s0 =	sor.u32 s3, s0;
	s1 =	sshll.u32 s1, $0x11  }
0xbb: {  	s0 =	sor.u32 s1, s0  }
0xbc: {  	s0 =	sadd.s32 $0x8F2B, s0  }
0xbd: {  	[sflag:s0] =	ssyncadd.remote.s32 $0x1  }
0xbe: {  	_ =	sfence.sel $0xFFFF  }
0xbf: {  	[dreg:$0x0] =	wrdreg $0xFFFFFFFF;
	(pc) =	sbr.abs _section_cstart, $3  }
0xc0: {  	[dreg:$0x1] =	wrdreg $0xFFFFFFFF  }
0xc1: {  	_ =	task.clear_ibuf [dreg:s6], $0x2FFFF;
	_ =	strace $0x9FFFFFFF  }
0xc2: {  	(tm) =	ssettm $0x7FFFFFFF  }
0xc3: {  	_ =	shalt  }
tec
execute0_lowered:
.L_overlay_start_1:
0x0: {  	(tag) =	ssettag $0x1  }
0x1: {  	s1 =	srdreg.scid;
	s6 =	rddreg [dreg:$0x0]  }
0x2: {  	s0 =	stileid.u32;
	s2 =	rddreg [dreg:$0x1]  }
0x3: {  	s3 =	simm.s32 $0x0;
	s12 =	simm.s32 $0x60;
	s13 =	simm.s32 $0x4F80  }
0x4: {  	s14 =	simm.s32 $0x1;
	s15 =	simm.s32 $0x7F80;
	s16 =	simm.s32 $0x2  }
0x5: {  	s17 =	simm.s32 $0x2760;
	s18 =	simm.s32 $0x4EC0;
	s19 =	simm.s32 $0x4F20  }
0x6: {  	s20 =	simm.s32 $0x0;
	s5 =	sand.u32 $0x1, s1;
	s29 =	sshll.u32 s0, $0x1  }
0x7: {  	s7 =	smul.u32 $0x14000, s0;
	[smem:$0x7FF] =	sst s3;
	s31 =	sshll.u32 s0, $0x6  }
0x8: {  	s1 =	sor.u32 s5, s29;
	s8 =	smul.u32 $0x140000, s5;
	s10 =	ssub.s32 $0x2, s5  }
0x9: {  	s5 =	sadd.s32 $0x41000, s6;
	s4 =	smul.u32 $0x9F0, s1;
	s1 =	rddreg [dreg:$0x2]  }
0xa: {  	_ =	strace $0x8000004A;
	s30 =	sshrl.u32 s10, $0x1;
	s8 =	sadd.s32 s7, s8  }
0xb: {  	s11 =	sadd.s32 s7, s2;
	s10 =	ssub.s32 s10, s30;
	s8 =	sshrl.u32 s8, $0x3  }
0xc: {  	s9 =	sadd.s32 s4, s6;
	s4 =	sadd.s32 $0x19000, s6;
	s8 =	sadd.s32 s8, s6  }
0xd: {  	s6 =	sor.u32 $0x1C03, s31;
	s7 =	sadd.s32 $0x5200, s9;
	s9 =	smax.u32 s10, $0x1  }
0xe: {  	s10 =	sshrl.u32 s11, $0x3;
	s11 =	simm.s32 $0x3;
	s8 =	sadd.s32 $0x43800, s8  }
.LBB2_1:
0xf: {  	[spmem:s10], [sflag:s6] =	dma.local [hbm:s5], $0x2800  }
0x10: {  	_ =	swait.ge [sflag:s11], $0x2800  }
0x11: {  	[sflag:s11] =	ssyncset.done $0x0  }
0x12: {  	[sflag:s11] =	ssyncadd.s32 $0xFFFFD800  }
0x13: {  	[tilespmem:s3], [sflag:$0x3] =	stream.linear.gather [hbm4b:s7+s3], $0x4F80, $0x38;
	[tilespmem:$0x1EF80] =	vst v63  }
0x14: {  	_ =	swait.ge [sflag:s11], $0x4F80  }
0x15: {  	[sflag:s11] =	ssyncset.done $0x0  }
0x16: {  	[sflag:s11] =	ssyncadd.s32 $0xFFFFB080  }
0x17: {  	[bflag:$0x0] =	sbarrier.arrive $0xFFFF  }
0x18: {  	[tilespmem:s13], [sflag:$0x1] =	stream.indirect.gather [hbm4b:s4+s12], $0x80, s3, s12, $0xb8;
	[tilespmem:$0x1EF80] =	vst v63  }
0x19: {  	_ =	swait.ge [sflag:s14], $0x3000  }
0x1a: {  	[sflag:s14] =	ssyncset.done $0x0  }
0x1b: {  	s21 =	simm.s32 $0x60;
	[sflag:s14] =	ssyncadd.s32 $0xFFFFD000  }
0x1c: {  	[tilespmem:s15], [sflag:$0x2] =	stream.indirect.gather [hbm4b:s4+s12], $0x80, s21, s12, $0xb8;
	[tilespmem:$0x1EF80] =	vst v63  }
0x1d: {  	s29 =	simm.s32 $0x27C0  }
0x1e: {  	[spmem:s2] =	stream.indirect.scatter.add.f32 [tilespmem:s13], [sflag:$0x3], $0x80, s29, s12, $0xb8;
	[tilespmem:$0x1EF80] =	vst v63  }
0x1f: {  	_ =	swait.ge [sflag:s11], $0x3000  }
0x20: {  	[sflag:s11] =	ssyncset.done $0x0  }
0x21: {  	[sflag:s11] =	ssyncadd.s32 $0xFFFFD000  }
0x22: {  	_ =	swait.ge [sflag:s16], $0x3000  }
0x23: {  	[sflag:s16] =	ssyncset.done $0x0  }
0x24: {  	s30 =	simm.s32 $0xC0;
	[sflag:s16] =	ssyncadd.s32 $0xFFFFD000  }
0x25: {  	[tilespmem:s13], [sflag:$0x1] =	stream.indirect.gather [hbm4b:s4+s12], $0x80, s30, s12, $0xb8;
	[tilespmem:$0x1EF80] =	vst v63  }
0x26: {  	s31 =	simm.s32 $0x2820  }
0x27: {  	[spmem:s2] =	stream.indirect.scatter.add.f32 [tilespmem:s15], [sflag:$0x3], $0x80, s31, s12, $0xb8;
	[tilespmem:$0x1EF80] =	vst v63  }
0x28: {  	_ =	swait.ge [sflag:s11], $0x3000  }
0x29: {  	s21 =	simm.s32 $0x600;
	[sflag:s11] =	ssyncset.done $0x0  }
.LBB2_2:
0x2a: {  	p0 =	sne.s32 s21, $0x9C00  }
0x2b: {  	[sflag:s11] =	ssyncadd.s32 $0xFFFFD000;
	s22 =	smov.u32 s21;
	s21 =	sadd.s32 $0x300, s21  }
0x2c: {  	_ = 	snop  }
0x2d: {  	_ =	swait.ge [sflag:s14], $0x3000  }
0x2e: {  	s22 =	sshra.s32 s22, $0x2;
	[sflag:s14] =	ssyncset.done $0x0  }
0x2f: {  	s23 =	sadd.s32 $0xFFFFFFA0, s22;
	[sflag:s14] =	ssyncadd.s32 $0xFFFFD000  }
0x30: {  	[tilespmem:s15], [sflag:$0x2] =	stream.indirect.gather [hbm4b:s4+s12], $0x80, s23, s12, $0xb8;
	[tilespmem:$0x1EF80] =	vst v63  }
0x31: {  	s23 =	sadd.s32 $0x2700, s22  }
0x32: {  	[spmem:s2] =	stream.indirect.scatter.add.f32 [tilespmem:s13], [sflag:$0x3], $0x80, s23, s12, $0xb8;
	[tilespmem:$0x1EF80] =	vst v63  }
0x33: {  	_ =	swait.ge [sflag:s11], $0x3000  }
0x34: {  	[sflag:s11] =	ssyncset.done $0x0  }
0x35: {  	[sflag:s11] =	ssyncadd.s32 $0xFFFFD000  }
0x36: {  	_ =	swait.ge [sflag:s16], $0x3000  }
0x37: {  	[sflag:s16] =	ssyncset.done $0x0  }
0x38: {  	[sflag:s16] =	ssyncadd.s32 $0xFFFFD000  }
0x39: {  	[tilespmem:s13], [sflag:$0x1] =	stream.indirect.gather [hbm4b:s4+s12], $0x80, s22, s12, $0xb8;
	[tilespmem:$0x1EF80] =	vst v63  }
.Ltmp0:
0x3a: {  	_ = 	snop;
	(pc) =	sbr.rel @p0 .LBB2_2-.Ltmp0, $4  }
0x3b: {  	s22 =	sadd.s32 $0x2760, s22  }
0x3c: {  	[spmem:s2] =	stream.indirect.scatter.add.f32 [tilespmem:s15], [sflag:$0x3], $0x80, s22, s12, $0xb8;
	[tilespmem:$0x1EF80] =	vst v63  }
0x3d: {  	_ =	swait.ge [sflag:s11], $0x3000  }
0x3e: {  	[sflag:s11] =	ssyncset.done $0x0  }
0x3f: {  	[sflag:s11] =	ssyncadd.s32 $0xFFFFD000  }
0x40: {  	_ =	swait.ge [sflag:s14], $0x3000  }
0x41: {  	[sflag:s14] =	ssyncset.done $0x0  }
0x42: {  	[sflag:s14] =	ssyncadd.s32 $0xFFFFD000  }
0x43: {  	[tilespmem:s15], [sflag:$0x2] =	stream.indirect.gather [hbm4b:s4+s12], $0x80, s17, s12, $0xb8;
	[tilespmem:$0x1EF80] =	vst v63  }
0x44: {  	_ = 	snop  }
0x45: {  	[spmem:s2] =	stream.indirect.scatter.add.f32 [tilespmem:s13], [sflag:$0x3], $0x80, s18, s12, $0xb8;
	[tilespmem:$0x1EF80] =	vst v63  }
0x46: {  	_ =	swait.ge [sflag:s11], $0x3000  }
0x47: {  	[sflag:s11] =	ssyncset.done $0x0  }
0x48: {  	[sflag:s11] =	ssyncadd.s32 $0xFFFFD000  }
0x49: {  	_ =	swait.ge [sflag:s16], $0x3000  }
0x4a: {  	[sflag:s16] =	ssyncset.done $0x0  }
0x4b: {  	[sflag:s16] =	ssyncadd.s32 $0xFFFFD000  }
0x4c: {  	[spmem:s2] =	stream.indirect.scatter.add.f32 [tilespmem:s15], [sflag:$0x3], $0x80, s19, s12, $0xb8;
	[tilespmem:$0x1EF80] =	vst v63  }
0x4d: {  	_ =	swait.ge [sflag:s11], $0x3000  }
0x4e: {  	s20 =	sadd.s32 $0x1, s20;
	[sflag:s11] =	ssyncset.done $0x0  }
0x4f: {  	p0 =	sne.s32 s20, s9;
	[sflag:s11] =	ssyncadd.s32 $0xFFFFD000  }
.Ltmp1:
0x50: {  	[bflag:$0x0] =	sbarrier.arrive $0xFFFF;
	(pc) =	sbr.rel @p0 .LBB2_1-.Ltmp1, $4  }
0x51: {  	[hbm:s8], [sflag:s6] =	dma.local [spmem:s10], $0x2800  }
0x52: {  	_ =	swait.ge [sflag:s11], $0x2800  }
0x53: {  	[sflag:s11] =	ssyncset.done $0x0  }
0x54: {  	[sflag:s11] =	ssyncadd.s32 $0xFFFFD800  }
0x55: {  	_ =	sfence.sel $0x180000  }
0x56: {  	[bflag:$0x0] =	sbarrier.arrive $0xFFFF  }
0x57: {  	p0 =	sne.s32 s0, $0x0;
	_ =	strace $0x9000004A  }
0x58: {  	s0 =	sadd.s32 @!p0 $0x100000, s1;
	[bflag:$0x2] =	sbarrier.arrive $0xFFFF  }
0x59: {  	[sflag:s0] =	ssyncadd.tile.s32 @!p0 $0x1;
	_ =	shalt  }
.Lfunc_end2:
_tile_overlayer_lowered:
.L_overlay_start_2:
0x5a: {  	(tag) =	ssettag $0x2  }
0x5b: {  	s0 =	rddreg [dreg:$0x0];
	s2 =	stileid.u32  }
0x5c: {  	s1 =	rddreg [dreg:$0x1];
	p0 =	sne.s32 s2, $0x0  }
0x5d: {  	s3 =	rddreg [dreg:$0x2];
	[bflag:$0x3] =	sbarrier.arrive $0xFFFF;
	s2 =	simm.s32 @!p0 $0x1C03  }
0x5e: {  	[timem:s3], [sflag:s2] =	dma.local @!p0 [hbm:s0], s1  }
0x5f: {  	s0 =	simm.s32 @!p0 $0x3  }
0x60: {  	_ =	swait.ge @!p0 [sflag:s0], s1  }
0x61: {  	s1 =	ssub.s32 @!p0 $0x0, s1;
	[sflag:s0] =	ssyncset.done @!p0 $0x0  }
0x62: {  	[sflag:s0] =	ssyncadd.s32 @!p0 s1  }
0x63: {  	[bflag:$0x3] =	sbarrier.arrive $0xFFFF  }
0x64: {  	_ =	shalt  }

// kernel: kernel.14.cloned.1.call-start
scs
__scs_entry_jumppad:
0x0: {  	(pc) =	sbr.rel $0x88, $3  }
0x1: {  	(tag) =	ssettag $0x0;
	lr =	simm.s32 $0x1  }
0x2: {  	[smem:$0x3F95] =	sst lr;
	_ =	strace $0xD0000000  }
0x3: {  	_ = 	snop  }
0x4: {  	_ = 	snop  }
0x5: {  	_ = 	snop  }
0x6: {  	_ = 	snop  }
0x7: {  	_ = 	snop  }
__scs_overlays_trampoline_lowered:
0x8: {  	[smem:$0x3FA4] =	sst s0  }
0x9: {  	[smem:$0x3FA5] =	sst s1  }
0xa: {  	[smem:$0x3FA6] =	sst s2  }
0xb: {  	[smem:$0x3FA7] =	sst s3  }
0xc: {  	[smem:$0x3FA8] =	sst s4  }
0xd: {  	[smem:$0x3FA9] =	sst s5  }
0xe: {  	[smem:$0x3FAA] =	sst s6  }
0xf: {  	[smem:$0x3FAB] =	sst s7  }
0x10: {  	[smem:$0x3FAC] =	sst s8  }
0x11: {  	[smem:$0x3FAD] =	sst s9;
	s0 =	simm.s32 @!p0 $0x0  }
0x12: {  	s1 =	sld [smem:$0x3F93];
	s0 =	simm.s32 @p0 $0x1  }
0x13: {  	[smem:$0x3FAE] =	sst s0;
	s0 =	simm.s32 @!p1 $0x0  }
0x14: {  	s2 =	sld [smem:$0x3F92];
	s0 =	simm.s32 @p1 $0x1  }
0x15: {  	[smem:$0x3FAF] =	sst s0;
	s0 =	simm.s32 @!p2 $0x0  }
0x16: {  	s3 =	sld [smem:$0x3FDB];
	s0 =	simm.s32 @p2 $0x1  }
0x17: {  	s4 =	simm.s32 $0x1BF5;
	[smem:$0x3FB1] =	sst s0  }
0x18: {  	s0 =	sld [smem:$0x3F94];
	_ =	swait.ge [sflag:s4], $0x0  }
0x19: {  	s7 =	sld [smem:$0x3F95]  }
0x1a: {  	s8 =	sadd.s32 $0xFFFFE003, lr  }
0x1b: {  	s9 =	sadd.s32 $0xFFFFFEF7, lr;
	s5 =	simm.s32 $0xFFFFFFFF;
	p2 =	slt.u32 s8, $0xFFFFF086  }
0x1c: {  	p1 =	slt.u32 s9, $0xF7A;
	s5 =	simm.s32 @!p2 $0x0  }
0x1d: {  	s5 =	simm.s32 @p1 $0x1;
	p0 =	seq.s32 s7, s2  }
0x1e: {  	s7 =	smul.u32 @!p0 $0xF7A, s2;
	p2 =	seq.s32 @!p0 s5, $0x0  }
0x1f: {  	s9 =	smul.u32 $0xF7A, s1;
	s8 =	simm.s32 @!p0 $0x1BF5;
	p2 =	por !p2, p0  }
0x20: {  	[sflag:s8] =	ssyncset.s32 @!p0 $0xFFFFF086;
	s6 =	sadd.s32 @!p0 s3, s7;
	s7 =	simm.s32 @!p0 $0x108  }
0x21: {  	s3 =	sadd.s32 s3, s9;
	s6 =	sadd.s32 @!p0 $0x88, s6;
	s7 =	simm.s32 @p2 $0x1082  }
0x22: {  	[simem:s7], [sflag:s8] =	dma.local @!p0 [hbm:s6], $0xF7A  }
0x23: {  	s9 =	sor.u32 $0xD0000000, s2;
	s6 =	simm.s32 $0x108;
	_ =	swait.ge @!p0 [sflag:s8], $0x0  }
0x24: {  	s3 =	sadd.s32 $0x88, s3;
	s6 =	simm.s32 @!p1 $0x1082;
	[sflag:s4] =	ssyncset.s32 $0xFFFFF086  }
0x25: {  	[simem:s6], [sflag:s4] =	dma.local [hbm:s3], $0xF7A  }
0x26: {  	[smem:$0x3F95] =	sst s1;
	(tag) =	ssettag s2;
	_ =	strace s9  }
0x27: {  	s1 =	sld [smem:$0x3FA5]  }
0x28: {  	s2 =	sld [smem:$0x3FA6]  }
0x29: {  	s4 =	sld [smem:$0x3FA8]  }
0x2a: {  	p0 =	seq.s32 s5, $0x0;
	s5 =	sld [smem:$0x3FA9]  }
0x2b: {  	s6 =	sld [smem:$0x3FAA]  }
0x2c: {  	s7 =	sld [smem:$0x3FAB]  }
0x2d: {  	s3 =	simm.s32 $0x108;
	s8 =	sld [smem:$0x3FAC]  }
0x2e: {  	s3 =	simm.s32 @!p0 $0x1082;
	s9 =	sld [smem:$0x3FAD]  }
0x2f: {  	lr =	sadd.s32 s0, s3;
	s0 =	sld [smem:$0x3FA4]  }
0x30: {  	s3 =	sld [smem:$0x3FA7]  }
0x31: {  	[smem:$0x3FB0] =	sst s10  }
0x32: {  	s10 =	sld [smem:$0x3FAE];
	_ =	sdelay $0x3  }
0x33: {  	p0 =	seq.s32 s10, $0x1;
	s10 =	sld [smem:$0x3FB0];
	_ =	sdelay $0x3  }
0x34: {  	[smem:$0x3FB0] =	sst s10  }
0x35: {  	s10 =	sld [smem:$0x3FAF];
	_ =	sdelay $0x3  }
0x36: {  	p1 =	seq.s32 s10, $0x1;
	s10 =	sld [smem:$0x3FB0];
	_ =	sdelay $0x3  }
0x37: {  	[smem:$0x3FB0] =	sst s10  }
0x38: {  	s10 =	sld [smem:$0x3FB1]  }
0x39: {  	_ = 	snop;
	(pc) =	sbr.ind lr, $3  }
0x3a: {  	_ = 	snop  }
0x3b: {  	_ = 	snop  }
0x3c: {  	p2 =	seq.s32 s10, $0x1;
	s10 =	sld [smem:$0x3FB0]  }
0x3d: {  	_ =	shalt  }
0x3e: {  	_ =	shalt  }
0x3f: {  	_ =	shalt  }
0x40: {  	_ =	shalt  }
0x41: {  	_ =	shalt  }
0x42: {  	_ =	shalt  }
0x43: {  	_ =	shalt  }
0x44: {  	_ =	shalt  }
0x45: {  	_ =	shalt  }
0x46: {  	_ =	shalt  }
0x47: {  	_ =	shalt  }
0x48: {  	_ =	shalt  }
0x49: {  	_ =	shalt  }
0x4a: {  	_ =	shalt  }
0x4b: {  	_ =	shalt  }
0x4c: {  	_ =	shalt  }
0x4d: {  	_ =	shalt  }
0x4e: {  	_ =	shalt  }
0x4f: {  	_ =	shalt  }
0x50: {  	_ =	shalt  }
0x51: {  	_ =	shalt  }
0x52: {  	_ =	shalt  }
0x53: {  	_ =	shalt  }
0x54: {  	_ =	shalt  }
0x55: {  	_ =	shalt  }
0x56: {  	_ =	shalt  }
0x57: {  	_ =	shalt  }
0x58: {  	_ =	shalt  }
0x59: {  	_ =	shalt  }
0x5a: {  	_ =	shalt  }
0x5b: {  	_ =	shalt  }
0x5c: {  	_ =	shalt  }
0x5d: {  	_ =	shalt  }
0x5e: {  	_ =	shalt  }
0x5f: {  	_ =	shalt  }
0x60: {  	_ =	shalt  }
0x61: {  	_ =	shalt  }
0x62: {  	_ =	shalt  }
0x63: {  	_ =	shalt  }
0x64: {  	_ =	shalt  }
0x65: {  	_ =	shalt  }
0x66: {  	_ =	shalt  }
0x67: {  	_ =	shalt  }
0x68: {  	_ =	shalt  }
0x69: {  	_ =	shalt  }
0x6a: {  	_ =	shalt  }
0x6b: {  	_ =	shalt  }
0x6c: {  	_ =	shalt  }
0x6d: {  	_ =	shalt  }
0x6e: {  	_ =	shalt  }
0x6f: {  	_ =	shalt  }
0x70: {  	_ =	shalt  }
0x71: {  	_ =	shalt  }
0x72: {  	_ =	shalt  }
0x73: {  	_ =	shalt  }
0x74: {  	_ =	shalt  }
0x75: {  	_ =	shalt  }
0x76: {  	_ =	shalt  }
0x77: {  	_ =	shalt  }
0x78: {  	_ =	shalt  }
0x79: {  	_ =	shalt  }
0x7a: {  	_ =	shalt  }
0x7b: {  	_ =	shalt  }
0x7c: {  	_ =	shalt  }
0x7d: {  	_ =	shalt  }
0x7e: {  	_ =	shalt  }
0x7f: {  	_ =	shalt  }
0x80: {  	_ =	shalt  }
0x81: {  	_ =	shalt  }
0x82: {  	_ =	shalt  }
0x83: {  	_ =	shalt  }
0x84: {  	_ =	shalt  }
0x85: {  	_ =	shalt  }
0x86: {  	_ =	shalt  }
0x87: {  	_ =	shalt  }
.Lfunc_end0:
.L_simem_size_0:
called_computation.2_lowered:
.L_overlay_start_0:
0x88: {  	s2 =	sld [smem:$0x3FD9]  }
0x89: {  	s3 =	sld [smem:$0x3FFE];
	_ =	sdelay $0x1  }
0x8a: {  	s1 =	srdreg.scid  }
0x8b: {  	s0 =	sand.u32 $0x1, s1  }
0x8c: {  	s16 =	sshll.u32 s0, $0xA;
	s2 =	sadd.s32 s3, s2  }
0x8d: {  	s2 =	sadd.s32 s2, s16  }
0x8e: {  	[smem:$0x3FBC] =	sst s2  }
0x8f: {  	_ = 	snop  }
0x90: {  	(tm) =	ssettm $0x1  }
0x91: {  	s17 =	sld [smem:$0x3FFB];
	_ =	sdelay $0x3  }
0x92: {  	_ =	strace s17  }
0x93: {  	s2 =	sld [smem:$0x3FFC];
	_ =	sdelay $0x3  }
0x94: {  	_ =	strace s2  }
0x95: {  	s2 =	sld [smem:$0x3FFD];
	_ =	sdelay $0x3  }
0x96: {  	_ =	strace s2  }
0x97: {  	_ =	strace $0x8FFFFFFF  }
0x98: {  	s18 =	sld [smem:$0x3FDB];
	_ =	sdelay $0x1  }
0x99: {  	s19 =	simm.s32 $_scs_section_size  }
0x9a: {  	s4 =	simm.s32 $_size__tile_overlayer_lowered;
	s5 =	simm.s32 $_tile_overlayer_lowered  }
0x9b: {  	s22 =	simm.s32 $0x1BFF;
	s21 =	sshll.u32 s5, $0x1;
	s2 =	sadd.s32 s19, s18  }
0x9c: {  	s6 =	simm.s32 $0x0;
	s20 =	sshll.u32 s4, $0x1;
	s4 =	sadd.s32 s21, s2  }
0x9d: {  	[timem:s6], [sflag:s22] =	dma.local [hbm:s4], s20  }
0x9e: {  	_ =	swait.ge [sflag:s22], s20  }
0x9f: {  	s3 =	ssub.s32 $0x0, s20;
	[sflag:s22] =	ssyncset.done $0x0  }
0xa0: {  	[sflag:s22] =	ssyncadd.s32 s3;
	_ =	sdelay $0x1  }
0xa1: {  	s23 =	simm.s32 $0x1B8B  }
0xa2: {  	_ =	swait.ge [sflag:s23], $0x1  }
0xa3: {  	[sflag:s23] =	ssyncset.done $0x0  }
0xa4: {  	s25 =	simm.s32 $0x1B8E;
	s24 =	sld [smem:$0x3FFE];
	[sflag:s23] =	ssyncadd.s32 $0xFFFFFFFF  }
0xa5: {  	s26 =	simm.s32 $execute0_lowered;
	[smem:$0x3FD2] =	sst s25  }
0xa6: {  	s4 =	sshll.u32 s26, $0x1;
	_ =	strace $0x8000004C;
	[dreg:$0x1] =	wrdreg $0xFFFFFFFF  }
0xa7: {  	s28 =	simm.s32 $_size_execute0_lowered;
	s2 =	sadd.s32 s2, s4;
	[dreg:$0x0] =	wrdreg $0x0  }
0xa8: {  	s4 =	sshll.u32 s28, $0x1;
	[dreg:$0x2] =	wrdreg s2  }
0xa9: {  	[dreg:$0x3] =	wrdreg s4  }
0xaa: {  	[dreg:$0x4] =	wrdreg $0xC0  }
0xab: {  	_ =	task [dreg:s6], $0x5FFFF  }
0xac: {  	[dreg:$0x1] =	wrdreg $0xFFFFFFFF  }
0xad: {  	[dreg:$0x0] =	wrdreg $0x60  }
0xae: {  	[dreg:$0x2] =	wrdreg s24  }
0xaf: {  	[dreg:$0x3] =	wrdreg $0xAF800  }
0xb0: {  	[dreg:$0x4] =	wrdreg $0x9  }
0xb1: {  	_ =	task.clear_ibuf [dreg:s6], $0x5FFFF;
	_ =	strace $0x9000004C  }
0xb2: {  	s29 =	simm.s32 $0x9;
	_ =	strace $0x8000004E  }
0xb3: {  	_ =	swait.ge [sflag:s29], $0x1  }
0xb4: {  	[sflag:s29] =	ssyncadd.s32 $0xFFFFFFFF  }
0xb5: {  	_ =	strace $0x9000004E  }
0xb6: {  	_ =	sfence  }
0xb7: {  	s30 =	sld [smem:$0x0];
	_ =	sdelay $0x2  }
0xb8: {  	s31 =	sshll.u32 s1, $0xD;
	s1 =	sshrl.u32 s1, $0x2  }
0xb9: {  	s3 =	sand.u32 $0x4000, s31;
	s1 =	sadd.s32 s1, s30  }
0xba: {  	s0 =	sor.u32 s3, s0;
	s1 =	sshll.u32 s1, $0x11  }
0xbb: {  	s0 =	sor.u32 s1, s0  }
0xbc: {  	s0 =	sadd.s32 $0x8F2B, s0  }
0xbd: {  	[sflag:s0] =	ssyncadd.remote.s32 $0x1  }
0xbe: {  	_ =	sfence.sel $0xFFFF  }
0xbf: {  	[dreg:$0x0] =	wrdreg $0xFFFFFFFF;
	(pc) =	sbr.abs _section_cstart, $3  }
0xc0: {  	[dreg:$0x1] =	wrdreg $0xFFFFFFFF  }
0xc1: {  	_ =	task.clear_ibuf [dreg:s6], $0x2FFFF;
	_ =	strace $0x9FFFFFFF  }
0xc2: {  	(tm) =	ssettm $0x7FFFFFFF  }
0xc3: {  	_ =	shalt  }
tec
execute0_lowered:
.L_overlay_start_1:
0x0: {  	(tag) =	ssettag $0x1  }
0x1: {  	s1 =	srdreg.scid;
	s6 =	rddreg [dreg:$0x0]  }
0x2: {  	s0 =	stileid.u32;
	s2 =	rddreg [dreg:$0x1]  }
0x3: {  	s3 =	simm.s32 $0x0;
	s12 =	simm.s32 $0x60;
	s13 =	simm.s32 $0x4F80  }
0x4: {  	s14 =	simm.s32 $0x1;
	s15 =	simm.s32 $0x7F80;
	s16 =	simm.s32 $0x2  }
0x5: {  	s17 =	simm.s32 $0x2760;
	s18 =	simm.s32 $0x4EC0;
	s19 =	simm.s32 $0x4F20  }
0x6: {  	s20 =	simm.s32 $0x0;
	s5 =	sand.u32 $0x1, s1;
	s29 =	sshll.u32 s0, $0x1  }
0x7: {  	s7 =	smul.u32 $0x14000, s0;
	[smem:$0x7FF] =	sst s3;
	s31 =	sshll.u32 s0, $0x6  }
0x8: {  	s1 =	sor.u32 s5, s29;
	s8 =	smul.u32 $0x140000, s5;
	s10 =	ssub.s32 $0x2, s5  }
0x9: {  	s5 =	sadd.s32 $0x41000, s6;
	s4 =	smul.u32 $0x9F0, s1;
	s1 =	rddreg [dreg:$0x2]  }
0xa: {  	_ =	strace $0x8000004D;
	s30 =	sshrl.u32 s10, $0x1;
	s8 =	sadd.s32 s7, s8  }
0xb: {  	s11 =	sadd.s32 s7, s2;
	s10 =	ssub.s32 s10, s30;
	s8 =	sshrl.u32 s8, $0x3  }
0xc: {  	s9 =	sadd.s32 s4, s6;
	s4 =	sadd.s32 $0x43800, s6;
	s8 =	sadd.s32 s8, s6  }
0xd: {  	s6 =	sor.u32 $0x1C03, s31;
	s7 =	sadd.s32 $0x5200, s9;
	s9 =	smax.u32 s10, $0x1  }
0xe: {  	s10 =	sshrl.u32 s11, $0x3;
	s11 =	simm.s32 $0x3;
	s8 =	sadd.s32 $0xE3800, s8  }
.LBB2_1:
0xf: {  	[spmem:s10], [sflag:s6] =	dma.local [hbm:s5], $0x2800  }
0x10: {  	_ =	swait.ge [sflag:s11], $0x2800  }
0x11: {  	[sflag:s11] =	ssyncset.done $0x0  }
0x12: {  	[sflag:s11] =	ssyncadd.s32 $0xFFFFD800  }
0x13: {  	[tilespmem:s3], [sflag:$0x3] =	stream.linear.gather [hbm4b:s7+s3], $0x4F80, $0x38;
	[tilespmem:$0x1EF80] =	vst v63  }
0x14: {  	_ =	swait.ge [sflag:s11], $0x4F80  }
0x15: {  	[sflag:s11] =	ssyncset.done $0x0  }
0x16: {  	[sflag:s11] =	ssyncadd.s32 $0xFFFFB080  }
0x17: {  	[bflag:$0x0] =	sbarrier.arrive $0xFFFF  }
0x18: {  	[tilespmem:s13], [sflag:$0x1] =	stream.indirect.gather [hbm4b:s4+s12], $0x80, s3, s12, $0xb8;
	[tilespmem:$0x1EF80] =	vst v63  }
0x19: {  	_ =	swait.ge [sflag:s14], $0x3000  }
0x1a: {  	[sflag:s14] =	ssyncset.done $0x0  }
0x1b: {  	s21 =	simm.s32 $0x60;
	[sflag:s14] =	ssyncadd.s32 $0xFFFFD000  }
0x1c: {  	[tilespmem:s15], [sflag:$0x2] =	stream.indirect.gather [hbm4b:s4+s12], $0x80, s21, s12, $0xb8;
	[tilespmem:$0x1EF80] =	vst v63  }
0x1d: {  	s29 =	simm.s32 $0x27C0  }
0x1e: {  	[spmem:s2] =	stream.indirect.scatter.add.f32 [tilespmem:s13], [sflag:$0x3], $0x80, s29, s12, $0xb8;
	[tilespmem:$0x1EF80] =	vst v63  }
0x1f: {  	_ =	swait.ge [sflag:s11], $0x3000  }
0x20: {  	[sflag:s11] =	ssyncset.done $0x0  }
0x21: {  	[sflag:s11] =	ssyncadd.s32 $0xFFFFD000  }
0x22: {  	_ =	swait.ge [sflag:s16], $0x3000  }
0x23: {  	[sflag:s16] =	ssyncset.done $0x0  }
0x24: {  	s30 =	simm.s32 $0xC0;
	[sflag:s16] =	ssyncadd.s32 $0xFFFFD000  }
0x25: {  	[tilespmem:s13], [sflag:$0x1] =	stream.indirect.gather [hbm4b:s4+s12], $0x80, s30, s12, $0xb8;
	[tilespmem:$0x1EF80] =	vst v63  }
0x26: {  	s31 =	simm.s32 $0x2820  }
0x27: {  	[spmem:s2] =	stream.indirect.scatter.add.f32 [tilespmem:s15], [sflag:$0x3], $0x80, s31, s12, $0xb8;
	[tilespmem:$0x1EF80] =	vst v63  }
0x28: {  	_ =	swait.ge [sflag:s11], $0x3000  }
0x29: {  	s21 =	simm.s32 $0x600;
	[sflag:s11] =	ssyncset.done $0x0  }
.LBB2_2:
0x2a: {  	p0 =	sne.s32 s21, $0x9C00  }
0x2b: {  	[sflag:s11] =	ssyncadd.s32 $0xFFFFD000;
	s22 =	smov.u32 s21;
	s21 =	sadd.s32 $0x300, s21  }
0x2c: {  	_ = 	snop  }
0x2d: {  	_ =	swait.ge [sflag:s14], $0x3000  }
0x2e: {  	s22 =	sshra.s32 s22, $0x2;
	[sflag:s14] =	ssyncset.done $0x0  }
0x2f: {  	s23 =	sadd.s32 $0xFFFFFFA0, s22;
	[sflag:s14] =	ssyncadd.s32 $0xFFFFD000  }
0x30: {  	[tilespmem:s15], [sflag:$0x2] =	stream.indirect.gather [hbm4b:s4+s12], $0x80, s23, s12, $0xb8;
	[tilespmem:$0x1EF80] =	vst v63  }
0x31: {  	s23 =	sadd.s32 $0x2700, s22  }
0x32: {  	[spmem:s2] =	stream.indirect.scatter.add.f32 [tilespmem:s13], [sflag:$0x3], $0x80, s23, s12, $0xb8;
	[tilespmem:$0x1EF80] =	vst v63  }
0x33: {  	_ =	swait.ge [sflag:s11], $0x3000  }
0x34: {  	[sflag:s11] =	ssyncset.done $0x0  }
0x35: {  	[sflag:s11] =	ssyncadd.s32 $0xFFFFD000  }
0x36: {  	_ =	swait.ge [sflag:s16], $0x3000  }
0x37: {  	[sflag:s16] =	ssyncset.done $0x0  }
0x38: {  	[sflag:s16] =	ssyncadd.s32 $0xFFFFD000  }
0x39: {  	[tilespmem:s13], [sflag:$0x1] =	stream.indirect.gather [hbm4b:s4+s12], $0x80, s22, s12, $0xb8;
	[tilespmem:$0x1EF80] =	vst v63  }
.Ltmp0:
0x3a: {  	_ = 	snop;
	(pc) =	sbr.rel @p0 .LBB2_2-.Ltmp0, $4  }
0x3b: {  	s22 =	sadd.s32 $0x2760, s22  }
0x3c: {  	[spmem:s2] =	stream.indirect.scatter.add.f32 [tilespmem:s15], [sflag:$0x3], $0x80, s22, s12, $0xb8;
	[tilespmem:$0x1EF80] =	vst v63  }
0x3d: {  	_ =	swait.ge [sflag:s11], $0x3000  }
0x3e: {  	[sflag:s11] =	ssyncset.done $0x0  }
0x3f: {  	[sflag:s11] =	ssyncadd.s32 $0xFFFFD000  }
0x40: {  	_ =	swait.ge [sflag:s14], $0x3000  }
0x41: {  	[sflag:s14] =	ssyncset.done $0x0  }
0x42: {  	[sflag:s14] =	ssyncadd.s32 $0xFFFFD000  }
0x43: {  	[tilespmem:s15], [sflag:$0x2] =	stream.indirect.gather [hbm4b:s4+s12], $0x80, s17, s12, $0xb8;
	[tilespmem:$0x1EF80] =	vst v63  }
0x44: {  	_ = 	snop  }
0x45: {  	[spmem:s2] =	stream.indirect.scatter.add.f32 [tilespmem:s13], [sflag:$0x3], $0x80, s18, s12, $0xb8;
	[tilespmem:$0x1EF80] =	vst v63  }
0x46: {  	_ =	swait.ge [sflag:s11], $0x3000  }
0x47: {  	[sflag:s11] =	ssyncset.done $0x0  }
0x48: {  	[sflag:s11] =	ssyncadd.s32 $0xFFFFD000  }
0x49: {  	_ =	swait.ge [sflag:s16], $0x3000  }
0x4a: {  	[sflag:s16] =	ssyncset.done $0x0  }
0x4b: {  	[sflag:s16] =	ssyncadd.s32 $0xFFFFD000  }
0x4c: {  	[spmem:s2] =	stream.indirect.scatter.add.f32 [tilespmem:s15], [sflag:$0x3], $0x80, s19, s12, $0xb8;
	[tilespmem:$0x1EF80] =	vst v63  }
0x4d: {  	_ =	swait.ge [sflag:s11], $0x3000  }
0x4e: {  	s20 =	sadd.s32 $0x1, s20;
	[sflag:s11] =	ssyncset.done $0x0  }
0x4f: {  	p0 =	sne.s32 s20, s9;
	[sflag:s11] =	ssyncadd.s32 $0xFFFFD000  }
.Ltmp1:
0x50: {  	[bflag:$0x0] =	sbarrier.arrive $0xFFFF;
	(pc) =	sbr.rel @p0 .LBB2_1-.Ltmp1, $4  }
0x51: {  	[hbm:s8], [sflag:s6] =	dma.local [spmem:s10], $0x2800  }
0x52: {  	_ =	swait.ge [sflag:s11], $0x2800  }
0x53: {  	[sflag:s11] =	ssyncset.done $0x0  }
0x54: {  	[sflag:s11] =	ssyncadd.s32 $0xFFFFD800  }
0x55: {  	_ =	sfence.sel $0x180000  }
0x56: {  	[bflag:$0x0] =	sbarrier.arrive $0xFFFF  }
0x57: {  	p0 =	sne.s32 s0, $0x0;
	_ =	strace $0x9000004D  }
0x58: {  	s0 =	sadd.s32 @!p0 $0x100000, s1;
	[bflag:$0x2] =	sbarrier.arrive $0xFFFF  }
0x59: {  	[sflag:s0] =	ssyncadd.tile.s32 @!p0 $0x1;
	_ =	shalt  }
.Lfunc_end2:
_tile_overlayer_lowered:
.L_overlay_start_2:
0x5a: {  	(tag) =	ssettag $0x2  }
0x5b: {  	s0 =	rddreg [dreg:$0x0];
	s2 =	stileid.u32  }
0x5c: {  	s1 =	rddreg [dreg:$0x1];
	p0 =	sne.s32 s2, $0x0  }
0x5d: {  	s3 =	rddreg [dreg:$0x2];
	[bflag:$0x3] =	sbarrier.arrive $0xFFFF;
	s2 =	simm.s32 @!p0 $0x1C03  }
0x5e: {  	[timem:s3], [sflag:s2] =	dma.local @!p0 [hbm:s0], s1  }
0x5f: {  	s0 =	simm.s32 @!p0 $0x3  }
0x60: {  	_ =	swait.ge @!p0 [sflag:s0], s1  }
0x61: {  	s1 =	ssub.s32 @!p0 $0x0, s1;
	[sflag:s0] =	ssyncset.done @!p0 $0x0  }
0x62: {  	[sflag:s0] =	ssyncadd.s32 @!p0 s1  }
0x63: {  	[bflag:$0x3] =	sbarrier.arrive $0xFFFF  }
0x64: {  	_ =	shalt  }

// kernel: kernel.8.cloned.1.call-start
scs
__scs_entry_jumppad:
0x0: {  	(pc) =	sbr.rel $0x88, $3  }
0x1: {  	(tag) =	ssettag $0x0;
	lr =	simm.s32 $0x1  }
0x2: {  	[smem:$0x3F95] =	sst lr;
	_ =	strace $0xD0000000  }
0x3: {  	_ = 	snop  }
0x4: {  	_ = 	snop  }
0x5: {  	_ = 	snop  }
0x6: {  	_ = 	snop  }
0x7: {  	_ = 	snop  }
__scs_overlays_trampoline_lowered:
0x8: {  	[smem:$0x3FA4] =	sst s0  }
0x9: {  	[smem:$0x3FA5] =	sst s1  }
0xa: {  	[smem:$0x3FA6] =	sst s2  }
0xb: {  	[smem:$0x3FA7] =	sst s3  }
0xc: {  	[smem:$0x3FA8] =	sst s4  }
0xd: {  	[smem:$0x3FA9] =	sst s5  }
0xe: {  	[smem:$0x3FAA] =	sst s6  }
0xf: {  	[smem:$0x3FAB] =	sst s7  }
0x10: {  	[smem:$0x3FAC] =	sst s8  }
0x11: {  	[smem:$0x3FAD] =	sst s9;
	s0 =	simm.s32 @!p0 $0x0  }
0x12: {  	s1 =	sld [smem:$0x3F93];
	s0 =	simm.s32 @p0 $0x1  }
0x13: {  	[smem:$0x3FAE] =	sst s0;
	s0 =	simm.s32 @!p1 $0x0  }
0x14: {  	s2 =	sld [smem:$0x3F92];
	s0 =	simm.s32 @p1 $0x1  }
0x15: {  	[smem:$0x3FAF] =	sst s0;
	s0 =	simm.s32 @!p2 $0x0  }
0x16: {  	s3 =	sld [smem:$0x3FDB];
	s0 =	simm.s32 @p2 $0x1  }
0x17: {  	s4 =	simm.s32 $0x1BF5;
	[smem:$0x3FB1] =	sst s0  }
0x18: {  	s0 =	sld [smem:$0x3F94];
	_ =	swait.ge [sflag:s4], $0x0  }
0x19: {  	s7 =	sld [smem:$0x3F95]  }
0x1a: {  	s8 =	sadd.s32 $0xFFFFE003, lr  }
0x1b: {  	s9 =	sadd.s32 $0xFFFFFEF7, lr;
	s5 =	simm.s32 $0xFFFFFFFF;
	p2 =	slt.u32 s8, $0xFFFFF086  }
0x1c: {  	p1 =	slt.u32 s9, $0xF7A;
	s5 =	simm.s32 @!p2 $0x0  }
0x1d: {  	s5 =	simm.s32 @p1 $0x1;
	p0 =	seq.s32 s7, s2  }
0x1e: {  	s7 =	smul.u32 @!p0 $0xF7A, s2;
	p2 =	seq.s32 @!p0 s5, $0x0  }
0x1f: {  	s9 =	smul.u32 $0xF7A, s1;
	s8 =	simm.s32 @!p0 $0x1BF5;
	p2 =	por !p2, p0  }
0x20: {  	[sflag:s8] =	ssyncset.s32 @!p0 $0xFFFFF086;
	s6 =	sadd.s32 @!p0 s3, s7;
	s7 =	simm.s32 @!p0 $0x108  }
0x21: {  	s3 =	sadd.s32 s3, s9;
	s6 =	sadd.s32 @!p0 $0x88, s6;
	s7 =	simm.s32 @p2 $0x1082  }
0x22: {  	[simem:s7], [sflag:s8] =	dma.local @!p0 [hbm:s6], $0xF7A  }
0x23: {  	s9 =	sor.u32 $0xD0000000, s2;
	s6 =	simm.s32 $0x108;
	_ =	swait.ge @!p0 [sflag:s8], $0x0  }
0x24: {  	s3 =	sadd.s32 $0x88, s3;
	s6 =	simm.s32 @!p1 $0x1082;
	[sflag:s4] =	ssyncset.s32 $0xFFFFF086  }
0x25: {  	[simem:s6], [sflag:s4] =	dma.local [hbm:s3], $0xF7A  }
0x26: {  	[smem:$0x3F95] =	sst s1;
	(tag) =	ssettag s2;
	_ =	strace s9  }
0x27: {  	s1 =	sld [smem:$0x3FA5]  }
0x28: {  	s2 =	sld [smem:$0x3FA6]  }
0x29: {  	s4 =	sld [smem:$0x3FA8]  }
0x2a: {  	p0 =	seq.s32 s5, $0x0;
	s5 =	sld [smem:$0x3FA9]  }
0x2b: {  	s6 =	sld [smem:$0x3FAA]  }
0x2c: {  	s7 =	sld [smem:$0x3FAB]  }
0x2d: {  	s3 =	simm.s32 $0x108;
	s8 =	sld [smem:$0x3FAC]  }
0x2e: {  	s3 =	simm.s32 @!p0 $0x1082;
	s9 =	sld [smem:$0x3FAD]  }
0x2f: {  	lr =	sadd.s32 s0, s3;
	s0 =	sld [smem:$0x3FA4]  }
0x30: {  	s3 =	sld [smem:$0x3FA7]  }
0x31: {  	[smem:$0x3FB0] =	sst s10  }
0x32: {  	s10 =	sld [smem:$0x3FAE];
	_ =	sdelay $0x3  }
0x33: {  	p0 =	seq.s32 s10, $0x1;
	s10 =	sld [smem:$0x3FB0];
	_ =	sdelay $0x3  }
0x34: {  	[smem:$0x3FB0] =	sst s10  }
0x35: {  	s10 =	sld [smem:$0x3FAF];
	_ =	sdelay $0x3  }
0x36: {  	p1 =	seq.s32 s10, $0x1;
	s10 =	sld [smem:$0x3FB0];
	_ =	sdelay $0x3  }
0x37: {  	[smem:$0x3FB0] =	sst s10  }
0x38: {  	s10 =	sld [smem:$0x3FB1]  }
0x39: {  	_ = 	snop;
	(pc) =	sbr.ind lr, $3  }
0x3a: {  	_ = 	snop  }
0x3b: {  	_ = 	snop  }
0x3c: {  	p2 =	seq.s32 s10, $0x1;
	s10 =	sld [smem:$0x3FB0]  }
0x3d: {  	_ =	shalt  }
0x3e: {  	_ =	shalt  }
0x3f: {  	_ =	shalt  }
0x40: {  	_ =	shalt  }
0x41: {  	_ =	shalt  }
0x42: {  	_ =	shalt  }
0x43: {  	_ =	shalt  }
0x44: {  	_ =	shalt  }
0x45: {  	_ =	shalt  }
0x46: {  	_ =	shalt  }
0x47: {  	_ =	shalt  }
0x48: {  	_ =	shalt  }
0x49: {  	_ =	shalt  }
0x4a: {  	_ =	shalt  }
0x4b: {  	_ =	shalt  }
0x4c: {  	_ =	shalt  }
0x4d: {  	_ =	shalt  }
0x4e: {  	_ =	shalt  }
0x4f: {  	_ =	shalt  }
0x50: {  	_ =	shalt  }
0x51: {  	_ =	shalt  }
0x52: {  	_ =	shalt  }
0x53: {  	_ =	shalt  }
0x54: {  	_ =	shalt  }
0x55: {  	_ =	shalt  }
0x56: {  	_ =	shalt  }
0x57: {  	_ =	shalt  }
0x58: {  	_ =	shalt  }
0x59: {  	_ =	shalt  }
0x5a: {  	_ =	shalt  }
0x5b: {  	_ =	shalt  }
0x5c: {  	_ =	shalt  }
0x5d: {  	_ =	shalt  }
0x5e: {  	_ =	shalt  }
0x5f: {  	_ =	shalt  }
0x60: {  	_ =	shalt  }
0x61: {  	_ =	shalt  }
0x62: {  	_ =	shalt  }
0x63: {  	_ =	shalt  }
0x64: {  	_ =	shalt  }
0x65: {  	_ =	shalt  }
0x66: {  	_ =	shalt  }
0x67: {  	_ =	shalt  }
0x68: {  	_ =	shalt  }
0x69: {  	_ =	shalt  }
0x6a: {  	_ =	shalt  }
0x6b: {  	_ =	shalt  }
0x6c: {  	_ =	shalt  }
0x6d: {  	_ =	shalt  }
0x6e: {  	_ =	shalt  }
0x6f: {  	_ =	shalt  }
0x70: {  	_ =	shalt  }
0x71: {  	_ =	shalt  }
0x72: {  	_ =	shalt  }
0x73: {  	_ =	shalt  }
0x74: {  	_ =	shalt  }
0x75: {  	_ =	shalt  }
0x76: {  	_ =	shalt  }
0x77: {  	_ =	shalt  }
0x78: {  	_ =	shalt  }
0x79: {  	_ =	shalt  }
0x7a: {  	_ =	shalt  }
0x7b: {  	_ =	shalt  }
0x7c: {  	_ =	shalt  }
0x7d: {  	_ =	shalt  }
0x7e: {  	_ =	shalt  }
0x7f: {  	_ =	shalt  }
0x80: {  	_ =	shalt  }
0x81: {  	_ =	shalt  }
0x82: {  	_ =	shalt  }
0x83: {  	_ =	shalt  }
0x84: {  	_ =	shalt  }
0x85: {  	_ =	shalt  }
0x86: {  	_ =	shalt  }
0x87: {  	_ =	shalt  }
.Lfunc_end0:
.L_simem_size_0:
called_computation_lowered:
.L_overlay_start_0:
0x88: {  	s2 =	sld [smem:$0x3FD9]  }
0x89: {  	s3 =	sld [smem:$0x3FFE];
	_ =	sdelay $0x1  }
0x8a: {  	s1 =	srdreg.scid  }
0x8b: {  	s0 =	sand.u32 $0x1, s1  }
0x8c: {  	s14 =	sshll.u32 s0, $0xA;
	s2 =	sadd.s32 s3, s2  }
0x8d: {  	s2 =	sadd.s32 s2, s14  }
0x8e: {  	[smem:$0x3FBC] =	sst s2  }
0x8f: {  	_ = 	snop  }
0x90: {  	s2 =	sld [smem:$0x3FD0];
	_ =	sdelay $0x2  }
0x91: {  	s15 =	simm.s32 $0xA;
	s4 =	simm.s32 $0x10  }
0x92: {  	[smem:s4], [sflag:s15] =	dma.local [hbm:s2], $0x1  }
0x93: {  	_ =	swait.eq [sflag:s15], $0x1  }
0x94: {  	[sflag:s15] =	ssyncset.done $0x0  }
0x95: {  	s16 =	sld [smem:$0x11];
	[sflag:s15] =	ssyncadd.s32 $0xFFFFFFFF  }
0x96: {  	s17 =	sld [smem:$0x12];
	(tm) =	ssettm $0x1  }
0x97: {  	s18 =	sld [smem:$0x3FFB];
	_ =	sdelay $0x3  }
0x98: {  	_ =	strace s18  }
0x99: {  	s4 =	sld [smem:$0x3FFC];
	_ =	sdelay $0x3  }
0x9a: {  	_ =	strace s4  }
0x9b: {  	s4 =	sld [smem:$0x3FFD];
	_ =	sdelay $0x3  }
0x9c: {  	_ =	strace s4  }
0x9d: {  	_ =	strace $0x8FFFFFFF  }
0x9e: {  	s19 =	sld [smem:$0x3FDB];
	_ =	sdelay $0x1  }
0x9f: {  	s5 =	simm.s32 $_scs_section_size  }
0xa0: {  	s6 =	simm.s32 $_size__tile_overlayer_lowered;
	s7 =	simm.s32 $_tile_overlayer_lowered  }
0xa1: {  	s22 =	simm.s32 $0x1BFF;
	s21 =	sshll.u32 s7, $0x1;
	s4 =	sadd.s32 s5, s19  }
0xa2: {  	s8 =	simm.s32 $0x0;
	s20 =	sshll.u32 s6, $0x1;
	s6 =	sadd.s32 s21, s4  }
0xa3: {  	[timem:s8], [sflag:s22] =	dma.local [hbm:s6], s20  }
0xa4: {  	_ =	swait.ge [sflag:s22], s20  }
0xa5: {  	s5 =	ssub.s32 $0x0, s20;
	[sflag:s22] =	ssyncset.done $0x0  }
0xa6: {  	[sflag:s22] =	ssyncadd.s32 s5;
	_ =	sdelay $0x1  }
0xa7: {  	s23 =	simm.s32 $0x1B8B  }
0xa8: {  	_ =	swait.ge [sflag:s23], $0x1  }
0xa9: {  	[sflag:s23] =	ssyncset.done $0x0  }
0xaa: {  	s25 =	simm.s32 $0x1B8E;
	s24 =	sld [smem:$0x3FFE];
	[sflag:s23] =	ssyncadd.s32 $0xFFFFFFFF  }
0xab: {  	s26 =	simm.s32 $execute0_lowered;
	[smem:$0x3FD2] =	sst s25  }
0xac: {  	s6 =	sshll.u32 s26, $0x1;
	_ =	strace $0x80000046;
	[dreg:$0x1] =	wrdreg $0xFFFFFFFF  }
0xad: {  	s28 =	simm.s32 $_size_execute0_lowered;
	s4 =	sadd.s32 s4, s6;
	[dreg:$0x0] =	wrdreg $0x0  }
0xae: {  	s6 =	sshll.u32 s28, $0x1;
	[dreg:$0x2] =	wrdreg s4  }
0xaf: {  	[dreg:$0x3] =	wrdreg s6  }
0xb0: {  	[dreg:$0x4] =	wrdreg $0xC0  }
0xb1: {  	_ =	task [dreg:s8], $0x5FFFF  }
0xb2: {  	[dreg:$0x1] =	wrdreg $0xFFFFFFFF  }
0xb3: {  	[dreg:$0x0] =	wrdreg $0x60  }
0xb4: {  	[dreg:$0x2] =	wrdreg s24  }
0xb5: {  	[dreg:$0x3] =	wrdreg s17  }
0xb6: {  	[dreg:$0x4] =	wrdreg s16  }
0xb7: {  	[dreg:$0x5] =	wrdreg $0xAFE00  }
0xb8: {  	[dreg:$0x6] =	wrdreg $0x1EFE00  }
0xb9: {  	[dreg:$0x7] =	wrdreg $0x9  }
0xba: {  	_ =	task.clear_ibuf [dreg:s8], $0x8FFFF;
	_ =	strace $0x90000046  }
0xbb: {  	s29 =	simm.s32 $0x9;
	_ =	strace $0x80000048  }
0xbc: {  	_ =	swait.ge [sflag:s29], $0x1  }
0xbd: {  	[sflag:s29] =	ssyncadd.s32 $0xFFFFFFFF  }
0xbe: {  	_ =	strace $0x90000048  }
0xbf: {  	_ =	sfence  }
0xc0: {  	s30 =	sld [smem:$0x0];
	_ =	sdelay $0x2  }
0xc1: {  	s31 =	sshll.u32 s1, $0xD;
	s1 =	sshrl.u32 s1, $0x2  }
0xc2: {  	s3 =	sand.u32 $0x4000, s31;
	s1 =	sadd.s32 s1, s30  }
0xc3: {  	s0 =	sor.u32 s3, s0;
	s1 =	sshll.u32 s1, $0x11  }
0xc4: {  	s0 =	sor.u32 s1, s0  }
0xc5: {  	s0 =	sadd.s32 $0x8F2B, s0  }
0xc6: {  	[sflag:s0] =	ssyncadd.remote.s32 $0x1  }
0xc7: {  	_ =	sfence.sel $0xFFFF  }
0xc8: {  	[dreg:$0x0] =	wrdreg $0xFFFFFFFF;
	(pc) =	sbr.abs _section_cstart, $3  }
0xc9: {  	[dreg:$0x1] =	wrdreg $0xFFFFFFFF  }
0xca: {  	_ =	task.clear_ibuf [dreg:s8], $0x2FFFF;
	_ =	strace $0x9FFFFFFF  }
0xcb: {  	(tm) =	ssettm $0x7FFFFFFF  }
tec
execute0_lowered:
.L_overlay_start_1:
0x0: {  	(tag) =	ssettag $0x1  }
0x1: {  	s8 =	rddreg [dreg:$0x0]  }
0x2: {  	s1 =	rddreg [dreg:$0x1]  }
0x3: {  	s2 =	srdreg.scid;
	s11 =	rddreg [dreg:$0x2]  }
0x4: {  	s0 =	stileid.u32;
	s3 =	rddreg [dreg:$0x3]  }
0x5: {  	s4 =	rddreg [dreg:$0x4];
	s5 =	simm.s32 $0x0;
	s18 =	simm.s32 $0x1  }
0x6: {  	s19 =	simm.s32 $0x7F80;
	s20 =	simm.s32 $0xAF80;
	s21 =	simm.s32 $0x2  }
0x7: {  	s22 =	simm.s32 $0x2760;
	s23 =	simm.s32 $0x4EC0;
	s24 =	simm.s32 $0x4F20  }
0x8: {  	s25 =	simm.s32 $0x0;
	s9 =	sand.u32 $0x1, s2;
	s10 =	smul.u32 $0x14000, s0  }
0x9: {  	s28 =	sshll.u32 s0, $0x1;
	[smem:$0x7FF] =	sst s5;
	s15 =	smul.u32 $0x280, s0  }
0xa: {  	s7 =	sadd.s32 $0x41000, s8;
	s30 =	sshll.u32 s0, $0x6;
	s12 =	smul.u32 $0x140000, s9  }
0xb: {  	s2 =	sor.u32 s9, s28;
	s14 =	ssub.s32 $0x2, s9;
	s9 =	smul.u32 $0x2800, s9  }
0xc: {  	s6 =	smul.u32 $0x9F0, s2;
	s2 =	rddreg [dreg:$0x5];
	_ =	strace $0x80000047  }
0xd: {  	s29 =	sshrl.u32 s14, $0x1;
	s16 =	sadd.s32 s10, s3;
	s17 =	sadd.s32 s15, s4  }
0xe: {  	s12 =	sadd.s32 s10, s12;
	s14 =	ssub.s32 s14, s29;
	s15 =	sadd.s32 s15, s9  }
0xf: {  	s13 =	sadd.s32 s6, s8;
	s6 =	sadd.s32 $0x19000, s8;
	s12 =	sshrl.u32 s12, $0x3  }
0x10: {  	s31 =	sshrl.u32 s15, $0x3;
	s15 =	sshrl.u32 s17, $0x3;
	s17 =	simm.s32 $0x4F80  }
0x11: {  	s12 =	sadd.s32 s12, s8;
	s8 =	sor.u32 $0x1C03, s30;
	s9 =	sadd.s32 $0x5200, s13  }
0x12: {  	s11 =	sadd.s32 s11, s31;
	s13 =	sshrl.u32 s16, $0x3;
	s16 =	simm.s32 $0x60  }
0x13: {  	v0 =	vimm.f32 $1.000000000e+00;
	s10 =	sadd.s32 $0x43800, s12;
	s12 =	smax.u32 s14, $0x1;
	s14 =	simm.s32 $0x3  }
.LBB2_1:
0x14: {  	[spmem:s13], [sflag:s8] =	dma.local [hbm:s7], $0x2800  }
0x15: {  	_ =	swait.ge [sflag:s14], $0x2800  }
0x16: {  	[sflag:s14] =	ssyncset.done $0x0  }
0x17: {  	[sflag:s14] =	ssyncadd.s32 $0xFFFFD800  }
0x18: {  	[spmem:s15], [sflag:s8] =	dma.local [hbm:s1], $0x50  }
0x19: {  	_ =	swait.ge [sflag:s14], $0x50  }
0x1a: {  	[sflag:s14] =	ssyncset.done $0x0  }
0x1b: {  	[sflag:s14] =	ssyncadd.s32 $0xFFFFFFB0  }
0x1c: {  	[tilespmem:$0xAF80] =	vst v0  }
0x1d: {  	[tilespmem:$0xAF90] =	vst v0  }
0x1e: {  	[tilespmem:$0xAFA0] =	vst v0  }
0x1f: {  	[tilespmem:$0xAFB0] =	vst v0  }
0x20: {  	[tilespmem:$0xAFC0] =	vst v0  }
0x21: {  	[tilespmem:$0xAFD0] =	vst v0  }
0x22: {  	[tilespmem:s5], [sflag:$0x3] =	stream.linear.gather [hbm4b:s9+s5], $0x4F80, $0x38;
	[tilespmem:$0x1F260] =	vst v63  }
0x23: {  	_ =	swait.ge [sflag:s14], $0x4F80  }
0x24: {  	[sflag:s14] =	ssyncset.done $0x0  }
0x25: {  	[sflag:s14] =	ssyncadd.s32 $0xFFFFB080  }
0x26: {  	[bflag:$0x0] =	sbarrier.arrive $0xFFFF  }
0x27: {  	[tilespmem:s17], [sflag:$0x1] =	stream.indirect.gather [hbm4b:s6+s16], $0x80, s5, s16, $0xb8;
	[tilespmem:$0x1F260] =	vst v63  }
0x28: {  	_ =	swait.ge [sflag:s18], $0x3000  }
0x29: {  	[sflag:s18] =	ssyncset.done $0x0  }
0x2a: {  	s26 =	simm.s32 $0x60;
	[sflag:s18] =	ssyncadd.s32 $0xFFFFD000  }
0x2b: {  	[tilespmem:s19], [sflag:$0x2] =	stream.indirect.gather [hbm4b:s6+s16], $0x80, s26, s16, $0xb8;
	[tilespmem:$0x1F260] =	vst v63  }
0x2c: {  	s29 =	simm.s32 $0x27C0  }
0x2d: {  	[spmem:s3] =	stream.indirect.scatter.add.f32 [tilespmem:s17], [sflag:$0x3], $0x80, s29, s16, $0xb8;
	[tilespmem:$0x1F260] =	vst v63  }
0x2e: {  	_ =	swait.ge [sflag:s14], $0x3000  }
0x2f: {  	[sflag:s14] =	ssyncset.done $0x0  }
0x30: {  	[sflag:s14] =	ssyncadd.s32 $0xFFFFD000  }
0x31: {  	[spmem:s4] =	stream.indirect.scatter.add.f32 [tilespmem:s20], [sflag:$0x3], $0x1, s29, s16, $0xb8;
	[tilespmem:$0x1F260] =	vst v63  }
0x32: {  	_ =	swait.ge [sflag:s14], $0x60  }
0x33: {  	[sflag:s14] =	ssyncset.done $0x0  }
0x34: {  	[sflag:s14] =	ssyncadd.s32 $0xFFFFFFA0  }
0x35: {  	_ =	swait.ge [sflag:s21], $0x3000  }
0x36: {  	[sflag:s21] =	ssyncset.done $0x0  }
0x37: {  	s30 =	simm.s32 $0xC0;
	[sflag:s21] =	ssyncadd.s32 $0xFFFFD000  }
0x38: {  	[tilespmem:s17], [sflag:$0x1] =	stream.indirect.gather [hbm4b:s6+s16], $0x80, s30, s16, $0xb8;
	[tilespmem:$0x1F260] =	vst v63  }
0x39: {  	s31 =	simm.s32 $0x2820  }
0x3a: {  	[spmem:s3] =	stream.indirect.scatter.add.f32 [tilespmem:s19], [sflag:$0x3], $0x80, s31, s16, $0xb8;
	[tilespmem:$0x1F260] =	vst v63  }
0x3b: {  	_ =	swait.ge [sflag:s14], $0x3000  }
0x3c: {  	[sflag:s14] =	ssyncset.done $0x0  }
0x3d: {  	[sflag:s14] =	ssyncadd.s32 $0xFFFFD000  }
0x3e: {  	[spmem:s4] =	stream.indirect.scatter.add.f32 [tilespmem:s20], [sflag:$0x3], $0x1, s31, s16, $0xb8;
	[tilespmem:$0x1F260] =	vst v63  }
0x3f: {  	_ =	swait.ge [sflag:s14], $0x60  }
0x40: {  	s26 =	simm.s32 $0x600;
	[sflag:s14] =	ssyncset.done $0x0  }
.LBB2_2:
0x41: {  	p0 =	sne.s32 s26, $0x9C00  }
0x42: {  	[sflag:s14] =	ssyncadd.s32 $0xFFFFFFA0;
	s28 =	smov.u32 s26;
	s26 =	sadd.s32 $0x300, s26  }
0x43: {  	_ =	swait.ge [sflag:s18], $0x3000  }
0x44: {  	s28 =	sshra.s32 s28, $0x2;
	[sflag:s18] =	ssyncset.done $0x0  }
0x45: {  	s29 =	sadd.s32 $0xFFFFFFA0, s28;
	[sflag:s18] =	ssyncadd.s32 $0xFFFFD000  }
0x46: {  	[tilespmem:s19], [sflag:$0x2] =	stream.indirect.gather [hbm4b:s6+s16], $0x80, s29, s16, $0xb8;
	[tilespmem:$0x1F260] =	vst v63  }
0x47: {  	s29 =	sadd.s32 $0x2700, s28  }
0x48: {  	[spmem:s3] =	stream.indirect.scatter.add.f32 [tilespmem:s17], [sflag:$0x3], $0x80, s29, s16, $0xb8;
	[tilespmem:$0x1F260] =	vst v63  }
0x49: {  	_ =	swait.ge [sflag:s14], $0x3000  }
0x4a: {  	[sflag:s14] =	ssyncset.done $0x0  }
0x4b: {  	[sflag:s14] =	ssyncadd.s32 $0xFFFFD000  }
0x4c: {  	[spmem:s4] =	stream.indirect.scatter.add.f32 [tilespmem:s20], [sflag:$0x3], $0x1, s29, s16, $0xb8;
	[tilespmem:$0x1F260] =	vst v63  }
0x4d: {  	_ =	swait.ge [sflag:s14], $0x60  }
0x4e: {  	[sflag:s14] =	ssyncset.done $0x0  }
0x4f: {  	[sflag:s14] =	ssyncadd.s32 $0xFFFFFFA0  }
0x50: {  	_ =	swait.ge [sflag:s21], $0x3000  }
0x51: {  	[sflag:s21] =	ssyncset.done $0x0  }
0x52: {  	[sflag:s21] =	ssyncadd.s32 $0xFFFFD000  }
0x53: {  	[tilespmem:s17], [sflag:$0x1] =	stream.indirect.gather [hbm4b:s6+s16], $0x80, s28, s16, $0xb8;
	[tilespmem:$0x1F260] =	vst v63  }
0x54: {  	s28 =	sadd.s32 $0x2760, s28  }
0x55: {  	[spmem:s3] =	stream.indirect.scatter.add.f32 [tilespmem:s19], [sflag:$0x3], $0x80, s28, s16, $0xb8;
	[tilespmem:$0x1F260] =	vst v63  }
0x56: {  	_ =	swait.ge [sflag:s14], $0x3000  }
.Ltmp0:
0x57: {  	[sflag:s14] =	ssyncset.done $0x0;
	(pc) =	sbr.rel @p0 .LBB2_2-.Ltmp0, $4  }
0x58: {  	[sflag:s14] =	ssyncadd.s32 $0xFFFFD000  }
0x59: {  	[spmem:s4] =	stream.indirect.scatter.add.f32 [tilespmem:s20], [sflag:$0x3], $0x1, s28, s16, $0xb8;
	[tilespmem:$0x1F260] =	vst v63  }
0x5a: {  	_ =	swait.ge [sflag:s14], $0x60  }
0x5b: {  	[sflag:s14] =	ssyncset.done $0x0  }
0x5c: {  	[sflag:s14] =	ssyncadd.s32 $0xFFFFFFA0  }
0x5d: {  	_ =	swait.ge [sflag:s18], $0x3000  }
0x5e: {  	[sflag:s18] =	ssyncset.done $0x0  }
0x5f: {  	[sflag:s18] =	ssyncadd.s32 $0xFFFFD000  }
0x60: {  	[tilespmem:s19], [sflag:$0x2] =	stream.indirect.gather [hbm4b:s6+s16], $0x80, s22, s16, $0xb8;
	[tilespmem:$0x1F260] =	vst v63  }
0x61: {  	_ = 	snop  }
0x62: {  	[spmem:s3] =	stream.indirect.scatter.add.f32 [tilespmem:s17], [sflag:$0x3], $0x80, s23, s16, $0xb8;
	[tilespmem:$0x1F260] =	vst v63  }
0x63: {  	_ =	swait.ge [sflag:s14], $0x3000  }
0x64: {  	[sflag:s14] =	ssyncset.done $0x0  }
0x65: {  	[sflag:s14] =	ssyncadd.s32 $0xFFFFD000  }
0x66: {  	[spmem:s4] =	stream.indirect.scatter.add.f32 [tilespmem:s20], [sflag:$0x3], $0x1, s23, s16, $0xb8;
	[tilespmem:$0x1F260] =	vst v63  }
0x67: {  	_ =	swait.ge [sflag:s14], $0x60  }
0x68: {  	[sflag:s14] =	ssyncset.done $0x0  }
0x69: {  	[sflag:s14] =	ssyncadd.s32 $0xFFFFFFA0  }
0x6a: {  	_ =	swait.ge [sflag:s21], $0x3000  }
0x6b: {  	[sflag:s21] =	ssyncset.done $0x0  }
0x6c: {  	[sflag:s21] =	ssyncadd.s32 $0xFFFFD000  }
0x6d: {  	[spmem:s3] =	stream.indirect.scatter.add.f32 [tilespmem:s19], [sflag:$0x3], $0x80, s24, s16, $0xb8;
	[tilespmem:$0x1F260] =	vst v63  }
0x6e: {  	_ =	swait.ge [sflag:s14], $0x3000  }
0x6f: {  	[sflag:s14] =	ssyncset.done $0x0  }
0x70: {  	[sflag:s14] =	ssyncadd.s32 $0xFFFFD000  }
0x71: {  	[spmem:s4] =	stream.indirect.scatter.add.f32 [tilespmem:s20], [sflag:$0x3], $0x1, s24, s16, $0xb8;
	[tilespmem:$0x1F260] =	vst v63  }
0x72: {  	_ =	swait.ge [sflag:s14], $0x60  }
0x73: {  	[sflag:s14] =	ssyncset.done $0x0  }
0x74: {  	[sflag:s14] =	ssyncadd.s32 $0xFFFFFFA0  }
0x75: {  	[bflag:$0x0] =	sbarrier.arrive $0xFFFF  }
0x76: {  	[hbm:s10], [sflag:s8] =	dma.local [spmem:s13], $0x2800  }
0x77: {  	s25 =	sadd.s32 $0x1, s25;
	_ =	swait.ge [sflag:s14], $0x2800  }
0x78: {  	p0 =	sne.s32 s25, s12;
	[sflag:s14] =	ssyncset.done $0x0  }
.Ltmp1:
0x79: {  	[sflag:s14] =	ssyncadd.s32 $0xFFFFD800;
	(pc) =	sbr.rel @p0 .LBB2_1-.Ltmp1, $4  }
0x7a: {  	[hbm:s11], [sflag:s8] =	dma.local [spmem:s15], $0x50  }
0x7b: {  	_ =	swait.ge [sflag:s14], $0x50  }
0x7c: {  	[sflag:s14] =	ssyncset.done $0x0  }
0x7d: {  	[sflag:s14] =	ssyncadd.s32 $0xFFFFFFB0  }
0x7e: {  	_ =	sfence.sel $0x180000  }
0x7f: {  	[bflag:$0x0] =	sbarrier.arrive $0xFFFF  }
0x80: {  	p0 =	sne.s32 s0, $0x0;
	_ =	strace $0x90000047  }
0x81: {  	s0 =	sadd.s32 @!p0 $0x100000, s2;
	[bflag:$0x2] =	sbarrier.arrive $0xFFFF  }
0x82: {  	[sflag:s0] =	ssyncadd.tile.s32 @!p0 $0x1;
	_ =	shalt  }
.Lfunc_end2:
_tile_overlayer_lowered:
.L_overlay_start_2:
0x83: {  	(tag) =	ssettag $0x2  }
0x84: {  	s0 =	rddreg [dreg:$0x0];
	s2 =	stileid.u32  }
0x85: {  	s1 =	rddreg [dreg:$0x1];
	p0 =	sne.s32 s2, $0x0  }
0x86: {  	s3 =	rddreg [dreg:$0x2];
	[bflag:$0x3] =	sbarrier.arrive $0xFFFF;
	s2 =	simm.s32 @!p0 $0x1C03  }
0x87: {  	[timem:s3], [sflag:s2] =	dma.local @!p0 [hbm:s0], s1  }
0x88: {  	s0 =	simm.s32 @!p0 $0x3  }
0x89: {  	_ =	swait.ge @!p0 [sflag:s0], s1  }
0x8a: {  	s1 =	ssub.s32 @!p0 $0x0, s1;
	[sflag:s0] =	ssyncset.done @!p0 $0x0  }
0x8b: {  	[sflag:s0] =	ssyncadd.s32 @!p0 s1  }
0x8c: {  	[bflag:$0x3] =	sbarrier.arrive $0xFFFF  }
0x8d: {  	_ =	shalt  }

</sc_bundles>
